<compile_context>
chip_gen: v7x
topology: tpu7x:2x2x1
jax: 0.10.2.dev20260603
libtpu: 0.0.44.dev20260713+nightly
codegen_flags: <defaults>
</compile_context>

<pallas_src>
import functools

import jax
import jax.numpy as jnp
from jax import lax
from jax.experimental import pallas as pl
from jax.experimental.pallas import tpu as pltpu
from jax.experimental.pallas import tpu_sc as plsc

N = 10000
E = 320000
D_IN = 128
D_HID = 128
D_OUT = 512

NC = 2
NS = 16
DH = 64
CH = 128
CPT = 160
NBUF = 4
EPT = CPT * CH
E_PAD = NS * EPT
CNTW = 8
N_PAD = 10240
RPT = N_PAD // NS


def _agg_body(with_counts, *refs):
    if with_counts:
        (src0_hbm, src1_hbm, dst_hbm, x2_hbm, ones_hbm, zeros_hbm,
         agg0_out, agg1_out, cnt_out) = refs[:9]
        scr = refs[9:]
    else:
        (src0_hbm, src1_hbm, dst_hbm, x2_hbm, agg0_out, agg1_out) = refs[:6]
        scr = refs[6:]
    src_v, dst_v = scr[0], scr[1]
    bufs = scr[2:2 + NBUF]
    scr = scr[2 + NBUF:]
    if with_counts:
        ones_v = scr[0]
        acc_s, cnt_s = scr[1], scr[2]
        scr = scr[3:]
    else:
        ones_v = cnt_s = None
        acc_s = scr[0]
        scr = scr[1:]
    gsems = scr[:NBUF]
    rows_v = bufs[0]

    c = lax.axis_index("c")
    s = lax.axis_index("s")
    row0 = s * RPT
    zero16 = jnp.zeros((16,), jnp.float32)

    def zrow(r, carry):
        for j in range(DH // 16):
            rows_v[r, pl.ds(j * 16, 16)] = zero16
        return carry
    lax.fori_loop(0, CH, zrow, 0)

    for k in range(RPT // CH):
        pltpu.sync_copy(rows_v, acc_s.at[pl.ds(row0 + k * CH, CH)])

    if with_counts:
        @pl.when(c == 0)
        def _():
            pltpu.sync_copy(zeros_hbm, ones_v)
            for k in range(RPT // CH):
                pltpu.sync_copy(ones_v, cnt_s.at[pl.ds(row0 + k * CH, CH)])
            pltpu.sync_copy(ones_hbm, ones_v)

    @pl.when(c == 0)
    def _():
        pltpu.sync_copy(src0_hbm.at[s], src_v)

    @pl.when(c == 1)
    def _():
        pltpu.sync_copy(src1_hbm.at[s], src_v)
    pltpu.sync_copy(dst_hbm.at[s], dst_v)

    plsc.subcore_barrier()

    def start_gather(i, buf, sem):
        pltpu.async_copy(x2_hbm.at[src_v.at[i]], buf, sem)

    def wait_gather(buf, sem):
        pltpu.make_async_copy(x2_hbm.at[src_v.at[0]], buf, sem).wait()

    def scatter(i, buf):
        pltpu.sync_copy(buf, acc_s.at[dst_v.at[i]], add=True)
        if with_counts:
            @pl.when(c == 0)
            def _():
                pltpu.sync_copy(ones_v, cnt_s.at[dst_v.at[i]], add=True)

    for k in range(NBUF):
        start_gather(k, bufs[k], gsems[k])

    def chunk_group(ig, carry):
        e = ig * NBUF
        for k in range(NBUF):
            wait_gather(bufs[k], gsems[k])
            scatter(e + k, bufs[k])
            start_gather(e + NBUF + k, bufs[k], gsems[k])
        return carry
    lax.fori_loop(0, CPT // NBUF - 1, chunk_group, 0)
    for k in range(NBUF):
        wait_gather(bufs[k], gsems[k])
        scatter(CPT - NBUF + k, bufs[k])

    plsc.subcore_barrier()

    @pl.when(c == 0)
    def _():
        pltpu.sync_copy(acc_s.at[pl.ds(row0, RPT)],
                        agg0_out.at[pl.ds(row0, RPT)])
        if with_counts:
            pltpu.sync_copy(cnt_s.at[pl.ds(row0, RPT)],
                            cnt_out.at[pl.ds(row0, RPT)])

    @pl.when(c == 1)
    def _():
        pltpu.sync_copy(acc_s.at[pl.ds(row0, RPT)],
                        agg1_out.at[pl.ds(row0, RPT)])


def _make_agg(with_counts):
    out_type = [jax.ShapeDtypeStruct((N_PAD, DH), jnp.float32),
                jax.ShapeDtypeStruct((N_PAD, DH), jnp.float32)]
    scratch = [
        pltpu.VMEM((CPT, CH), jnp.int32),
        pltpu.VMEM((CPT, CH), jnp.int32),
    ]
    scratch += [pltpu.VMEM((CH, DH), jnp.float32) for _ in range(NBUF)]
    if with_counts:
        out_type.append(jax.ShapeDtypeStruct((N_PAD, CNTW), jnp.float32))
        scratch.append(pltpu.VMEM((CH, CNTW), jnp.float32))
    scratch.append(pltpu.VMEM_SHARED((N_PAD, DH), jnp.float32))
    if with_counts:
        scratch.append(pltpu.VMEM_SHARED((N_PAD, CNTW), jnp.float32))
    scratch += [pltpu.SemaphoreType.DMA for _ in range(NBUF)]
    return pl.kernel(
        functools.partial(_agg_body, with_counts),
        out_type=out_type,
        mesh=plsc.VectorSubcoreMesh(core_axis_name="c", subcore_axis_name="s"),
        scratch_types=scratch,
        compiler_params=pltpu.CompilerParams(use_tc_tiling_on_sc=False),
    )


_agg_with_counts = _make_agg(True)
_agg_no_counts = _make_agg(False)


def _dense_body(act_tanh, a0_ref, a1_ref, c_ref, x_ref,
                wl_ref, bl_ref, wr_ref, o_ref):
    cnt = jnp.maximum(c_ref[:, 0:1], 1.0)
    inv = 1.0 / cnt
    acc = jnp.dot(a0_ref[...] * inv, wl_ref[0:DH, :],
                  preferred_element_type=jnp.float32)
    acc += jnp.dot(a1_ref[...] * inv, wl_ref[DH:2 * DH, :],
                   preferred_element_type=jnp.float32)
    acc += jnp.dot(x_ref[...], wr_ref[...],
                   preferred_element_type=jnp.float32)
    acc += bl_ref[...]
    if act_tanh:
        acc = jnp.tanh(acc)
    o_ref[...] = acc


def _dense(xx, a0, a1, cnt, Wl, bl, Wr, act_tanh, d_out):
    B = 1000
    out_shape = jax.ShapeDtypeStruct((N, d_out), jnp.float32)
    out_specs = pl.BlockSpec((B, d_out), lambda i: (i, 0))
    return pl.pallas_call(
        functools.partial(_dense_body, act_tanh),
        grid=(N // B,),
        in_specs=[
            pl.BlockSpec((B, DH), lambda i: (i, 0)),
            pl.BlockSpec((B, DH), lambda i: (i, 0)),
            pl.BlockSpec((B, CNTW), lambda i: (i, 0)),
            pl.BlockSpec((B, 2 * DH), lambda i: (i, 0)),
            pl.BlockSpec((2 * DH, d_out), lambda i: (0, 0)),
            pl.BlockSpec((1, d_out), lambda i: (0, 0)),
            pl.BlockSpec((2 * DH, d_out), lambda i: (0, 0)),
        ],
        out_specs=out_specs,
        out_shape=out_shape,
    )(a0, a1, cnt, xx, Wl, bl, Wr)


def kernel(x, label, edge_index, batch, W1l, b1l, W1r, W2l, b2l, W2r):
    x2 = x.reshape(2 * N, DH)
    src = edge_index[0]
    dst = edge_index[1]
    pad_e = E_PAD - E
    ppt = EPT - E // NS
    pad_idx = jnp.arange(NS * ppt, dtype=jnp.int32).reshape(NS, ppt)
    pad_src = pad_idx % N
    pad_dst = N + (pad_idx % (N_PAD - N))
    src3 = jnp.concatenate([src.reshape(NS, E // NS), pad_src],
                           axis=1).reshape(NS, CPT, CH)
    dst3 = jnp.concatenate([dst.reshape(NS, E // NS), pad_dst],
                           axis=1).reshape(NS, CPT, CH)
    ones_rows = jnp.ones((CH, CNTW), jnp.float32)
    zeros_rows = jnp.zeros((CH, CNTW), jnp.float32)

    src3_0 = src3 * 2
    src3_1 = src3 * 2 + 1
    agg1_lo, agg1_hi, cnt = _agg_with_counts(src3_0, src3_1, dst3, x2,
                                             ones_rows, zeros_rows)
    h = _dense(x, agg1_lo, agg1_hi, cnt,
               W1l, b1l.reshape(1, -1), W1r, True, D_HID)
    agg2_lo, agg2_hi = _agg_no_counts(src3_0, src3_1, dst3,
                                      h.reshape(2 * N, DH))
    return _dense(h, agg2_lo, agg2_hi, cnt,
                  W2l, b2l.reshape(1, -1), W2r, False, D_OUT)

# --- scband reference (transcript-rebuilt; emitter-appended) ---
"""Pipeline reference for scband-gnn-55654186221759 (READ-ONLY COPY).

The authoritative reference and input builder live on the scoring server;
editing this copy changes nothing except your own understanding.
"""

import jax, jax.numpy as jnp
import numpy as np

N = 10000
E = 320000
D_IN = 128
D_HID = 128
D_OUT = 512


def setup_inputs(seed: int = 0) -> dict:
    key = jax.random.key(seed)
    ks = jax.random.split(key, 8)
    x = jax.random.normal(ks[0], (N, D_IN), dtype=jnp.float32)
    label = jax.random.randint(ks[1], (N,), 0, 3, dtype=jnp.int32)
    edge_index = jax.random.randint(ks[2], (2, E), 0, N, dtype=jnp.int32)
    batch = jnp.zeros((N,), dtype=jnp.int32)
    # SAGEConv params (PyG-style): lin_l acts on aggregated neighbors (has bias),
    # lin_r acts on root nodes (no bias).
    W1l = jax.random.normal(ks[3], (D_IN, D_HID), dtype=jnp.float32) * 0.05
    b1l = jnp.zeros((D_HID,), dtype=jnp.float32)
    W1r = jax.random.normal(ks[4], (D_IN, D_HID), dtype=jnp.float32) * 0.05
    W2l = jax.random.normal(ks[5], (D_HID, D_OUT), dtype=jnp.float32) * 0.05
    b2l = jnp.zeros((D_OUT,), dtype=jnp.float32)
    W2r = jax.random.normal(ks[6], (D_HID, D_OUT), dtype=jnp.float32) * 0.05
    return {"x": x, "label": label, "edge_index": edge_index, "batch": batch,
            "W1l": W1l, "b1l": b1l, "W1r": W1r,
            "W2l": W2l, "b2l": b2l, "W2r": W2r}


def sage_conv(x, edge_index, Wl, bl, Wr):
    src = edge_index[0]
    dst = edge_index[1]
    msgs = x[src]  # gather
    agg = jax.ops.segment_sum(msgs, dst, num_segments=x.shape[0])
    cnt = jax.ops.segment_sum(jnp.ones((edge_index.shape[1],), dtype=x.dtype), dst, num_segments=x.shape[0])
    mean = agg / jnp.clip(cnt, 1.0)[:, None]
    return mean @ Wl + bl + x @ Wr


def reference(x, label, edge_index, batch, W1l, b1l, W1r, W2l, b2l, W2r):
    # label and batch are accepted by the original forward but unused
    h = sage_conv(x, edge_index, W1l, b1l, W1r)
    h = jnp.tanh(h)
    # F.dropout(p=0.5, training=self.training): identity in eval mode
    out = sage_conv(h, edge_index, W2l, b2l, W2r)
    return out

if __name__ == "__main__":
    import jax
    _d = setup_inputs()
    print(jax.jit(kernel)(*tuple(_d.values())))

</pallas_src>

<mosaic_0001>
#map = affine_map<(d0, d1) -> (0, 0, 0)>
#map1 = affine_map<(d0, d1) -> (0, 0)>
module attributes {stable_mosaic.version = 14 : i64} {
  func.func @_agg_body(%arg0: i32, %arg1: i32, %arg2: memref<16x160x128xi32, #tpu.memory_space<hbm>>, %arg3: memref<16x160x128xi32, #tpu.memory_space<hbm>>, %arg4: memref<16x160x128xi32, #tpu.memory_space<hbm>>, %arg5: memref<20000x64xf32, #tpu.memory_space<hbm>>, %arg6: memref<128x8xf32, #tpu.memory_space<hbm>>, %arg7: memref<128x8xf32, #tpu.memory_space<hbm>>, %arg8: memref<10240x64xf32, #tpu.memory_space<hbm>>, %arg9: memref<10240x64xf32, #tpu.memory_space<hbm>>, %arg10: memref<10240x8xf32, #tpu.memory_space<hbm>>, %arg11: memref<160x128xi32, #tpu.memory_space<vmem>>, %arg12: memref<160x128xi32, #tpu.memory_space<vmem>>, %arg13: memref<128x64xf32, #tpu.memory_space<vmem>>, %arg14: memref<128x64xf32, #tpu.memory_space<vmem>>, %arg15: memref<128x64xf32, #tpu.memory_space<vmem>>, %arg16: memref<128x64xf32, #tpu.memory_space<vmem>>, %arg17: memref<128x8xf32, #tpu.memory_space<vmem>>, %arg18: memref<10240x64xf32, #tpu.memory_space<vmem_shared>>, %arg19: memref<10240x8xf32, #tpu.memory_space<vmem_shared>>, %arg20: memref<!tpu.dma_semaphore, #tpu.memory_space<semaphore_mem>>, %arg21: memref<!tpu.dma_semaphore, #tpu.memory_space<semaphore_mem>>, %arg22: memref<!tpu.dma_semaphore, #tpu.memory_space<semaphore_mem>>, %arg23: memref<!tpu.dma_semaphore, #tpu.memory_space<semaphore_mem>>) attributes {dimension_semantics = [#tpu.dimension_semantics<core_parallel>, #tpu.dimension_semantics<subcore_parallel>], iteration_bounds = array<i64: 2, 16>, scalar_prefetch = 0 : i64, scratch_operands = 13 : i64, tpu.core_type = #tpu.core_type<sc_vector_subcore>, window_params = [{transform_indices = #map}, {transform_indices = #map}, {transform_indices = #map}, {transform_indices = #map1}, {transform_indices = #map1}, {transform_indices = #map1}, {transform_indices = #map1}, {transform_indices = #map1}, {transform_indices = #map1}]} {
    %mul3A = arith.constant 640 : i32
    %mul3A_0 = arith.muli %arg1, %mul3A : i32
    %broadcast_in_dim3A = arith.constant 0.000000e+00 : f32
    %broadcast_in_dim3A_1 = vector.broadcast %broadcast_in_dim3A : f32 to vector<16xf32>
    %scan3A = arith.constant 0 : i32
    %scan3A_2 = arith.constant 0 : i32
    %scan3A_3 = arith.constant 128 : i32
    %scan3A_4 = arith.addi %scan3A_2, %scan3A_3 : i32
    %scan3A_5 = arith.constant 1 : i32
    scf.for %scan3A_122 = %scan3A_2 to %scan3A_4 step %scan3A_5  : i32 {
      %swap3A = arith.index_cast %scan3A_122 : i32 to index
      %swap3A_123 = arith.constant 0 : index
      %swap3A_124 = tpu.vector_load %arg13[%swap3A, %swap3A_123] {strides = array<i32>} : memref<128x64xf32, #tpu.memory_space<vmem>>, vector<1x16xf32>,
      %swap3A_125 = vector.shape_cast %swap3A_124 : vector<1x16xf32> to vector<16xf32>
      %swap3A_126 = vector.shape_cast %broadcast_in_dim3A_1 : vector<16xf32> to vector<1x16xf32>
      tpu.vector_store %arg13[%swap3A, %swap3A_123], %swap3A_126 {strides = array<i32>} : memref<128x64xf32, #tpu.memory_space<vmem>>, vector<1x16xf32>,
      %swap3A_127 = arith.index_cast %scan3A_122 : i32 to index
      %swap3A_128 = arith.constant 16 : index
      %swap3A_129 = tpu.vector_load %arg13[%swap3A_127, %swap3A_128] {strides = array<i32>} : memref<128x64xf32, #tpu.memory_space<vmem>>, vector<1x16xf32>,
      %swap3A_130 = vector.shape_cast %swap3A_129 : vector<1x16xf32> to vector<16xf32>
      %swap3A_131 = vector.shape_cast %broadcast_in_dim3A_1 : vector<16xf32> to vector<1x16xf32>
      tpu.vector_store %arg13[%swap3A_127, %swap3A_128], %swap3A_131 {strides = array<i32>} : memref<128x64xf32, #tpu.memory_space<vmem>>, vector<1x16xf32>,
      %swap3A_132 = arith.index_cast %scan3A_122 : i32 to index
      %swap3A_133 = arith.constant 32 : index
      %swap3A_134 = tpu.vector_load %arg13[%swap3A_132, %swap3A_133] {strides = array<i32>} : memref<128x64xf32, #tpu.memory_space<vmem>>, vector<1x16xf32>,
      %swap3A_135 = vector.shape_cast %swap3A_134 : vector<1x16xf32> to vector<16xf32>
      %swap3A_136 = vector.shape_cast %broadcast_in_dim3A_1 : vector<16xf32> to vector<1x16xf32>
      tpu.vector_store %arg13[%swap3A_132, %swap3A_133], %swap3A_136 {strides = array<i32>} : memref<128x64xf32, #tpu.memory_space<vmem>>, vector<1x16xf32>,
      %swap3A_137 = arith.index_cast %scan3A_122 : i32 to index
      %swap3A_138 = arith.constant 48 : index
      %swap3A_139 = tpu.vector_load %arg13[%swap3A_137, %swap3A_138] {strides = array<i32>} : memref<128x64xf32, #tpu.memory_space<vmem>>, vector<1x16xf32>,
      %swap3A_140 = vector.shape_cast %swap3A_139 : vector<1x16xf32> to vector<16xf32>
      %swap3A_141 = vector.shape_cast %broadcast_in_dim3A_1 : vector<16xf32> to vector<1x16xf32>
      tpu.vector_store %arg13[%swap3A_137, %swap3A_138], %swap3A_141 {strides = array<i32>} : memref<128x64xf32, #tpu.memory_space<vmem>>, vector<1x16xf32>,
    }
    %scan3A_6 = arith.constant 128 : i32
    %add3A = arith.constant 0 : i32
    %add3A_7 = arith.addi %mul3A_0, %add3A : i32
    "tpu.region"() ({
      %run_scoped3A_122 = tpu.sem_alloc : memref<!tpu.dma_semaphore, #tpu.memory_space<semaphore_mem>>
      %dma_start3A_123 = arith.constant 0 : i32
      %dma_start3A_124 = tpu.memref_slice %arg18[%add3A_7, %dma_start3A_123] : memref<10240x64xf32, #tpu.memory_space<vmem_shared>> -> memref<128x64xf32, #tpu.memory_space<vmem_shared>>
      %dma_start3A_125 = arith.constant 0 : i32
      %dma_start3A_126 = tpu.memref_slice %arg18[%add3A_7, %dma_start3A_125] : memref<10240x64xf32, #tpu.memory_space<vmem_shared>> -> memref<128x64xf32, #tpu.memory_space<vmem_shared>>
      tpu.enqueue_dma source(%arg13 : memref<128x64xf32, #tpu.memory_space<vmem>>) target(%dma_start3A_126 : memref<128x64xf32, #tpu.memory_space<vmem_shared>>) target_semaphore(%run_scoped3A_122 : memref<!tpu.dma_semaphore, #tpu.memory_space<semaphore_mem>>)
      %dma_wait3A_127 = arith.constant 0 : i32
      %dma_wait3A_128 = tpu.memref_slice %arg18[%add3A_7, %dma_wait3A_127] : memref<10240x64xf32, #tpu.memory_space<vmem_shared>> -> memref<128x64xf32, #tpu.memory_space<vmem_shared>>
      %dma_wait3A_129 = arith.constant 0 : i32
      %dma_wait3A_130 = tpu.memref_slice %arg18[%add3A_7, %dma_wait3A_129] : memref<10240x64xf32, #tpu.memory_space<vmem_shared>> -> memref<128x64xf32, #tpu.memory_space<vmem_shared>>
      tpu.wait_dma2 semaphore(%run_scoped3A_122 : memref<!tpu.dma_semaphore, #tpu.memory_space<semaphore_mem>>) src(%arg13 : memref<128x64xf32, #tpu.memory_space<vmem>>) dst(%dma_wait3A_130 : memref<128x64xf32, #tpu.memory_space<vmem_shared>>)
      tpu.yield
    }) : () -> ()
    %add3A_8 = arith.constant 128 : i32
    %add3A_9 = arith.addi %mul3A_0, %add3A_8 : i32
    "tpu.region"() ({
      %run_scoped3A_122 = tpu.sem_alloc : memref<!tpu.dma_semaphore, #tpu.memory_space<semaphore_mem>>
      %dma_start3A_123 = arith.constant 0 : i32
      %dma_start3A_124 = tpu.memref_slice %arg18[%add3A_9, %dma_start3A_123] : memref<10240x64xf32, #tpu.memory_space<vmem_shared>> -> memref<128x64xf32, #tpu.memory_space<vmem_shared>>
      %dma_start3A_125 = arith.constant 0 : i32
      %dma_start3A_126 = tpu.memref_slice %arg18[%add3A_9, %dma_start3A_125] : memref<10240x64xf32, #tpu.memory_space<vmem_shared>> -> memref<128x64xf32, #tpu.memory_space<vmem_shared>>
      tpu.enqueue_dma source(%arg13 : memref<128x64xf32, #tpu.memory_space<vmem>>) target(%dma_start3A_126 : memref<128x64xf32, #tpu.memory_space<vmem_shared>>) target_semaphore(%run_scoped3A_122 : memref<!tpu.dma_semaphore, #tpu.memory_space<semaphore_mem>>)
      %dma_wait3A_127 = arith.constant 0 : i32
      %dma_wait3A_128 = tpu.memref_slice %arg18[%add3A_9, %dma_wait3A_127] : memref<10240x64xf32, #tpu.memory_space<vmem_shared>> -> memref<128x64xf32, #tpu.memory_space<vmem_shared>>
      %dma_wait3A_129 = arith.constant 0 : i32
      %dma_wait3A_130 = tpu.memref_slice %arg18[%add3A_9, %dma_wait3A_129] : memref<10240x64xf32, #tpu.memory_space<vmem_shared>> -> memref<128x64xf32, #tpu.memory_space<vmem_shared>>
      tpu.wait_dma2 semaphore(%run_scoped3A_122 : memref<!tpu.dma_semaphore, #tpu.memory_space<semaphore_mem>>) src(%arg13 : memref<128x64xf32, #tpu.memory_space<vmem>>) dst(%dma_wait3A_130 : memref<128x64xf32, #tpu.memory_space<vmem_shared>>)
      tpu.yield
    }) : () -> ()
    %add3A_10 = arith.constant 256 : i32
    %add3A_11 = arith.addi %mul3A_0, %add3A_10 : i32
    "tpu.region"() ({
      %run_scoped3A_122 = tpu.sem_alloc : memref<!tpu.dma_semaphore, #tpu.memory_space<semaphore_mem>>
      %dma_start3A_123 = arith.constant 0 : i32
      %dma_start3A_124 = tpu.memref_slice %arg18[%add3A_11, %dma_start3A_123] : memref<10240x64xf32, #tpu.memory_space<vmem_shared>> -> memref<128x64xf32, #tpu.memory_space<vmem_shared>>
      %dma_start3A_125 = arith.constant 0 : i32
      %dma_start3A_126 = tpu.memref_slice %arg18[%add3A_11, %dma_start3A_125] : memref<10240x64xf32, #tpu.memory_space<vmem_shared>> -> memref<128x64xf32, #tpu.memory_space<vmem_shared>>
      tpu.enqueue_dma source(%arg13 : memref<128x64xf32, #tpu.memory_space<vmem>>) target(%dma_start3A_126 : memref<128x64xf32, #tpu.memory_space<vmem_shared>>) target_semaphore(%run_scoped3A_122 : memref<!tpu.dma_semaphore, #tpu.memory_space<semaphore_mem>>)
      %dma_wait3A_127 = arith.constant 0 : i32
      %dma_wait3A_128 = tpu.memref_slice %arg18[%add3A_11, %dma_wait3A_127] : memref<10240x64xf32, #tpu.memory_space<vmem_shared>> -> memref<128x64xf32, #tpu.memory_space<vmem_shared>>
      %dma_wait3A_129 = arith.constant 0 : i32
      %dma_wait3A_130 = tpu.memref_slice %arg18[%add3A_11, %dma_wait3A_129] : memref<10240x64xf32, #tpu.memory_space<vmem_shared>> -> memref<128x64xf32, #tpu.memory_space<vmem_shared>>
      tpu.wait_dma2 semaphore(%run_scoped3A_122 : memref<!tpu.dma_semaphore, #tpu.memory_space<semaphore_mem>>) src(%arg13 : memref<128x64xf32, #tpu.memory_space<vmem>>) dst(%dma_wait3A_130 : memref<128x64xf32, #tpu.memory_space<vmem_shared>>)
      tpu.yield
    }) : () -> ()
    %add3A_12 = arith.constant 384 : i32
    %add3A_13 = arith.addi %mul3A_0, %add3A_12 : i32
    "tpu.region"() ({
      %run_scoped3A_122 = tpu.sem_alloc : memref<!tpu.dma_semaphore, #tpu.memory_space<semaphore_mem>>
      %dma_start3A_123 = arith.constant 0 : i32
      %dma_start3A_124 = tpu.memref_slice %arg18[%add3A_13, %dma_start3A_123] : memref<10240x64xf32, #tpu.memory_space<vmem_shared>> -> memref<128x64xf32, #tpu.memory_space<vmem_shared>>
      %dma_start3A_125 = arith.constant 0 : i32
      %dma_start3A_126 = tpu.memref_slice %arg18[%add3A_13, %dma_start3A_125] : memref<10240x64xf32, #tpu.memory_space<vmem_shared>> -> memref<128x64xf32, #tpu.memory_space<vmem_shared>>
      tpu.enqueue_dma source(%arg13 : memref<128x64xf32, #tpu.memory_space<vmem>>) target(%dma_start3A_126 : memref<128x64xf32, #tpu.memory_space<vmem_shared>>) target_semaphore(%run_scoped3A_122 : memref<!tpu.dma_semaphore, #tpu.memory_space<semaphore_mem>>)
      %dma_wait3A_127 = arith.constant 0 : i32
      %dma_wait3A_128 = tpu.memref_slice %arg18[%add3A_13, %dma_wait3A_127] : memref<10240x64xf32, #tpu.memory_space<vmem_shared>> -> memref<128x64xf32, #tpu.memory_space<vmem_shared>>
      %dma_wait3A_129 = arith.constant 0 : i32
      %dma_wait3A_130 = tpu.memref_slice %arg18[%add3A_13, %dma_wait3A_129] : memref<10240x64xf32, #tpu.memory_space<vmem_shared>> -> memref<128x64xf32, #tpu.memory_space<vmem_shared>>
      tpu.wait_dma2 semaphore(%run_scoped3A_122 : memref<!tpu.dma_semaphore, #tpu.memory_space<semaphore_mem>>) src(%arg13 : memref<128x64xf32, #tpu.memory_space<vmem>>) dst(%dma_wait3A_130 : memref<128x64xf32, #tpu.memory_space<vmem_shared>>)
      tpu.yield
    }) : () -> ()
    %add3A_14 = arith.constant 512 : i32
    %add3A_15 = arith.addi %mul3A_0, %add3A_14 : i32
    "tpu.region"() ({
      %run_scoped3A_122 = tpu.sem_alloc : memref<!tpu.dma_semaphore, #tpu.memory_space<semaphore_mem>>
      %dma_start3A_123 = arith.constant 0 : i32
      %dma_start3A_124 = tpu.memref_slice %arg18[%add3A_15, %dma_start3A_123] : memref<10240x64xf32, #tpu.memory_space<vmem_shared>> -> memref<128x64xf32, #tpu.memory_space<vmem_shared>>
      %dma_start3A_125 = arith.constant 0 : i32
      %dma_start3A_126 = tpu.memref_slice %arg18[%add3A_15, %dma_start3A_125] : memref<10240x64xf32, #tpu.memory_space<vmem_shared>> -> memref<128x64xf32, #tpu.memory_space<vmem_shared>>
      tpu.enqueue_dma source(%arg13 : memref<128x64xf32, #tpu.memory_space<vmem>>) target(%dma_start3A_126 : memref<128x64xf32, #tpu.memory_space<vmem_shared>>) target_semaphore(%run_scoped3A_122 : memref<!tpu.dma_semaphore, #tpu.memory_space<semaphore_mem>>)
      %dma_wait3A_127 = arith.constant 0 : i32
      %dma_wait3A_128 = tpu.memref_slice %arg18[%add3A_15, %dma_wait3A_127] : memref<10240x64xf32, #tpu.memory_space<vmem_shared>> -> memref<128x64xf32, #tpu.memory_space<vmem_shared>>
      %dma_wait3A_129 = arith.constant 0 : i32
      %dma_wait3A_130 = tpu.memref_slice %arg18[%add3A_15, %dma_wait3A_129] : memref<10240x64xf32, #tpu.memory_space<vmem_shared>> -> memref<128x64xf32, #tpu.memory_space<vmem_shared>>
      tpu.wait_dma2 semaphore(%run_scoped3A_122 : memref<!tpu.dma_semaphore, #tpu.memory_space<semaphore_mem>>) src(%arg13 : memref<128x64xf32, #tpu.memory_space<vmem>>) dst(%dma_wait3A_130 : memref<128x64xf32, #tpu.memory_space<vmem_shared>>)
      tpu.yield
    }) : () -> ()
    %eq3A = arith.constant 0 : i32
    %eq3A_16 = arith.cmpi eq, %arg0, %eq3A : i32
    %convert_element_type3A = arith.extui %eq3A_16 : i1 to i32
    %cond3A = arith.constant 0 : i32
    %cond3A_17 = arith.cmpi ne, %convert_element_type3A, %cond3A : i32
    scf.if %cond3A_17 {
      "tpu.region"() ({
        %run_scoped3A_132 = tpu.sem_alloc : memref<!tpu.dma_semaphore, #tpu.memory_space<semaphore_mem>>
        tpu.enqueue_dma source(%arg7 : memref<128x8xf32, #tpu.memory_space<hbm>>) target(%arg17 : memref<128x8xf32, #tpu.memory_space<vmem>>) target_semaphore(%run_scoped3A_132 : memref<!tpu.dma_semaphore, #tpu.memory_space<semaphore_mem>>)
        tpu.wait_dma2 semaphore(%run_scoped3A_132 : memref<!tpu.dma_semaphore, #tpu.memory_space<semaphore_mem>>) src(%arg7 : memref<128x8xf32, #tpu.memory_space<hbm>>) dst(%arg17 : memref<128x8xf32, #tpu.memory_space<vmem>>)
        tpu.yield
      }) : () -> ()
      %add3A_122 = arith.constant 0 : i32
      %add3A_123 = arith.addi %mul3A_0, %add3A_122 : i32
      "tpu.region"() ({
        %run_scoped3A_132 = tpu.sem_alloc : memref<!tpu.dma_semaphore, #tpu.memory_space<semaphore_mem>>
        %dma_start3A_133 = arith.constant 0 : i32
        %dma_start3A_134 = tpu.memref_slice %arg19[%add3A_123, %dma_start3A_133] : memref<10240x8xf32, #tpu.memory_space<vmem_shared>> -> memref<128x8xf32, #tpu.memory_space<vmem_shared>>
        %dma_start3A_135 = arith.constant 0 : i32
        %dma_start3A_136 = tpu.memref_slice %arg19[%add3A_123, %dma_start3A_135] : memref<10240x8xf32, #tpu.memory_space<vmem_shared>> -> memref<128x8xf32, #tpu.memory_space<vmem_shared>>
        tpu.enqueue_dma source(%arg17 : memref<128x8xf32, #tpu.memory_space<vmem>>) target(%dma_start3A_136 : memref<128x8xf32, #tpu.memory_space<vmem_shared>>) target_semaphore(%run_scoped3A_132 : memref<!tpu.dma_semaphore, #tpu.memory_space<semaphore_mem>>)
        %dma_wait3A_137 = arith.constant 0 : i32
        %dma_wait3A_138 = tpu.memref_slice %arg19[%add3A_123, %dma_wait3A_137] : memref<10240x8xf32, #tpu.memory_space<vmem_shared>> -> memref<128x8xf32, #tpu.memory_space<vmem_shared>>
        %dma_wait3A_139 = arith.constant 0 : i32
        %dma_wait3A_140 = tpu.memref_slice %arg19[%add3A_123, %dma_wait3A_139] : memref<10240x8xf32, #tpu.memory_space<vmem_shared>> -> memref<128x8xf32, #tpu.memory_space<vmem_shared>>
        tpu.wait_dma2 semaphore(%run_scoped3A_132 : memref<!tpu.dma_semaphore, #tpu.memory_space<semaphore_mem>>) src(%arg17 : memref<128x8xf32, #tpu.memory_space<vmem>>) dst(%dma_wait3A_140 : memref<128x8xf32, #tpu.memory_space<vmem_shared>>)
        tpu.yield
      }) : () -> ()
      %add3A_124 = arith.constant 128 : i32
      %add3A_125 = arith.addi %mul3A_0, %add3A_124 : i32
      "tpu.region"() ({
        %run_scoped3A_132 = tpu.sem_alloc : memref<!tpu.dma_semaphore, #tpu.memory_space<semaphore_mem>>
        %dma_start3A_133 = arith.constant 0 : i32
        %dma_start3A_134 = tpu.memref_slice %arg19[%add3A_125, %dma_start3A_133] : memref<10240x8xf32, #tpu.memory_space<vmem_shared>> -> memref<128x8xf32, #tpu.memory_space<vmem_shared>>
        %dma_start3A_135 = arith.constant 0 : i32
        %dma_start3A_136 = tpu.memref_slice %arg19[%add3A_125, %dma_start3A_135] : memref<10240x8xf32, #tpu.memory_space<vmem_shared>> -> memref<128x8xf32, #tpu.memory_space<vmem_shared>>
        tpu.enqueue_dma source(%arg17 : memref<128x8xf32, #tpu.memory_space<vmem>>) target(%dma_start3A_136 : memref<128x8xf32, #tpu.memory_space<vmem_shared>>) target_semaphore(%run_scoped3A_132 : memref<!tpu.dma_semaphore, #tpu.memory_space<semaphore_mem>>)
        %dma_wait3A_137 = arith.constant 0 : i32
        %dma_wait3A_138 = tpu.memref_slice %arg19[%add3A_125, %dma_wait3A_137] : memref<10240x8xf32, #tpu.memory_space<vmem_shared>> -> memref<128x8xf32, #tpu.memory_space<vmem_shared>>
        %dma_wait3A_139 = arith.constant 0 : i32
        %dma_wait3A_140 = tpu.memref_slice %arg19[%add3A_125, %dma_wait3A_139] : memref<10240x8xf32, #tpu.memory_space<vmem_shared>> -> memref<128x8xf32, #tpu.memory_space<vmem_shared>>
        tpu.wait_dma2 semaphore(%run_scoped3A_132 : memref<!tpu.dma_semaphore, #tpu.memory_space<semaphore_mem>>) src(%arg17 : memref<128x8xf32, #tpu.memory_space<vmem>>) dst(%dma_wait3A_140 : memref<128x8xf32, #tpu.memory_space<vmem_shared>>)
        tpu.yield
      }) : () -> ()
      %add3A_126 = arith.constant 256 : i32
      %add3A_127 = arith.addi %mul3A_0, %add3A_126 : i32
      "tpu.region"() ({
        %run_scoped3A_132 = tpu.sem_alloc : memref<!tpu.dma_semaphore, #tpu.memory_space<semaphore_mem>>
        %dma_start3A_133 = arith.constant 0 : i32
        %dma_start3A_134 = tpu.memref_slice %arg19[%add3A_127, %dma_start3A_133] : memref<10240x8xf32, #tpu.memory_space<vmem_shared>> -> memref<128x8xf32, #tpu.memory_space<vmem_shared>>
        %dma_start3A_135 = arith.constant 0 : i32
        %dma_start3A_136 = tpu.memref_slice %arg19[%add3A_127, %dma_start3A_135] : memref<10240x8xf32, #tpu.memory_space<vmem_shared>> -> memref<128x8xf32, #tpu.memory_space<vmem_shared>>
        tpu.enqueue_dma source(%arg17 : memref<128x8xf32, #tpu.memory_space<vmem>>) target(%dma_start3A_136 : memref<128x8xf32, #tpu.memory_space<vmem_shared>>) target_semaphore(%run_scoped3A_132 : memref<!tpu.dma_semaphore, #tpu.memory_space<semaphore_mem>>)
        %dma_wait3A_137 = arith.constant 0 : i32
        %dma_wait3A_138 = tpu.memref_slice %arg19[%add3A_127, %dma_wait3A_137] : memref<10240x8xf32, #tpu.memory_space<vmem_shared>> -> memref<128x8xf32, #tpu.memory_space<vmem_shared>>
        %dma_wait3A_139 = arith.constant 0 : i32
        %dma_wait3A_140 = tpu.memref_slice %arg19[%add3A_127, %dma_wait3A_139] : memref<10240x8xf32, #tpu.memory_space<vmem_shared>> -> memref<128x8xf32, #tpu.memory_space<vmem_shared>>
        tpu.wait_dma2 semaphore(%run_scoped3A_132 : memref<!tpu.dma_semaphore, #tpu.memory_space<semaphore_mem>>) src(%arg17 : memref<128x8xf32, #tpu.memory_space<vmem>>) dst(%dma_wait3A_140 : memref<128x8xf32, #tpu.memory_space<vmem_shared>>)
        tpu.yield
      }) : () -> ()
      %add3A_128 = arith.constant 384 : i32
      %add3A_129 = arith.addi %mul3A_0, %add3A_128 : i32
      "tpu.region"() ({
        %run_scoped3A_132 = tpu.sem_alloc : memref<!tpu.dma_semaphore, #tpu.memory_space<semaphore_mem>>
        %dma_start3A_133 = arith.constant 0 : i32
        %dma_start3A_134 = tpu.memref_slice %arg19[%add3A_129, %dma_start3A_133] : memref<10240x8xf32, #tpu.memory_space<vmem_shared>> -> memref<128x8xf32, #tpu.memory_space<vmem_shared>>
        %dma_start3A_135 = arith.constant 0 : i32
        %dma_start3A_136 = tpu.memref_slice %arg19[%add3A_129, %dma_start3A_135] : memref<10240x8xf32, #tpu.memory_space<vmem_shared>> -> memref<128x8xf32, #tpu.memory_space<vmem_shared>>
        tpu.enqueue_dma source(%arg17 : memref<128x8xf32, #tpu.memory_space<vmem>>) target(%dma_start3A_136 : memref<128x8xf32, #tpu.memory_space<vmem_shared>>) target_semaphore(%run_scoped3A_132 : memref<!tpu.dma_semaphore, #tpu.memory_space<semaphore_mem>>)
        %dma_wait3A_137 = arith.constant 0 : i32
        %dma_wait3A_138 = tpu.memref_slice %arg19[%add3A_129, %dma_wait3A_137] : memref<10240x8xf32, #tpu.memory_space<vmem_shared>> -> memref<128x8xf32, #tpu.memory_space<vmem_shared>>
        %dma_wait3A_139 = arith.constant 0 : i32
        %dma_wait3A_140 = tpu.memref_slice %arg19[%add3A_129, %dma_wait3A_139] : memref<10240x8xf32, #tpu.memory_space<vmem_shared>> -> memref<128x8xf32, #tpu.memory_space<vmem_shared>>
        tpu.wait_dma2 semaphore(%run_scoped3A_132 : memref<!tpu.dma_semaphore, #tpu.memory_space<semaphore_mem>>) src(%arg17 : memref<128x8xf32, #tpu.memory_space<vmem>>) dst(%dma_wait3A_140 : memref<128x8xf32, #tpu.memory_space<vmem_shared>>)
        tpu.yield
      }) : () -> ()
      %add3A_130 = arith.constant 512 : i32
      %add3A_131 = arith.addi %mul3A_0, %add3A_130 : i32
      "tpu.region"() ({
        %run_scoped3A_132 = tpu.sem_alloc : memref<!tpu.dma_semaphore, #tpu.memory_space<semaphore_mem>>
        %dma_start3A_133 = arith.constant 0 : i32
        %dma_start3A_134 = tpu.memref_slice %arg19[%add3A_131, %dma_start3A_133] : memref<10240x8xf32, #tpu.memory_space<vmem_shared>> -> memref<128x8xf32, #tpu.memory_space<vmem_shared>>
        %dma_start3A_135 = arith.constant 0 : i32
        %dma_start3A_136 = tpu.memref_slice %arg19[%add3A_131, %dma_start3A_135] : memref<10240x8xf32, #tpu.memory_space<vmem_shared>> -> memref<128x8xf32, #tpu.memory_space<vmem_shared>>
        tpu.enqueue_dma source(%arg17 : memref<128x8xf32, #tpu.memory_space<vmem>>) target(%dma_start3A_136 : memref<128x8xf32, #tpu.memory_space<vmem_shared>>) target_semaphore(%run_scoped3A_132 : memref<!tpu.dma_semaphore, #tpu.memory_space<semaphore_mem>>)
        %dma_wait3A_137 = arith.constant 0 : i32
        %dma_wait3A_138 = tpu.memref_slice %arg19[%add3A_131, %dma_wait3A_137] : memref<10240x8xf32, #tpu.memory_space<vmem_shared>> -> memref<128x8xf32, #tpu.memory_space<vmem_shared>>
        %dma_wait3A_139 = arith.constant 0 : i32
        %dma_wait3A_140 = tpu.memref_slice %arg19[%add3A_131, %dma_wait3A_139] : memref<10240x8xf32, #tpu.memory_space<vmem_shared>> -> memref<128x8xf32, #tpu.memory_space<vmem_shared>>
        tpu.wait_dma2 semaphore(%run_scoped3A_132 : memref<!tpu.dma_semaphore, #tpu.memory_space<semaphore_mem>>) src(%arg17 : memref<128x8xf32, #tpu.memory_space<vmem>>) dst(%dma_wait3A_140 : memref<128x8xf32, #tpu.memory_space<vmem_shared>>)
        tpu.yield
      }) : () -> ()
      "tpu.region"() ({
        %run_scoped3A_132 = tpu.sem_alloc : memref<!tpu.dma_semaphore, #tpu.memory_space<semaphore_mem>>
        tpu.enqueue_dma source(%arg6 : memref<128x8xf32, #tpu.memory_space<hbm>>) target(%arg17 : memref<128x8xf32, #tpu.memory_space<vmem>>) target_semaphore(%run_scoped3A_132 : memref<!tpu.dma_semaphore, #tpu.memory_space<semaphore_mem>>)
        tpu.wait_dma2 semaphore(%run_scoped3A_132 : memref<!tpu.dma_semaphore, #tpu.memory_space<semaphore_mem>>) src(%arg6 : memref<128x8xf32, #tpu.memory_space<hbm>>) dst(%arg17 : memref<128x8xf32, #tpu.memory_space<vmem>>)
        tpu.yield
      }) : () -> ()
    } else {
    }
    %eq3A_18 = arith.constant 0 : i32
    %eq3A_19 = arith.cmpi eq, %arg0, %eq3A_18 : i32
    %convert_element_type3A_20 = arith.extui %eq3A_19 : i1 to i32
    %cond3A_21 = arith.constant 0 : i32
    %cond3A_22 = arith.cmpi ne, %convert_element_type3A_20, %cond3A_21 : i32
    scf.if %cond3A_22 {
      "tpu.region"() ({
        %run_scoped3A_122 = tpu.sem_alloc : memref<!tpu.dma_semaphore, #tpu.memory_space<semaphore_mem>>
        %dma_start3A_123 = arith.constant 0 : i32
        %dma_start3A_124 = arith.constant 0 : i32
        %dma_start3A_125 = tpu.memref_slice %arg2[%arg1, %dma_start3A_123, %dma_start3A_124] : memref<16x160x128xi32, #tpu.memory_space<hbm>> -> memref<1x160x128xi32, #tpu.memory_space<hbm>>
        %dma_start3A_126 = tpu.memref_squeeze %dma_start3A_125 : memref<1x160x128xi32, #tpu.memory_space<hbm>> -> memref<160x128xi32, #tpu.memory_space<hbm>>
        %dma_start3A_127 = arith.constant 0 : i32
        %dma_start3A_128 = arith.constant 0 : i32
        %dma_start3A_129 = tpu.memref_slice %arg2[%arg1, %dma_start3A_127, %dma_start3A_128] : memref<16x160x128xi32, #tpu.memory_space<hbm>> -> memref<1x160x128xi32, #tpu.memory_space<hbm>>
        %dma_start3A_130 = tpu.memref_squeeze %dma_start3A_129 : memref<1x160x128xi32, #tpu.memory_space<hbm>> -> memref<160x128xi32, #tpu.memory_space<hbm>>
        tpu.enqueue_dma source(%dma_start3A_130 : memref<160x128xi32, #tpu.memory_space<hbm>>) target(%arg11 : memref<160x128xi32, #tpu.memory_space<vmem>>) target_semaphore(%run_scoped3A_122 : memref<!tpu.dma_semaphore, #tpu.memory_space<semaphore_mem>>)
        %dma_wait3A_131 = arith.constant 0 : i32
        %dma_wait3A_132 = arith.constant 0 : i32
        %dma_wait3A_133 = tpu.memref_slice %arg2[%arg1, %dma_wait3A_131, %dma_wait3A_132] : memref<16x160x128xi32, #tpu.memory_space<hbm>> -> memref<1x160x128xi32, #tpu.memory_space<hbm>>
        %dma_wait3A_134 = tpu.memref_squeeze %dma_wait3A_133 : memref<1x160x128xi32, #tpu.memory_space<hbm>> -> memref<160x128xi32, #tpu.memory_space<hbm>>
        %dma_wait3A_135 = arith.constant 0 : i32
        %dma_wait3A_136 = arith.constant 0 : i32
        %dma_wait3A_137 = tpu.memref_slice %arg2[%arg1, %dma_wait3A_135, %dma_wait3A_136] : memref<16x160x128xi32, #tpu.memory_space<hbm>> -> memref<1x160x128xi32, #tpu.memory_space<hbm>>
        %dma_wait3A_138 = tpu.memref_squeeze %dma_wait3A_137 : memref<1x160x128xi32, #tpu.memory_space<hbm>> -> memref<160x128xi32, #tpu.memory_space<hbm>>
        tpu.wait_dma2 semaphore(%run_scoped3A_122 : memref<!tpu.dma_semaphore, #tpu.memory_space<semaphore_mem>>) src(%dma_wait3A_138 : memref<160x128xi32, #tpu.memory_space<hbm>>) dst(%arg11 : memref<160x128xi32, #tpu.memory_space<vmem>>)
        tpu.yield
      }) : () -> ()
    } else {
    }
    %eq3A_23 = arith.constant 1 : i32
    %eq3A_24 = arith.cmpi eq, %arg0, %eq3A_23 : i32
    %convert_element_type3A_25 = arith.extui %eq3A_24 : i1 to i32
    %cond3A_26 = arith.constant 0 : i32
    %cond3A_27 = arith.cmpi ne, %convert_element_type3A_25, %cond3A_26 : i32
    scf.if %cond3A_27 {
      "tpu.region"() ({
        %run_scoped3A_122 = tpu.sem_alloc : memref<!tpu.dma_semaphore, #tpu.memory_space<semaphore_mem>>
        %dma_start3A_123 = arith.constant 0 : i32
        %dma_start3A_124 = arith.constant 0 : i32
        %dma_start3A_125 = tpu.memref_slice %arg3[%arg1, %dma_start3A_123, %dma_start3A_124] : memref<16x160x128xi32, #tpu.memory_space<hbm>> -> memref<1x160x128xi32, #tpu.memory_space<hbm>>
        %dma_start3A_126 = tpu.memref_squeeze %dma_start3A_125 : memref<1x160x128xi32, #tpu.memory_space<hbm>> -> memref<160x128xi32, #tpu.memory_space<hbm>>
        %dma_start3A_127 = arith.constant 0 : i32
        %dma_start3A_128 = arith.constant 0 : i32
        %dma_start3A_129 = tpu.memref_slice %arg3[%arg1, %dma_start3A_127, %dma_start3A_128] : memref<16x160x128xi32, #tpu.memory_space<hbm>> -> memref<1x160x128xi32, #tpu.memory_space<hbm>>
        %dma_start3A_130 = tpu.memref_squeeze %dma_start3A_129 : memref<1x160x128xi32, #tpu.memory_space<hbm>> -> memref<160x128xi32, #tpu.memory_space<hbm>>
        tpu.enqueue_dma source(%dma_start3A_130 : memref<160x128xi32, #tpu.memory_space<hbm>>) target(%arg11 : memref<160x128xi32, #tpu.memory_space<vmem>>) target_semaphore(%run_scoped3A_122 : memref<!tpu.dma_semaphore, #tpu.memory_space<semaphore_mem>>)
        %dma_wait3A_131 = arith.constant 0 : i32
        %dma_wait3A_132 = arith.constant 0 : i32
        %dma_wait3A_133 = tpu.memref_slice %arg3[%arg1, %dma_wait3A_131, %dma_wait3A_132] : memref<16x160x128xi32, #tpu.memory_space<hbm>> -> memref<1x160x128xi32, #tpu.memory_space<hbm>>
        %dma_wait3A_134 = tpu.memref_squeeze %dma_wait3A_133 : memref<1x160x128xi32, #tpu.memory_space<hbm>> -> memref<160x128xi32, #tpu.memory_space<hbm>>
        %dma_wait3A_135 = arith.constant 0 : i32
        %dma_wait3A_136 = arith.constant 0 : i32
        %dma_wait3A_137 = tpu.memref_slice %arg3[%arg1, %dma_wait3A_135, %dma_wait3A_136] : memref<16x160x128xi32, #tpu.memory_space<hbm>> -> memref<1x160x128xi32, #tpu.memory_space<hbm>>
        %dma_wait3A_138 = tpu.memref_squeeze %dma_wait3A_137 : memref<1x160x128xi32, #tpu.memory_space<hbm>> -> memref<160x128xi32, #tpu.memory_space<hbm>>
        tpu.wait_dma2 semaphore(%run_scoped3A_122 : memref<!tpu.dma_semaphore, #tpu.memory_space<semaphore_mem>>) src(%dma_wait3A_138 : memref<160x128xi32, #tpu.memory_space<hbm>>) dst(%arg11 : memref<160x128xi32, #tpu.memory_space<vmem>>)
        tpu.yield
      }) : () -> ()
    } else {
    }
    "tpu.region"() ({
      %run_scoped3A_122 = tpu.sem_alloc : memref<!tpu.dma_semaphore, #tpu.memory_space<semaphore_mem>>
      %dma_start3A_123 = arith.constant 0 : i32
      %dma_start3A_124 = arith.constant 0 : i32
      %dma_start3A_125 = tpu.memref_slice %arg4[%arg1, %dma_start3A_123, %dma_start3A_124] : memref<16x160x128xi32, #tpu.memory_space<hbm>> -> memref<1x160x128xi32, #tpu.memory_space<hbm>>
      %dma_start3A_126 = tpu.memref_squeeze %dma_start3A_125 : memref<1x160x128xi32, #tpu.memory_space<hbm>> -> memref<160x128xi32, #tpu.memory_space<hbm>>
      %dma_start3A_127 = arith.constant 0 : i32
      %dma_start3A_128 = arith.constant 0 : i32
      %dma_start3A_129 = tpu.memref_slice %arg4[%arg1, %dma_start3A_127, %dma_start3A_128] : memref<16x160x128xi32, #tpu.memory_space<hbm>> -> memref<1x160x128xi32, #tpu.memory_space<hbm>>
      %dma_start3A_130 = tpu.memref_squeeze %dma_start3A_129 : memref<1x160x128xi32, #tpu.memory_space<hbm>> -> memref<160x128xi32, #tpu.memory_space<hbm>>
      tpu.enqueue_dma source(%dma_start3A_130 : memref<160x128xi32, #tpu.memory_space<hbm>>) target(%arg12 : memref<160x128xi32, #tpu.memory_space<vmem>>) target_semaphore(%run_scoped3A_122 : memref<!tpu.dma_semaphore, #tpu.memory_space<semaphore_mem>>)
      %dma_wait3A_131 = arith.constant 0 : i32
      %dma_wait3A_132 = arith.constant 0 : i32
      %dma_wait3A_133 = tpu.memref_slice %arg4[%arg1, %dma_wait3A_131, %dma_wait3A_132] : memref<16x160x128xi32, #tpu.memory_space<hbm>> -> memref<1x160x128xi32, #tpu.memory_space<hbm>>
      %dma_wait3A_134 = tpu.memref_squeeze %dma_wait3A_133 : memref<1x160x128xi32, #tpu.memory_space<hbm>> -> memref<160x128xi32, #tpu.memory_space<hbm>>
      %dma_wait3A_135 = arith.constant 0 : i32
      %dma_wait3A_136 = arith.constant 0 : i32
      %dma_wait3A_137 = tpu.memref_slice %arg4[%arg1, %dma_wait3A_135, %dma_wait3A_136] : memref<16x160x128xi32, #tpu.memory_space<hbm>> -> memref<1x160x128xi32, #tpu.memory_space<hbm>>
      %dma_wait3A_138 = tpu.memref_squeeze %dma_wait3A_137 : memref<1x160x128xi32, #tpu.memory_space<hbm>> -> memref<160x128xi32, #tpu.memory_space<hbm>>
      tpu.wait_dma2 semaphore(%run_scoped3A_122 : memref<!tpu.dma_semaphore, #tpu.memory_space<semaphore_mem>>) src(%dma_wait3A_138 : memref<160x128xi32, #tpu.memory_space<hbm>>) dst(%arg12 : memref<160x128xi32, #tpu.memory_space<vmem>>)
      tpu.yield
    }) : () -> ()
    %barrier3A = arith.constant 0 : index
    tpu.barrier barrier_id(%barrier3A)
    %dma_start3A = arith.constant 0 : i32
    %dma_start3A_28 = arith.constant 0 : i32
    %dma_start3A_29 = tpu.memref_slice %arg11[%dma_start3A, %dma_start3A_28] : memref<160x128xi32, #tpu.memory_space<vmem>> -> memref<1x128xi32, #tpu.memory_space<vmem>>
    %dma_start3A_30 = tpu.memref_squeeze %dma_start3A_29 : memref<1x128xi32, #tpu.memory_space<vmem>> -> memref<128xi32, #tpu.memory_space<vmem>>
    %dma_start3A_31 = arith.constant 0 : i32
    %dma_start3A_32 = arith.constant 0 : i32
    %dma_start3A_33 = tpu.memref_slice %arg5[%dma_start3A_31, %dma_start3A_32] : memref<20000x64xf32, #tpu.memory_space<hbm>> -> memref<20000x64xf32, #tpu.memory_space<hbm>>
    tpu.enqueue_indirect_dma source(%dma_start3A_33 : memref<20000x64xf32, #tpu.memory_space<hbm>>) target(%arg13 : memref<128x64xf32, #tpu.memory_space<vmem>>) offsets(%dma_start3A_30 : memref<128xi32, #tpu.memory_space<vmem>>) semaphore(%arg20 : memref<!tpu.dma_semaphore, #tpu.memory_space<semaphore_mem>>)
    %dma_start3A_34 = arith.constant 1 : i32
    %dma_start3A_35 = arith.constant 0 : i32
    %dma_start3A_36 = tpu.memref_slice %arg11[%dma_start3A_34, %dma_start3A_35] : memref<160x128xi32, #tpu.memory_space<vmem>> -> memref<1x128xi32, #tpu.memory_space<vmem>>
    %dma_start3A_37 = tpu.memref_squeeze %dma_start3A_36 : memref<1x128xi32, #tpu.memory_space<vmem>> -> memref<128xi32, #tpu.memory_space<vmem>>
    %dma_start3A_38 = arith.constant 0 : i32
    %dma_start3A_39 = arith.constant 0 : i32
    %dma_start3A_40 = tpu.memref_slice %arg5[%dma_start3A_38, %dma_start3A_39] : memref<20000x64xf32, #tpu.memory_space<hbm>> -> memref<20000x64xf32, #tpu.memory_space<hbm>>
    tpu.enqueue_indirect_dma source(%dma_start3A_40 : memref<20000x64xf32, #tpu.memory_space<hbm>>) target(%arg14 : memref<128x64xf32, #tpu.memory_space<vmem>>) offsets(%dma_start3A_37 : memref<128xi32, #tpu.memory_space<vmem>>) semaphore(%arg21 : memref<!tpu.dma_semaphore, #tpu.memory_space<semaphore_mem>>)
    %dma_start3A_41 = arith.constant 2 : i32
    %dma_start3A_42 = arith.constant 0 : i32
    %dma_start3A_43 = tpu.memref_slice %arg11[%dma_start3A_41, %dma_start3A_42] : memref<160x128xi32, #tpu.memory_space<vmem>> -> memref<1x128xi32, #tpu.memory_space<vmem>>
    %dma_start3A_44 = tpu.memref_squeeze %dma_start3A_43 : memref<1x128xi32, #tpu.memory_space<vmem>> -> memref<128xi32, #tpu.memory_space<vmem>>
    %dma_start3A_45 = arith.constant 0 : i32
    %dma_start3A_46 = arith.constant 0 : i32
    %dma_start3A_47 = tpu.memref_slice %arg5[%dma_start3A_45, %dma_start3A_46] : memref<20000x64xf32, #tpu.memory_space<hbm>> -> memref<20000x64xf32, #tpu.memory_space<hbm>>
    tpu.enqueue_indirect_dma source(%dma_start3A_47 : memref<20000x64xf32, #tpu.memory_space<hbm>>) target(%arg15 : memref<128x64xf32, #tpu.memory_space<vmem>>) offsets(%dma_start3A_44 : memref<128xi32, #tpu.memory_space<vmem>>) semaphore(%arg22 : memref<!tpu.dma_semaphore, #tpu.memory_space<semaphore_mem>>)
    %dma_start3A_48 = arith.constant 3 : i32
    %dma_start3A_49 = arith.constant 0 : i32
    %dma_start3A_50 = tpu.memref_slice %arg11[%dma_start3A_48, %dma_start3A_49] : memref<160x128xi32, #tpu.memory_space<vmem>> -> memref<1x128xi32, #tpu.memory_space<vmem>>
    %dma_start3A_51 = tpu.memref_squeeze %dma_start3A_50 : memref<1x128xi32, #tpu.memory_space<vmem>> -> memref<128xi32, #tpu.memory_space<vmem>>
    %dma_start3A_52 = arith.constant 0 : i32
    %dma_start3A_53 = arith.constant 0 : i32
    %dma_start3A_54 = tpu.memref_slice %arg5[%dma_start3A_52, %dma_start3A_53] : memref<20000x64xf32, #tpu.memory_space<hbm>> -> memref<20000x64xf32, #tpu.memory_space<hbm>>
    tpu.enqueue_indirect_dma source(%dma_start3A_54 : memref<20000x64xf32, #tpu.memory_space<hbm>>) target(%arg16 : memref<128x64xf32, #tpu.memory_space<vmem>>) offsets(%dma_start3A_51 : memref<128xi32, #tpu.memory_space<vmem>>) semaphore(%arg23 : memref<!tpu.dma_semaphore, #tpu.memory_space<semaphore_mem>>)
    %scan3A_55 = arith.constant 0 : i32
    %scan3A_56 = arith.constant 0 : i32
    %scan3A_57 = arith.constant 39 : i32
    %scan3A_58 = arith.addi %scan3A_56, %scan3A_57 : i32
    %scan3A_59 = arith.constant 1 : i32
    scf.for %scan3A_122 = %scan3A_56 to %scan3A_58 step %scan3A_59  : i32 {
      %mul3A_123 = arith.constant 4 : i32
      %mul3A_124 = arith.muli %scan3A_122, %mul3A_123 : i32
      %dma_wait3A_125 = arith.constant 0 : i32
      %dma_wait3A_126 = arith.constant 0 : i32
      %dma_wait3A_127 = tpu.memref_slice %arg11[%dma_wait3A_125, %dma_wait3A_126] : memref<160x128xi32, #tpu.memory_space<vmem>> -> memref<1x128xi32, #tpu.memory_space<vmem>>
      %dma_wait3A_128 = tpu.memref_squeeze %dma_wait3A_127 : memref<1x128xi32, #tpu.memory_space<vmem>> -> memref<128xi32, #tpu.memory_space<vmem>>
      %dma_wait3A_129 = arith.constant 0 : i32
      %dma_wait3A_130 = arith.constant 0 : i32
      %dma_wait3A_131 = tpu.memref_slice %arg5[%dma_wait3A_129, %dma_wait3A_130] : memref<20000x64xf32, #tpu.memory_space<hbm>> -> memref<20000x64xf32, #tpu.memory_space<hbm>>
      tpu.wait_indirect_dma semaphore(%arg20 : memref<!tpu.dma_semaphore, #tpu.memory_space<semaphore_mem>>) src(%dma_wait3A_131 : memref<20000x64xf32, #tpu.memory_space<hbm>>) dst(%arg13 : memref<128x64xf32, #tpu.memory_space<vmem>>)
      %add3A_132 = arith.constant 0 : i32
      %add3A_133 = arith.addi %mul3A_124, %add3A_132 : i32
      "tpu.region"() ({
        %run_scoped3A_221 = tpu.sem_alloc : memref<!tpu.dma_semaphore, #tpu.memory_space<semaphore_mem>>
        %dma_start3A_222 = arith.constant 0 : i32
        %dma_start3A_223 = tpu.memref_slice %arg12[%add3A_133, %dma_start3A_222] : memref<160x128xi32, #tpu.memory_space<vmem>> -> memref<1x128xi32, #tpu.memory_space<vmem>>
        %dma_start3A_224 = tpu.memref_squeeze %dma_start3A_223 : memref<1x128xi32, #tpu.memory_space<vmem>> -> memref<128xi32, #tpu.memory_space<vmem>>
        %dma_start3A_225 = arith.constant 0 : i32
        %dma_start3A_226 = arith.constant 0 : i32
        %dma_start3A_227 = tpu.memref_slice %arg18[%dma_start3A_225, %dma_start3A_226] : memref<10240x64xf32, #tpu.memory_space<vmem_shared>> -> memref<10240x64xf32, #tpu.memory_space<vmem_shared>>
        tpu.enqueue_indirect_dma source(%arg13 : memref<128x64xf32, #tpu.memory_space<vmem>>) target(%dma_start3A_227 : memref<10240x64xf32, #tpu.memory_space<vmem_shared>>) offsets(%dma_start3A_224 : memref<128xi32, #tpu.memory_space<vmem>>) semaphore(%run_scoped3A_221 : memref<!tpu.dma_semaphore, #tpu.memory_space<semaphore_mem>>) {add = true}
        %dma_wait3A_228 = arith.constant 0 : i32
        %dma_wait3A_229 = tpu.memref_slice %arg12[%add3A_133, %dma_wait3A_228] : memref<160x128xi32, #tpu.memory_space<vmem>> -> memref<1x128xi32, #tpu.memory_space<vmem>>
        %dma_wait3A_230 = tpu.memref_squeeze %dma_wait3A_229 : memref<1x128xi32, #tpu.memory_space<vmem>> -> memref<128xi32, #tpu.memory_space<vmem>>
        %dma_wait3A_231 = arith.constant 0 : i32
        %dma_wait3A_232 = arith.constant 0 : i32
        %dma_wait3A_233 = tpu.memref_slice %arg18[%dma_wait3A_231, %dma_wait3A_232] : memref<10240x64xf32, #tpu.memory_space<vmem_shared>> -> memref<10240x64xf32, #tpu.memory_space<vmem_shared>>
        tpu.wait_indirect_dma semaphore(%run_scoped3A_221 : memref<!tpu.dma_semaphore, #tpu.memory_space<semaphore_mem>>) src(%arg13 : memref<128x64xf32, #tpu.memory_space<vmem>>) dst(%dma_wait3A_233 : memref<10240x64xf32, #tpu.memory_space<vmem_shared>>)
        tpu.yield
      }) : () -> ()
      %eq3A_134 = arith.constant 0 : i32
      %eq3A_135 = arith.cmpi eq, %arg0, %eq3A_134 : i32
      %convert_element_type3A_136 = arith.extui %eq3A_135 : i1 to i32
      %cond3A_137 = arith.constant 0 : i32
      %cond3A_138 = arith.cmpi ne, %convert_element_type3A_136, %cond3A_137 : i32
      scf.if %cond3A_138 {
        "tpu.region"() ({
          %run_scoped3A_221 = tpu.sem_alloc : memref<!tpu.dma_semaphore, #tpu.memory_space<semaphore_mem>>
          %dma_start3A_222 = arith.constant 0 : i32
          %dma_start3A_223 = tpu.memref_slice %arg12[%add3A_133, %dma_start3A_222] : memref<160x128xi32, #tpu.memory_space<vmem>> -> memref<1x128xi32, #tpu.memory_space<vmem>>
          %dma_start3A_224 = tpu.memref_squeeze %dma_start3A_223 : memref<1x128xi32, #tpu.memory_space<vmem>> -> memref<128xi32, #tpu.memory_space<vmem>>
          %dma_start3A_225 = arith.constant 0 : i32
          %dma_start3A_226 = arith.constant 0 : i32
          %dma_start3A_227 = tpu.memref_slice %arg19[%dma_start3A_225, %dma_start3A_226] : memref<10240x8xf32, #tpu.memory_space<vmem_shared>> -> memref<10240x8xf32, #tpu.memory_space<vmem_shared>>
          tpu.enqueue_indirect_dma source(%arg17 : memref<128x8xf32, #tpu.memory_space<vmem>>) target(%dma_start3A_227 : memref<10240x8xf32, #tpu.memory_space<vmem_shared>>) offsets(%dma_start3A_224 : memref<128xi32, #tpu.memory_space<vmem>>) semaphore(%run_scoped3A_221 : memref<!tpu.dma_semaphore, #tpu.memory_space<semaphore_mem>>) {add = true}
          %dma_wait3A_228 = arith.constant 0 : i32
          %dma_wait3A_229 = tpu.memref_slice %arg12[%add3A_133, %dma_wait3A_228] : memref<160x128xi32, #tpu.memory_space<vmem>> -> memref<1x128xi32, #tpu.memory_space<vmem>>
          %dma_wait3A_230 = tpu.memref_squeeze %dma_wait3A_229 : memref<1x128xi32, #tpu.memory_space<vmem>> -> memref<128xi32, #tpu.memory_space<vmem>>
          %dma_wait3A_231 = arith.constant 0 : i32
          %dma_wait3A_232 = arith.constant 0 : i32
          %dma_wait3A_233 = tpu.memref_slice %arg19[%dma_wait3A_231, %dma_wait3A_232] : memref<10240x8xf32, #tpu.memory_space<vmem_shared>> -> memref<10240x8xf32, #tpu.memory_space<vmem_shared>>
          tpu.wait_indirect_dma semaphore(%run_scoped3A_221 : memref<!tpu.dma_semaphore, #tpu.memory_space<semaphore_mem>>) src(%arg17 : memref<128x8xf32, #tpu.memory_space<vmem>>) dst(%dma_wait3A_233 : memref<10240x8xf32, #tpu.memory_space<vmem_shared>>)
          tpu.yield
        }) : () -> ()
      } else {
      }
      %add3A_139 = arith.constant 4 : i32
      %add3A_140 = arith.addi %mul3A_124, %add3A_139 : i32
      %add3A_141 = arith.constant 0 : i32
      %add3A_142 = arith.addi %add3A_140, %add3A_141 : i32
      %dma_start3A_143 = arith.constant 0 : i32
      %dma_start3A_144 = tpu.memref_slice %arg11[%add3A_142, %dma_start3A_143] : memref<160x128xi32, #tpu.memory_space<vmem>> -> memref<1x128xi32, #tpu.memory_space<vmem>>
      %dma_start3A_145 = tpu.memref_squeeze %dma_start3A_144 : memref<1x128xi32, #tpu.memory_space<vmem>> -> memref<128xi32, #tpu.memory_space<vmem>>
      %dma_start3A_146 = arith.constant 0 : i32
      %dma_start3A_147 = arith.constant 0 : i32
      %dma_start3A_148 = tpu.memref_slice %arg5[%dma_start3A_146, %dma_start3A_147] : memref<20000x64xf32, #tpu.memory_space<hbm>> -> memref<20000x64xf32, #tpu.memory_space<hbm>>
      tpu.enqueue_indirect_dma source(%dma_start3A_148 : memref<20000x64xf32, #tpu.memory_space<hbm>>) target(%arg13 : memref<128x64xf32, #tpu.memory_space<vmem>>) offsets(%dma_start3A_145 : memref<128xi32, #tpu.memory_space<vmem>>) semaphore(%arg20 : memref<!tpu.dma_semaphore, #tpu.memory_space<semaphore_mem>>)
      %dma_wait3A_149 = arith.constant 0 : i32
      %dma_wait3A_150 = arith.constant 0 : i32
      %dma_wait3A_151 = tpu.memref_slice %arg11[%dma_wait3A_149, %dma_wait3A_150] : memref<160x128xi32, #tpu.memory_space<vmem>> -> memref<1x128xi32, #tpu.memory_space<vmem>>
      %dma_wait3A_152 = tpu.memref_squeeze %dma_wait3A_151 : memref<1x128xi32, #tpu.memory_space<vmem>> -> memref<128xi32, #tpu.memory_space<vmem>>
      %dma_wait3A_153 = arith.constant 0 : i32
      %dma_wait3A_154 = arith.constant 0 : i32
      %dma_wait3A_155 = tpu.memref_slice %arg5[%dma_wait3A_153, %dma_wait3A_154] : memref<20000x64xf32, #tpu.memory_space<hbm>> -> memref<20000x64xf32, #tpu.memory_space<hbm>>
      tpu.wait_indirect_dma semaphore(%arg21 : memref<!tpu.dma_semaphore, #tpu.memory_space<semaphore_mem>>) src(%dma_wait3A_155 : memref<20000x64xf32, #tpu.memory_space<hbm>>) dst(%arg14 : memref<128x64xf32, #tpu.memory_space<vmem>>)
      %add3A_156 = arith.constant 1 : i32
      %add3A_157 = arith.addi %mul3A_124, %add3A_156 : i32
      "tpu.region"() ({
        %run_scoped3A_221 = tpu.sem_alloc : memref<!tpu.dma_semaphore, #tpu.memory_space<semaphore_mem>>
        %dma_start3A_222 = arith.constant 0 : i32
        %dma_start3A_223 = tpu.memref_slice %arg12[%add3A_157, %dma_start3A_222] : memref<160x128xi32, #tpu.memory_space<vmem>> -> memref<1x128xi32, #tpu.memory_space<vmem>>
        %dma_start3A_224 = tpu.memref_squeeze %dma_start3A_223 : memref<1x128xi32, #tpu.memory_space<vmem>> -> memref<128xi32, #tpu.memory_space<vmem>>
        %dma_start3A_225 = arith.constant 0 : i32
        %dma_start3A_226 = arith.constant 0 : i32
        %dma_start3A_227 = tpu.memref_slice %arg18[%dma_start3A_225, %dma_start3A_226] : memref<10240x64xf32, #tpu.memory_space<vmem_shared>> -> memref<10240x64xf32, #tpu.memory_space<vmem_shared>>
        tpu.enqueue_indirect_dma source(%arg14 : memref<128x64xf32, #tpu.memory_space<vmem>>) target(%dma_start3A_227 : memref<10240x64xf32, #tpu.memory_space<vmem_shared>>) offsets(%dma_start3A_224 : memref<128xi32, #tpu.memory_space<vmem>>) semaphore(%run_scoped3A_221 : memref<!tpu.dma_semaphore, #tpu.memory_space<semaphore_mem>>) {add = true}
        %dma_wait3A_228 = arith.constant 0 : i32
        %dma_wait3A_229 = tpu.memref_slice %arg12[%add3A_157, %dma_wait3A_228] : memref<160x128xi32, #tpu.memory_space<vmem>> -> memref<1x128xi32, #tpu.memory_space<vmem>>
        %dma_wait3A_230 = tpu.memref_squeeze %dma_wait3A_229 : memref<1x128xi32, #tpu.memory_space<vmem>> -> memref<128xi32, #tpu.memory_space<vmem>>
        %dma_wait3A_231 = arith.constant 0 : i32
        %dma_wait3A_232 = arith.constant 0 : i32
        %dma_wait3A_233 = tpu.memref_slice %arg18[%dma_wait3A_231, %dma_wait3A_232] : memref<10240x64xf32, #tpu.memory_space<vmem_shared>> -> memref<10240x64xf32, #tpu.memory_space<vmem_shared>>
        tpu.wait_indirect_dma semaphore(%run_scoped3A_221 : memref<!tpu.dma_semaphore, #tpu.memory_space<semaphore_mem>>) src(%arg14 : memref<128x64xf32, #tpu.memory_space<vmem>>) dst(%dma_wait3A_233 : memref<10240x64xf32, #tpu.memory_space<vmem_shared>>)
        tpu.yield
      }) : () -> ()
      %eq3A_158 = arith.constant 0 : i32
      %eq3A_159 = arith.cmpi eq, %arg0, %eq3A_158 : i32
      %convert_element_type3A_160 = arith.extui %eq3A_159 : i1 to i32
      %cond3A_161 = arith.constant 0 : i32
      %cond3A_162 = arith.cmpi ne, %convert_element_type3A_160, %cond3A_161 : i32
      scf.if %cond3A_162 {
        "tpu.region"() ({
          %run_scoped3A_221 = tpu.sem_alloc : memref<!tpu.dma_semaphore, #tpu.memory_space<semaphore_mem>>
          %dma_start3A_222 = arith.constant 0 : i32
          %dma_start3A_223 = tpu.memref_slice %arg12[%add3A_157, %dma_start3A_222] : memref<160x128xi32, #tpu.memory_space<vmem>> -> memref<1x128xi32, #tpu.memory_space<vmem>>
          %dma_start3A_224 = tpu.memref_squeeze %dma_start3A_223 : memref<1x128xi32, #tpu.memory_space<vmem>> -> memref<128xi32, #tpu.memory_space<vmem>>
          %dma_start3A_225 = arith.constant 0 : i32
          %dma_start3A_226 = arith.constant 0 : i32
          %dma_start3A_227 = tpu.memref_slice %arg19[%dma_start3A_225, %dma_start3A_226] : memref<10240x8xf32, #tpu.memory_space<vmem_shared>> -> memref<10240x8xf32, #tpu.memory_space<vmem_shared>>
          tpu.enqueue_indirect_dma source(%arg17 : memref<128x8xf32, #tpu.memory_space<vmem>>) target(%dma_start3A_227 : memref<10240x8xf32, #tpu.memory_space<vmem_shared>>) offsets(%dma_start3A_224 : memref<128xi32, #tpu.memory_space<vmem>>) semaphore(%run_scoped3A_221 : memref<!tpu.dma_semaphore, #tpu.memory_space<semaphore_mem>>) {add = true}
          %dma_wait3A_228 = arith.constant 0 : i32
          %dma_wait3A_229 = tpu.memref_slice %arg12[%add3A_157, %dma_wait3A_228] : memref<160x128xi32, #tpu.memory_space<vmem>> -> memref<1x128xi32, #tpu.memory_space<vmem>>
          %dma_wait3A_230 = tpu.memref_squeeze %dma_wait3A_229 : memref<1x128xi32, #tpu.memory_space<vmem>> -> memref<128xi32, #tpu.memory_space<vmem>>
          %dma_wait3A_231 = arith.constant 0 : i32
          %dma_wait3A_232 = arith.constant 0 : i32
          %dma_wait3A_233 = tpu.memref_slice %arg19[%dma_wait3A_231, %dma_wait3A_232] : memref<10240x8xf32, #tpu.memory_space<vmem_shared>> -> memref<10240x8xf32, #tpu.memory_space<vmem_shared>>
          tpu.wait_indirect_dma semaphore(%run_scoped3A_221 : memref<!tpu.dma_semaphore, #tpu.memory_space<semaphore_mem>>) src(%arg17 : memref<128x8xf32, #tpu.memory_space<vmem>>) dst(%dma_wait3A_233 : memref<10240x8xf32, #tpu.memory_space<vmem_shared>>)
          tpu.yield
        }) : () -> ()
      } else {
      }
      %add3A_163 = arith.constant 4 : i32
      %add3A_164 = arith.addi %mul3A_124, %add3A_163 : i32
      %add3A_165 = arith.constant 1 : i32
      %add3A_166 = arith.addi %add3A_164, %add3A_165 : i32
      %dma_start3A_167 = arith.constant 0 : i32
      %dma_start3A_168 = tpu.memref_slice %arg11[%add3A_166, %dma_start3A_167] : memref<160x128xi32, #tpu.memory_space<vmem>> -> memref<1x128xi32, #tpu.memory_space<vmem>>
      %dma_start3A_169 = tpu.memref_squeeze %dma_start3A_168 : memref<1x128xi32, #tpu.memory_space<vmem>> -> memref<128xi32, #tpu.memory_space<vmem>>
      %dma_start3A_170 = arith.constant 0 : i32
      %dma_start3A_171 = arith.constant 0 : i32
      %dma_start3A_172 = tpu.memref_slice %arg5[%dma_start3A_170, %dma_start3A_171] : memref<20000x64xf32, #tpu.memory_space<hbm>> -> memref<20000x64xf32, #tpu.memory_space<hbm>>
      tpu.enqueue_indirect_dma source(%dma_start3A_172 : memref<20000x64xf32, #tpu.memory_space<hbm>>) target(%arg14 : memref<128x64xf32, #tpu.memory_space<vmem>>) offsets(%dma_start3A_169 : memref<128xi32, #tpu.memory_space<vmem>>) semaphore(%arg21 : memref<!tpu.dma_semaphore, #tpu.memory_space<semaphore_mem>>)
      %dma_wait3A_173 = arith.constant 0 : i32
      %dma_wait3A_174 = arith.constant 0 : i32
      %dma_wait3A_175 = tpu.memref_slice %arg11[%dma_wait3A_173, %dma_wait3A_174] : memref<160x128xi32, #tpu.memory_space<vmem>> -> memref<1x128xi32, #tpu.memory_space<vmem>>
      %dma_wait3A_176 = tpu.memref_squeeze %dma_wait3A_175 : memref<1x128xi32, #tpu.memory_space<vmem>> -> memref<128xi32, #tpu.memory_space<vmem>>
      %dma_wait3A_177 = arith.constant 0 : i32
      %dma_wait3A_178 = arith.constant 0 : i32
      %dma_wait3A_179 = tpu.memref_slice %arg5[%dma_wait3A_177, %dma_wait3A_178] : memref<20000x64xf32, #tpu.memory_space<hbm>> -> memref<20000x64xf32, #tpu.memory_space<hbm>>
      tpu.wait_indirect_dma semaphore(%arg22 : memref<!tpu.dma_semaphore, #tpu.memory_space<semaphore_mem>>) src(%dma_wait3A_179 : memref<20000x64xf32, #tpu.memory_space<hbm>>) dst(%arg15 : memref<128x64xf32, #tpu.memory_space<vmem>>)
      %add3A_180 = arith.constant 2 : i32
      %add3A_181 = arith.addi %mul3A_124, %add3A_180 : i32
      "tpu.region"() ({
        %run_scoped3A_221 = tpu.sem_alloc : memref<!tpu.dma_semaphore, #tpu.memory_space<semaphore_mem>>
        %dma_start3A_222 = arith.constant 0 : i32
        %dma_start3A_223 = tpu.memref_slice %arg12[%add3A_181, %dma_start3A_222] : memref<160x128xi32, #tpu.memory_space<vmem>> -> memref<1x128xi32, #tpu.memory_space<vmem>>
        %dma_start3A_224 = tpu.memref_squeeze %dma_start3A_223 : memref<1x128xi32, #tpu.memory_space<vmem>> -> memref<128xi32, #tpu.memory_space<vmem>>
        %dma_start3A_225 = arith.constant 0 : i32
        %dma_start3A_226 = arith.constant 0 : i32
        %dma_start3A_227 = tpu.memref_slice %arg18[%dma_start3A_225, %dma_start3A_226] : memref<10240x64xf32, #tpu.memory_space<vmem_shared>> -> memref<10240x64xf32, #tpu.memory_space<vmem_shared>>
        tpu.enqueue_indirect_dma source(%arg15 : memref<128x64xf32, #tpu.memory_space<vmem>>) target(%dma_start3A_227 : memref<10240x64xf32, #tpu.memory_space<vmem_shared>>) offsets(%dma_start3A_224 : memref<128xi32, #tpu.memory_space<vmem>>) semaphore(%run_scoped3A_221 : memref<!tpu.dma_semaphore, #tpu.memory_space<semaphore_mem>>) {add = true}
        %dma_wait3A_228 = arith.constant 0 : i32
        %dma_wait3A_229 = tpu.memref_slice %arg12[%add3A_181, %dma_wait3A_228] : memref<160x128xi32, #tpu.memory_space<vmem>> -> memref<1x128xi32, #tpu.memory_space<vmem>>
        %dma_wait3A_230 = tpu.memref_squeeze %dma_wait3A_229 : memref<1x128xi32, #tpu.memory_space<vmem>> -> memref<128xi32, #tpu.memory_space<vmem>>
        %dma_wait3A_231 = arith.constant 0 : i32
        %dma_wait3A_232 = arith.constant 0 : i32
        %dma_wait3A_233 = tpu.memref_slice %arg18[%dma_wait3A_231, %dma_wait3A_232] : memref<10240x64xf32, #tpu.memory_space<vmem_shared>> -> memref<10240x64xf32, #tpu.memory_space<vmem_shared>>
        tpu.wait_indirect_dma semaphore(%run_scoped3A_221 : memref<!tpu.dma_semaphore, #tpu.memory_space<semaphore_mem>>) src(%arg15 : memref<128x64xf32, #tpu.memory_space<vmem>>) dst(%dma_wait3A_233 : memref<10240x64xf32, #tpu.memory_space<vmem_shared>>)
        tpu.yield
      }) : () -> ()
      %eq3A_182 = arith.constant 0 : i32
      %eq3A_183 = arith.cmpi eq, %arg0, %eq3A_182 : i32
      %convert_element_type3A_184 = arith.extui %eq3A_183 : i1 to i32
      %cond3A_185 = arith.constant 0 : i32
      %cond3A_186 = arith.cmpi ne, %convert_element_type3A_184, %cond3A_185 : i32
      scf.if %cond3A_186 {
        "tpu.region"() ({
          %run_scoped3A_221 = tpu.sem_alloc : memref<!tpu.dma_semaphore, #tpu.memory_space<semaphore_mem>>
          %dma_start3A_222 = arith.constant 0 : i32
          %dma_start3A_223 = tpu.memref_slice %arg12[%add3A_181, %dma_start3A_222] : memref<160x128xi32, #tpu.memory_space<vmem>> -> memref<1x128xi32, #tpu.memory_space<vmem>>
          %dma_start3A_224 = tpu.memref_squeeze %dma_start3A_223 : memref<1x128xi32, #tpu.memory_space<vmem>> -> memref<128xi32, #tpu.memory_space<vmem>>
          %dma_start3A_225 = arith.constant 0 : i32
          %dma_start3A_226 = arith.constant 0 : i32
          %dma_start3A_227 = tpu.memref_slice %arg19[%dma_start3A_225, %dma_start3A_226] : memref<10240x8xf32, #tpu.memory_space<vmem_shared>> -> memref<10240x8xf32, #tpu.memory_space<vmem_shared>>
          tpu.enqueue_indirect_dma source(%arg17 : memref<128x8xf32, #tpu.memory_space<vmem>>) target(%dma_start3A_227 : memref<10240x8xf32, #tpu.memory_space<vmem_shared>>) offsets(%dma_start3A_224 : memref<128xi32, #tpu.memory_space<vmem>>) semaphore(%run_scoped3A_221 : memref<!tpu.dma_semaphore, #tpu.memory_space<semaphore_mem>>) {add = true}
          %dma_wait3A_228 = arith.constant 0 : i32
          %dma_wait3A_229 = tpu.memref_slice %arg12[%add3A_181, %dma_wait3A_228] : memref<160x128xi32, #tpu.memory_space<vmem>> -> memref<1x128xi32, #tpu.memory_space<vmem>>
          %dma_wait3A_230 = tpu.memref_squeeze %dma_wait3A_229 : memref<1x128xi32, #tpu.memory_space<vmem>> -> memref<128xi32, #tpu.memory_space<vmem>>
          %dma_wait3A_231 = arith.constant 0 : i32
          %dma_wait3A_232 = arith.constant 0 : i32
          %dma_wait3A_233 = tpu.memref_slice %arg19[%dma_wait3A_231, %dma_wait3A_232] : memref<10240x8xf32, #tpu.memory_space<vmem_shared>> -> memref<10240x8xf32, #tpu.memory_space<vmem_shared>>
          tpu.wait_indirect_dma semaphore(%run_scoped3A_221 : memref<!tpu.dma_semaphore, #tpu.memory_space<semaphore_mem>>) src(%arg17 : memref<128x8xf32, #tpu.memory_space<vmem>>) dst(%dma_wait3A_233 : memref<10240x8xf32, #tpu.memory_space<vmem_shared>>)
          tpu.yield
        }) : () -> ()
      } else {
      }
      %add3A_187 = arith.constant 4 : i32
      %add3A_188 = arith.addi %mul3A_124, %add3A_187 : i32
      %add3A_189 = arith.constant 2 : i32
      %add3A_190 = arith.addi %add3A_188, %add3A_189 : i32
      %dma_start3A_191 = arith.constant 0 : i32
      %dma_start3A_192 = tpu.memref_slice %arg11[%add3A_190, %dma_start3A_191] : memref<160x128xi32, #tpu.memory_space<vmem>> -> memref<1x128xi32, #tpu.memory_space<vmem>>
      %dma_start3A_193 = tpu.memref_squeeze %dma_start3A_192 : memref<1x128xi32, #tpu.memory_space<vmem>> -> memref<128xi32, #tpu.memory_space<vmem>>
      %dma_start3A_194 = arith.constant 0 : i32
      %dma_start3A_195 = arith.constant 0 : i32
      %dma_start3A_196 = tpu.memref_slice %arg5[%dma_start3A_194, %dma_start3A_195] : memref<20000x64xf32, #tpu.memory_space<hbm>> -> memref<20000x64xf32, #tpu.memory_space<hbm>>
      tpu.enqueue_indirect_dma source(%dma_start3A_196 : memref<20000x64xf32, #tpu.memory_space<hbm>>) target(%arg15 : memref<128x64xf32, #tpu.memory_space<vmem>>) offsets(%dma_start3A_193 : memref<128xi32, #tpu.memory_space<vmem>>) semaphore(%arg22 : memref<!tpu.dma_semaphore, #tpu.memory_space<semaphore_mem>>)
      %dma_wait3A_197 = arith.constant 0 : i32
      %dma_wait3A_198 = arith.constant 0 : i32
      %dma_wait3A_199 = tpu.memref_slice %arg11[%dma_wait3A_197, %dma_wait3A_198] : memref<160x128xi32, #tpu.memory_space<vmem>> -> memref<1x128xi32, #tpu.memory_space<vmem>>
      %dma_wait3A_200 = tpu.memref_squeeze %dma_wait3A_199 : memref<1x128xi32, #tpu.memory_space<vmem>> -> memref<128xi32, #tpu.memory_space<vmem>>
      %dma_wait3A_201 = arith.constant 0 : i32
      %dma_wait3A_202 = arith.constant 0 : i32
      %dma_wait3A_203 = tpu.memref_slice %arg5[%dma_wait3A_201, %dma_wait3A_202] : memref<20000x64xf32, #tpu.memory_space<hbm>> -> memref<20000x64xf32, #tpu.memory_space<hbm>>
      tpu.wait_indirect_dma semaphore(%arg23 : memref<!tpu.dma_semaphore, #tpu.memory_space<semaphore_mem>>) src(%dma_wait3A_203 : memref<20000x64xf32, #tpu.memory_space<hbm>>) dst(%arg16 : memref<128x64xf32, #tpu.memory_space<vmem>>)
      %add3A_204 = arith.constant 3 : i32
      %add3A_205 = arith.addi %mul3A_124, %add3A_204 : i32
      "tpu.region"() ({
        %run_scoped3A_221 = tpu.sem_alloc : memref<!tpu.dma_semaphore, #tpu.memory_space<semaphore_mem>>
        %dma_start3A_222 = arith.constant 0 : i32
        %dma_start3A_223 = tpu.memref_slice %arg12[%add3A_205, %dma_start3A_222] : memref<160x128xi32, #tpu.memory_space<vmem>> -> memref<1x128xi32, #tpu.memory_space<vmem>>
        %dma_start3A_224 = tpu.memref_squeeze %dma_start3A_223 : memref<1x128xi32, #tpu.memory_space<vmem>> -> memref<128xi32, #tpu.memory_space<vmem>>
        %dma_start3A_225 = arith.constant 0 : i32
        %dma_start3A_226 = arith.constant 0 : i32
        %dma_start3A_227 = tpu.memref_slice %arg18[%dma_start3A_225, %dma_start3A_226] : memref<10240x64xf32, #tpu.memory_space<vmem_shared>> -> memref<10240x64xf32, #tpu.memory_space<vmem_shared>>
        tpu.enqueue_indirect_dma source(%arg16 : memref<128x64xf32, #tpu.memory_space<vmem>>) target(%dma_start3A_227 : memref<10240x64xf32, #tpu.memory_space<vmem_shared>>) offsets(%dma_start3A_224 : memref<128xi32, #tpu.memory_space<vmem>>) semaphore(%run_scoped3A_221 : memref<!tpu.dma_semaphore, #tpu.memory_space<semaphore_mem>>) {add = true}
        %dma_wait3A_228 = arith.constant 0 : i32
        %dma_wait3A_229 = tpu.memref_slice %arg12[%add3A_205, %dma_wait3A_228] : memref<160x128xi32, #tpu.memory_space<vmem>> -> memref<1x128xi32, #tpu.memory_space<vmem>>
        %dma_wait3A_230 = tpu.memref_squeeze %dma_wait3A_229 : memref<1x128xi32, #tpu.memory_space<vmem>> -> memref<128xi32, #tpu.memory_space<vmem>>
        %dma_wait3A_231 = arith.constant 0 : i32
        %dma_wait3A_232 = arith.constant 0 : i32
        %dma_wait3A_233 = tpu.memref_slice %arg18[%dma_wait3A_231, %dma_wait3A_232] : memref<10240x64xf32, #tpu.memory_space<vmem_shared>> -> memref<10240x64xf32, #tpu.memory_space<vmem_shared>>
        tpu.wait_indirect_dma semaphore(%run_scoped3A_221 : memref<!tpu.dma_semaphore, #tpu.memory_space<semaphore_mem>>) src(%arg16 : memref<128x64xf32, #tpu.memory_space<vmem>>) dst(%dma_wait3A_233 : memref<10240x64xf32, #tpu.memory_space<vmem_shared>>)
        tpu.yield
      }) : () -> ()
      %eq3A_206 = arith.constant 0 : i32
      %eq3A_207 = arith.cmpi eq, %arg0, %eq3A_206 : i32
      %convert_element_type3A_208 = arith.extui %eq3A_207 : i1 to i32
      %cond3A_209 = arith.constant 0 : i32
      %cond3A_210 = arith.cmpi ne, %convert_element_type3A_208, %cond3A_209 : i32
      scf.if %cond3A_210 {
        "tpu.region"() ({
          %run_scoped3A_221 = tpu.sem_alloc : memref<!tpu.dma_semaphore, #tpu.memory_space<semaphore_mem>>
          %dma_start3A_222 = arith.constant 0 : i32
          %dma_start3A_223 = tpu.memref_slice %arg12[%add3A_205, %dma_start3A_222] : memref<160x128xi32, #tpu.memory_space<vmem>> -> memref<1x128xi32, #tpu.memory_space<vmem>>
          %dma_start3A_224 = tpu.memref_squeeze %dma_start3A_223 : memref<1x128xi32, #tpu.memory_space<vmem>> -> memref<128xi32, #tpu.memory_space<vmem>>
          %dma_start3A_225 = arith.constant 0 : i32
          %dma_start3A_226 = arith.constant 0 : i32
          %dma_start3A_227 = tpu.memref_slice %arg19[%dma_start3A_225, %dma_start3A_226] : memref<10240x8xf32, #tpu.memory_space<vmem_shared>> -> memref<10240x8xf32, #tpu.memory_space<vmem_shared>>
          tpu.enqueue_indirect_dma source(%arg17 : memref<128x8xf32, #tpu.memory_space<vmem>>) target(%dma_start3A_227 : memref<10240x8xf32, #tpu.memory_space<vmem_shared>>) offsets(%dma_start3A_224 : memref<128xi32, #tpu.memory_space<vmem>>) semaphore(%run_scoped3A_221 : memref<!tpu.dma_semaphore, #tpu.memory_space<semaphore_mem>>) {add = true}
          %dma_wait3A_228 = arith.constant 0 : i32
          %dma_wait3A_229 = tpu.memref_slice %arg12[%add3A_205, %dma_wait3A_228] : memref<160x128xi32, #tpu.memory_space<vmem>> -> memref<1x128xi32, #tpu.memory_space<vmem>>
          %dma_wait3A_230 = tpu.memref_squeeze %dma_wait3A_229 : memref<1x128xi32, #tpu.memory_space<vmem>> -> memref<128xi32, #tpu.memory_space<vmem>>
          %dma_wait3A_231 = arith.constant 0 : i32
          %dma_wait3A_232 = arith.constant 0 : i32
          %dma_wait3A_233 = tpu.memref_slice %arg19[%dma_wait3A_231, %dma_wait3A_232] : memref<10240x8xf32, #tpu.memory_space<vmem_shared>> -> memref<10240x8xf32, #tpu.memory_space<vmem_shared>>
          tpu.wait_indirect_dma semaphore(%run_scoped3A_221 : memref<!tpu.dma_semaphore, #tpu.memory_space<semaphore_mem>>) src(%arg17 : memref<128x8xf32, #tpu.memory_space<vmem>>) dst(%dma_wait3A_233 : memref<10240x8xf32, #tpu.memory_space<vmem_shared>>)
          tpu.yield
        }) : () -> ()
      } else {
      }
      %add3A_211 = arith.constant 4 : i32
      %add3A_212 = arith.addi %mul3A_124, %add3A_211 : i32
      %add3A_213 = arith.constant 3 : i32
      %add3A_214 = arith.addi %add3A_212, %add3A_213 : i32
      %dma_start3A_215 = arith.constant 0 : i32
      %dma_start3A_216 = tpu.memref_slice %arg11[%add3A_214, %dma_start3A_215] : memref<160x128xi32, #tpu.memory_space<vmem>> -> memref<1x128xi32, #tpu.memory_space<vmem>>
      %dma_start3A_217 = tpu.memref_squeeze %dma_start3A_216 : memref<1x128xi32, #tpu.memory_space<vmem>> -> memref<128xi32, #tpu.memory_space<vmem>>
      %dma_start3A_218 = arith.constant 0 : i32
      %dma_start3A_219 = arith.constant 0 : i32
      %dma_start3A_220 = tpu.memref_slice %arg5[%dma_start3A_218, %dma_start3A_219] : memref<20000x64xf32, #tpu.memory_space<hbm>> -> memref<20000x64xf32, #tpu.memory_space<hbm>>
      tpu.enqueue_indirect_dma source(%dma_start3A_220 : memref<20000x64xf32, #tpu.memory_space<hbm>>) target(%arg16 : memref<128x64xf32, #tpu.memory_space<vmem>>) offsets(%dma_start3A_217 : memref<128xi32, #tpu.memory_space<vmem>>) semaphore(%arg23 : memref<!tpu.dma_semaphore, #tpu.memory_space<semaphore_mem>>)
    }
    %scan3A_60 = arith.constant 39 : i32
    %dma_wait3A = arith.constant 0 : i32
    %dma_wait3A_61 = arith.constant 0 : i32
    %dma_wait3A_62 = tpu.memref_slice %arg11[%dma_wait3A, %dma_wait3A_61] : memref<160x128xi32, #tpu.memory_space<vmem>> -> memref<1x128xi32, #tpu.memory_space<vmem>>
    %dma_wait3A_63 = tpu.memref_squeeze %dma_wait3A_62 : memref<1x128xi32, #tpu.memory_space<vmem>> -> memref<128xi32, #tpu.memory_space<vmem>>
    %dma_wait3A_64 = arith.constant 0 : i32
    %dma_wait3A_65 = arith.constant 0 : i32
    %dma_wait3A_66 = tpu.memref_slice %arg5[%dma_wait3A_64, %dma_wait3A_65] : memref<20000x64xf32, #tpu.memory_space<hbm>> -> memref<20000x64xf32, #tpu.memory_space<hbm>>
    tpu.wait_indirect_dma semaphore(%arg20 : memref<!tpu.dma_semaphore, #tpu.memory_space<semaphore_mem>>) src(%dma_wait3A_66 : memref<20000x64xf32, #tpu.memory_space<hbm>>) dst(%arg13 : memref<128x64xf32, #tpu.memory_space<vmem>>)
    %run_scoped3A = arith.constant 156 : i32
    "tpu.region"() ({
      %run_scoped3A_122 = tpu.sem_alloc : memref<!tpu.dma_semaphore, #tpu.memory_space<semaphore_mem>>
      %dma_start3A_123 = arith.constant 0 : i32
      %dma_start3A_124 = tpu.memref_slice %arg12[%run_scoped3A, %dma_start3A_123] : memref<160x128xi32, #tpu.memory_space<vmem>> -> memref<1x128xi32, #tpu.memory_space<vmem>>
      %dma_start3A_125 = tpu.memref_squeeze %dma_start3A_124 : memref<1x128xi32, #tpu.memory_space<vmem>> -> memref<128xi32, #tpu.memory_space<vmem>>
      %dma_start3A_126 = arith.constant 0 : i32
      %dma_start3A_127 = arith.constant 0 : i32
      %dma_start3A_128 = tpu.memref_slice %arg18[%dma_start3A_126, %dma_start3A_127] : memref<10240x64xf32, #tpu.memory_space<vmem_shared>> -> memref<10240x64xf32, #tpu.memory_space<vmem_shared>>
      tpu.enqueue_indirect_dma source(%arg13 : memref<128x64xf32, #tpu.memory_space<vmem>>) target(%dma_start3A_128 : memref<10240x64xf32, #tpu.memory_space<vmem_shared>>) offsets(%dma_start3A_125 : memref<128xi32, #tpu.memory_space<vmem>>) semaphore(%run_scoped3A_122 : memref<!tpu.dma_semaphore, #tpu.memory_space<semaphore_mem>>) {add = true}
      %dma_wait3A_129 = arith.constant 0 : i32
      %dma_wait3A_130 = tpu.memref_slice %arg12[%run_scoped3A, %dma_wait3A_129] : memref<160x128xi32, #tpu.memory_space<vmem>> -> memref<1x128xi32, #tpu.memory_space<vmem>>
      %dma_wait3A_131 = tpu.memref_squeeze %dma_wait3A_130 : memref<1x128xi32, #tpu.memory_space<vmem>> -> memref<128xi32, #tpu.memory_space<vmem>>
      %dma_wait3A_132 = arith.constant 0 : i32
      %dma_wait3A_133 = arith.constant 0 : i32
      %dma_wait3A_134 = tpu.memref_slice %arg18[%dma_wait3A_132, %dma_wait3A_133] : memref<10240x64xf32, #tpu.memory_space<vmem_shared>> -> memref<10240x64xf32, #tpu.memory_space<vmem_shared>>
      tpu.wait_indirect_dma semaphore(%run_scoped3A_122 : memref<!tpu.dma_semaphore, #tpu.memory_space<semaphore_mem>>) src(%arg13 : memref<128x64xf32, #tpu.memory_space<vmem>>) dst(%dma_wait3A_134 : memref<10240x64xf32, #tpu.memory_space<vmem_shared>>)
      tpu.yield
    }) : () -> ()
    %eq3A_67 = arith.constant 0 : i32
    %eq3A_68 = arith.cmpi eq, %arg0, %eq3A_67 : i32
    %convert_element_type3A_69 = arith.extui %eq3A_68 : i1 to i32
    %cond3A_70 = arith.constant 0 : i32
    %cond3A_71 = arith.cmpi ne, %convert_element_type3A_69, %cond3A_70 : i32
    scf.if %cond3A_71 {
      %run_scoped3A_122 = arith.constant 156 : i32
      "tpu.region"() ({
        %run_scoped3A_123 = tpu.sem_alloc : memref<!tpu.dma_semaphore, #tpu.memory_space<semaphore_mem>>
        %dma_start3A_124 = arith.constant 0 : i32
        %dma_start3A_125 = tpu.memref_slice %arg12[%run_scoped3A_122, %dma_start3A_124] : memref<160x128xi32, #tpu.memory_space<vmem>> -> memref<1x128xi32, #tpu.memory_space<vmem>>
        %dma_start3A_126 = tpu.memref_squeeze %dma_start3A_125 : memref<1x128xi32, #tpu.memory_space<vmem>> -> memref<128xi32, #tpu.memory_space<vmem>>
        %dma_start3A_127 = arith.constant 0 : i32
        %dma_start3A_128 = arith.constant 0 : i32
        %dma_start3A_129 = tpu.memref_slice %arg19[%dma_start3A_127, %dma_start3A_128] : memref<10240x8xf32, #tpu.memory_space<vmem_shared>> -> memref<10240x8xf32, #tpu.memory_space<vmem_shared>>
        tpu.enqueue_indirect_dma source(%arg17 : memref<128x8xf32, #tpu.memory_space<vmem>>) target(%dma_start3A_129 : memref<10240x8xf32, #tpu.memory_space<vmem_shared>>) offsets(%dma_start3A_126 : memref<128xi32, #tpu.memory_space<vmem>>) semaphore(%run_scoped3A_123 : memref<!tpu.dma_semaphore, #tpu.memory_space<semaphore_mem>>) {add = true}
        %dma_wait3A_130 = arith.constant 0 : i32
        %dma_wait3A_131 = tpu.memref_slice %arg12[%run_scoped3A_122, %dma_wait3A_130] : memref<160x128xi32, #tpu.memory_space<vmem>> -> memref<1x128xi32, #tpu.memory_space<vmem>>
        %dma_wait3A_132 = tpu.memref_squeeze %dma_wait3A_131 : memref<1x128xi32, #tpu.memory_space<vmem>> -> memref<128xi32, #tpu.memory_space<vmem>>
        %dma_wait3A_133 = arith.constant 0 : i32
        %dma_wait3A_134 = arith.constant 0 : i32
        %dma_wait3A_135 = tpu.memref_slice %arg19[%dma_wait3A_133, %dma_wait3A_134] : memref<10240x8xf32, #tpu.memory_space<vmem_shared>> -> memref<10240x8xf32, #tpu.memory_space<vmem_shared>>
        tpu.wait_indirect_dma semaphore(%run_scoped3A_123 : memref<!tpu.dma_semaphore, #tpu.memory_space<semaphore_mem>>) src(%arg17 : memref<128x8xf32, #tpu.memory_space<vmem>>) dst(%dma_wait3A_135 : memref<10240x8xf32, #tpu.memory_space<vmem_shared>>)
        tpu.yield
      }) : () -> ()
    } else {
    }
    %dma_wait3A_72 = arith.constant 0 : i32
    %dma_wait3A_73 = arith.constant 0 : i32
    %dma_wait3A_74 = tpu.memref_slice %arg11[%dma_wait3A_72, %dma_wait3A_73] : memref<160x128xi32, #tpu.memory_space<vmem>> -> memref<1x128xi32, #tpu.memory_space<vmem>>
    %dma_wait3A_75 = tpu.memref_squeeze %dma_wait3A_74 : memref<1x128xi32, #tpu.memory_space<vmem>> -> memref<128xi32, #tpu.memory_space<vmem>>
    %dma_wait3A_76 = arith.constant 0 : i32
    %dma_wait3A_77 = arith.constant 0 : i32
    %dma_wait3A_78 = tpu.memref_slice %arg5[%dma_wait3A_76, %dma_wait3A_77] : memref<20000x64xf32, #tpu.memory_space<hbm>> -> memref<20000x64xf32, #tpu.memory_space<hbm>>
    tpu.wait_indirect_dma semaphore(%arg21 : memref<!tpu.dma_semaphore, #tpu.memory_space<semaphore_mem>>) src(%dma_wait3A_78 : memref<20000x64xf32, #tpu.memory_space<hbm>>) dst(%arg14 : memref<128x64xf32, #tpu.memory_space<vmem>>)
    %run_scoped3A_79 = arith.constant 157 : i32
    "tpu.region"() ({
      %run_scoped3A_122 = tpu.sem_alloc : memref<!tpu.dma_semaphore, #tpu.memory_space<semaphore_mem>>
      %dma_start3A_123 = arith.constant 0 : i32
      %dma_start3A_124 = tpu.memref_slice %arg12[%run_scoped3A_79, %dma_start3A_123] : memref<160x128xi32, #tpu.memory_space<vmem>> -> memref<1x128xi32, #tpu.memory_space<vmem>>
      %dma_start3A_125 = tpu.memref_squeeze %dma_start3A_124 : memref<1x128xi32, #tpu.memory_space<vmem>> -> memref<128xi32, #tpu.memory_space<vmem>>
      %dma_start3A_126 = arith.constant 0 : i32
      %dma_start3A_127 = arith.constant 0 : i32
      %dma_start3A_128 = tpu.memref_slice %arg18[%dma_start3A_126, %dma_start3A_127] : memref<10240x64xf32, #tpu.memory_space<vmem_shared>> -> memref<10240x64xf32, #tpu.memory_space<vmem_shared>>
      tpu.enqueue_indirect_dma source(%arg14 : memref<128x64xf32, #tpu.memory_space<vmem>>) target(%dma_start3A_128 : memref<10240x64xf32, #tpu.memory_space<vmem_shared>>) offsets(%dma_start3A_125 : memref<128xi32, #tpu.memory_space<vmem>>) semaphore(%run_scoped3A_122 : memref<!tpu.dma_semaphore, #tpu.memory_space<semaphore_mem>>) {add = true}
      %dma_wait3A_129 = arith.constant 0 : i32
      %dma_wait3A_130 = tpu.memref_slice %arg12[%run_scoped3A_79, %dma_wait3A_129] : memref<160x128xi32, #tpu.memory_space<vmem>> -> memref<1x128xi32, #tpu.memory_space<vmem>>
      %dma_wait3A_131 = tpu.memref_squeeze %dma_wait3A_130 : memref<1x128xi32, #tpu.memory_space<vmem>> -> memref<128xi32, #tpu.memory_space<vmem>>
      %dma_wait3A_132 = arith.constant 0 : i32
      %dma_wait3A_133 = arith.constant 0 : i32
      %dma_wait3A_134 = tpu.memref_slice %arg18[%dma_wait3A_132, %dma_wait3A_133] : memref<10240x64xf32, #tpu.memory_space<vmem_shared>> -> memref<10240x64xf32, #tpu.memory_space<vmem_shared>>
      tpu.wait_indirect_dma semaphore(%run_scoped3A_122 : memref<!tpu.dma_semaphore, #tpu.memory_space<semaphore_mem>>) src(%arg14 : memref<128x64xf32, #tpu.memory_space<vmem>>) dst(%dma_wait3A_134 : memref<10240x64xf32, #tpu.memory_space<vmem_shared>>)
      tpu.yield
    }) : () -> ()
    %eq3A_80 = arith.constant 0 : i32
    %eq3A_81 = arith.cmpi eq, %arg0, %eq3A_80 : i32
    %convert_element_type3A_82 = arith.extui %eq3A_81 : i1 to i32
    %cond3A_83 = arith.constant 0 : i32
    %cond3A_84 = arith.cmpi ne, %convert_element_type3A_82, %cond3A_83 : i32
    scf.if %cond3A_84 {
      %run_scoped3A_122 = arith.constant 157 : i32
      "tpu.region"() ({
        %run_scoped3A_123 = tpu.sem_alloc : memref<!tpu.dma_semaphore, #tpu.memory_space<semaphore_mem>>
        %dma_start3A_124 = arith.constant 0 : i32
        %dma_start3A_125 = tpu.memref_slice %arg12[%run_scoped3A_122, %dma_start3A_124] : memref<160x128xi32, #tpu.memory_space<vmem>> -> memref<1x128xi32, #tpu.memory_space<vmem>>
        %dma_start3A_126 = tpu.memref_squeeze %dma_start3A_125 : memref<1x128xi32, #tpu.memory_space<vmem>> -> memref<128xi32, #tpu.memory_space<vmem>>
        %dma_start3A_127 = arith.constant 0 : i32
        %dma_start3A_128 = arith.constant 0 : i32
        %dma_start3A_129 = tpu.memref_slice %arg19[%dma_start3A_127, %dma_start3A_128] : memref<10240x8xf32, #tpu.memory_space<vmem_shared>> -> memref<10240x8xf32, #tpu.memory_space<vmem_shared>>
        tpu.enqueue_indirect_dma source(%arg17 : memref<128x8xf32, #tpu.memory_space<vmem>>) target(%dma_start3A_129 : memref<10240x8xf32, #tpu.memory_space<vmem_shared>>) offsets(%dma_start3A_126 : memref<128xi32, #tpu.memory_space<vmem>>) semaphore(%run_scoped3A_123 : memref<!tpu.dma_semaphore, #tpu.memory_space<semaphore_mem>>) {add = true}
        %dma_wait3A_130 = arith.constant 0 : i32
        %dma_wait3A_131 = tpu.memref_slice %arg12[%run_scoped3A_122, %dma_wait3A_130] : memref<160x128xi32, #tpu.memory_space<vmem>> -> memref<1x128xi32, #tpu.memory_space<vmem>>
        %dma_wait3A_132 = tpu.memref_squeeze %dma_wait3A_131 : memref<1x128xi32, #tpu.memory_space<vmem>> -> memref<128xi32, #tpu.memory_space<vmem>>
        %dma_wait3A_133 = arith.constant 0 : i32
        %dma_wait3A_134 = arith.constant 0 : i32
        %dma_wait3A_135 = tpu.memref_slice %arg19[%dma_wait3A_133, %dma_wait3A_134] : memref<10240x8xf32, #tpu.memory_space<vmem_shared>> -> memref<10240x8xf32, #tpu.memory_space<vmem_shared>>
        tpu.wait_indirect_dma semaphore(%run_scoped3A_123 : memref<!tpu.dma_semaphore, #tpu.memory_space<semaphore_mem>>) src(%arg17 : memref<128x8xf32, #tpu.memory_space<vmem>>) dst(%dma_wait3A_135 : memref<10240x8xf32, #tpu.memory_space<vmem_shared>>)
        tpu.yield
      }) : () -> ()
    } else {
    }
    %dma_wait3A_85 = arith.constant 0 : i32
    %dma_wait3A_86 = arith.constant 0 : i32
    %dma_wait3A_87 = tpu.memref_slice %arg11[%dma_wait3A_85, %dma_wait3A_86] : memref<160x128xi32, #tpu.memory_space<vmem>> -> memref<1x128xi32, #tpu.memory_space<vmem>>
    %dma_wait3A_88 = tpu.memref_squeeze %dma_wait3A_87 : memref<1x128xi32, #tpu.memory_space<vmem>> -> memref<128xi32, #tpu.memory_space<vmem>>
    %dma_wait3A_89 = arith.constant 0 : i32
    %dma_wait3A_90 = arith.constant 0 : i32
    %dma_wait3A_91 = tpu.memref_slice %arg5[%dma_wait3A_89, %dma_wait3A_90] : memref<20000x64xf32, #tpu.memory_space<hbm>> -> memref<20000x64xf32, #tpu.memory_space<hbm>>
    tpu.wait_indirect_dma semaphore(%arg22 : memref<!tpu.dma_semaphore, #tpu.memory_space<semaphore_mem>>) src(%dma_wait3A_91 : memref<20000x64xf32, #tpu.memory_space<hbm>>) dst(%arg15 : memref<128x64xf32, #tpu.memory_space<vmem>>)
    %run_scoped3A_92 = arith.constant 158 : i32
    "tpu.region"() ({
      %run_scoped3A_122 = tpu.sem_alloc : memref<!tpu.dma_semaphore, #tpu.memory_space<semaphore_mem>>
      %dma_start3A_123 = arith.constant 0 : i32
      %dma_start3A_124 = tpu.memref_slice %arg12[%run_scoped3A_92, %dma_start3A_123] : memref<160x128xi32, #tpu.memory_space<vmem>> -> memref<1x128xi32, #tpu.memory_space<vmem>>
      %dma_start3A_125 = tpu.memref_squeeze %dma_start3A_124 : memref<1x128xi32, #tpu.memory_space<vmem>> -> memref<128xi32, #tpu.memory_space<vmem>>
      %dma_start3A_126 = arith.constant 0 : i32
      %dma_start3A_127 = arith.constant 0 : i32
      %dma_start3A_128 = tpu.memref_slice %arg18[%dma_start3A_126, %dma_start3A_127] : memref<10240x64xf32, #tpu.memory_space<vmem_shared>> -> memref<10240x64xf32, #tpu.memory_space<vmem_shared>>
      tpu.enqueue_indirect_dma source(%arg15 : memref<128x64xf32, #tpu.memory_space<vmem>>) target(%dma_start3A_128 : memref<10240x64xf32, #tpu.memory_space<vmem_shared>>) offsets(%dma_start3A_125 : memref<128xi32, #tpu.memory_space<vmem>>) semaphore(%run_scoped3A_122 : memref<!tpu.dma_semaphore, #tpu.memory_space<semaphore_mem>>) {add = true}
      %dma_wait3A_129 = arith.constant 0 : i32
      %dma_wait3A_130 = tpu.memref_slice %arg12[%run_scoped3A_92, %dma_wait3A_129] : memref<160x128xi32, #tpu.memory_space<vmem>> -> memref<1x128xi32, #tpu.memory_space<vmem>>
      %dma_wait3A_131 = tpu.memref_squeeze %dma_wait3A_130 : memref<1x128xi32, #tpu.memory_space<vmem>> -> memref<128xi32, #tpu.memory_space<vmem>>
      %dma_wait3A_132 = arith.constant 0 : i32
      %dma_wait3A_133 = arith.constant 0 : i32
      %dma_wait3A_134 = tpu.memref_slice %arg18[%dma_wait3A_132, %dma_wait3A_133] : memref<10240x64xf32, #tpu.memory_space<vmem_shared>> -> memref<10240x64xf32, #tpu.memory_space<vmem_shared>>
      tpu.wait_indirect_dma semaphore(%run_scoped3A_122 : memref<!tpu.dma_semaphore, #tpu.memory_space<semaphore_mem>>) src(%arg15 : memref<128x64xf32, #tpu.memory_space<vmem>>) dst(%dma_wait3A_134 : memref<10240x64xf32, #tpu.memory_space<vmem_shared>>)
      tpu.yield
    }) : () -> ()
    %eq3A_93 = arith.constant 0 : i32
    %eq3A_94 = arith.cmpi eq, %arg0, %eq3A_93 : i32
    %convert_element_type3A_95 = arith.extui %eq3A_94 : i1 to i32
    %cond3A_96 = arith.constant 0 : i32
    %cond3A_97 = arith.cmpi ne, %convert_element_type3A_95, %cond3A_96 : i32
    scf.if %cond3A_97 {
      %run_scoped3A_122 = arith.constant 158 : i32
      "tpu.region"() ({
        %run_scoped3A_123 = tpu.sem_alloc : memref<!tpu.dma_semaphore, #tpu.memory_space<semaphore_mem>>
        %dma_start3A_124 = arith.constant 0 : i32
        %dma_start3A_125 = tpu.memref_slice %arg12[%run_scoped3A_122, %dma_start3A_124] : memref<160x128xi32, #tpu.memory_space<vmem>> -> memref<1x128xi32, #tpu.memory_space<vmem>>
        %dma_start3A_126 = tpu.memref_squeeze %dma_start3A_125 : memref<1x128xi32, #tpu.memory_space<vmem>> -> memref<128xi32, #tpu.memory_space<vmem>>
        %dma_start3A_127 = arith.constant 0 : i32
        %dma_start3A_128 = arith.constant 0 : i32
        %dma_start3A_129 = tpu.memref_slice %arg19[%dma_start3A_127, %dma_start3A_128] : memref<10240x8xf32, #tpu.memory_space<vmem_shared>> -> memref<10240x8xf32, #tpu.memory_space<vmem_shared>>
        tpu.enqueue_indirect_dma source(%arg17 : memref<128x8xf32, #tpu.memory_space<vmem>>) target(%dma_start3A_129 : memref<10240x8xf32, #tpu.memory_space<vmem_shared>>) offsets(%dma_start3A_126 : memref<128xi32, #tpu.memory_space<vmem>>) semaphore(%run_scoped3A_123 : memref<!tpu.dma_semaphore, #tpu.memory_space<semaphore_mem>>) {add = true}
        %dma_wait3A_130 = arith.constant 0 : i32
        %dma_wait3A_131 = tpu.memref_slice %arg12[%run_scoped3A_122, %dma_wait3A_130] : memref<160x128xi32, #tpu.memory_space<vmem>> -> memref<1x128xi32, #tpu.memory_space<vmem>>
        %dma_wait3A_132 = tpu.memref_squeeze %dma_wait3A_131 : memref<1x128xi32, #tpu.memory_space<vmem>> -> memref<128xi32, #tpu.memory_space<vmem>>
        %dma_wait3A_133 = arith.constant 0 : i32
        %dma_wait3A_134 = arith.constant 0 : i32
        %dma_wait3A_135 = tpu.memref_slice %arg19[%dma_wait3A_133, %dma_wait3A_134] : memref<10240x8xf32, #tpu.memory_space<vmem_shared>> -> memref<10240x8xf32, #tpu.memory_space<vmem_shared>>
        tpu.wait_indirect_dma semaphore(%run_scoped3A_123 : memref<!tpu.dma_semaphore, #tpu.memory_space<semaphore_mem>>) src(%arg17 : memref<128x8xf32, #tpu.memory_space<vmem>>) dst(%dma_wait3A_135 : memref<10240x8xf32, #tpu.memory_space<vmem_shared>>)
        tpu.yield
      }) : () -> ()
    } else {
    }
    %dma_wait3A_98 = arith.constant 0 : i32
    %dma_wait3A_99 = arith.constant 0 : i32
    %dma_wait3A_100 = tpu.memref_slice %arg11[%dma_wait3A_98, %dma_wait3A_99] : memref<160x128xi32, #tpu.memory_space<vmem>> -> memref<1x128xi32, #tpu.memory_space<vmem>>
    %dma_wait3A_101 = tpu.memref_squeeze %dma_wait3A_100 : memref<1x128xi32, #tpu.memory_space<vmem>> -> memref<128xi32, #tpu.memory_space<vmem>>
    %dma_wait3A_102 = arith.constant 0 : i32
    %dma_wait3A_103 = arith.constant 0 : i32
    %dma_wait3A_104 = tpu.memref_slice %arg5[%dma_wait3A_102, %dma_wait3A_103] : memref<20000x64xf32, #tpu.memory_space<hbm>> -> memref<20000x64xf32, #tpu.memory_space<hbm>>
    tpu.wait_indirect_dma semaphore(%arg23 : memref<!tpu.dma_semaphore, #tpu.memory_space<semaphore_mem>>) src(%dma_wait3A_104 : memref<20000x64xf32, #tpu.memory_space<hbm>>) dst(%arg16 : memref<128x64xf32, #tpu.memory_space<vmem>>)
    %run_scoped3A_105 = arith.constant 159 : i32
    "tpu.region"() ({
      %run_scoped3A_122 = tpu.sem_alloc : memref<!tpu.dma_semaphore, #tpu.memory_space<semaphore_mem>>
      %dma_start3A_123 = arith.constant 0 : i32
      %dma_start3A_124 = tpu.memref_slice %arg12[%run_scoped3A_105, %dma_start3A_123] : memref<160x128xi32, #tpu.memory_space<vmem>> -> memref<1x128xi32, #tpu.memory_space<vmem>>
      %dma_start3A_125 = tpu.memref_squeeze %dma_start3A_124 : memref<1x128xi32, #tpu.memory_space<vmem>> -> memref<128xi32, #tpu.memory_space<vmem>>
      %dma_start3A_126 = arith.constant 0 : i32
      %dma_start3A_127 = arith.constant 0 : i32
      %dma_start3A_128 = tpu.memref_slice %arg18[%dma_start3A_126, %dma_start3A_127] : memref<10240x64xf32, #tpu.memory_space<vmem_shared>> -> memref<10240x64xf32, #tpu.memory_space<vmem_shared>>
      tpu.enqueue_indirect_dma source(%arg16 : memref<128x64xf32, #tpu.memory_space<vmem>>) target(%dma_start3A_128 : memref<10240x64xf32, #tpu.memory_space<vmem_shared>>) offsets(%dma_start3A_125 : memref<128xi32, #tpu.memory_space<vmem>>) semaphore(%run_scoped3A_122 : memref<!tpu.dma_semaphore, #tpu.memory_space<semaphore_mem>>) {add = true}
      %dma_wait3A_129 = arith.constant 0 : i32
      %dma_wait3A_130 = tpu.memref_slice %arg12[%run_scoped3A_105, %dma_wait3A_129] : memref<160x128xi32, #tpu.memory_space<vmem>> -> memref<1x128xi32, #tpu.memory_space<vmem>>
      %dma_wait3A_131 = tpu.memref_squeeze %dma_wait3A_130 : memref<1x128xi32, #tpu.memory_space<vmem>> -> memref<128xi32, #tpu.memory_space<vmem>>
      %dma_wait3A_132 = arith.constant 0 : i32
      %dma_wait3A_133 = arith.constant 0 : i32
      %dma_wait3A_134 = tpu.memref_slice %arg18[%dma_wait3A_132, %dma_wait3A_133] : memref<10240x64xf32, #tpu.memory_space<vmem_shared>> -> memref<10240x64xf32, #tpu.memory_space<vmem_shared>>
      tpu.wait_indirect_dma semaphore(%run_scoped3A_122 : memref<!tpu.dma_semaphore, #tpu.memory_space<semaphore_mem>>) src(%arg16 : memref<128x64xf32, #tpu.memory_space<vmem>>) dst(%dma_wait3A_134 : memref<10240x64xf32, #tpu.memory_space<vmem_shared>>)
      tpu.yield
    }) : () -> ()
    %eq3A_106 = arith.constant 0 : i32
    %eq3A_107 = arith.cmpi eq, %arg0, %eq3A_106 : i32
    %convert_element_type3A_108 = arith.extui %eq3A_107 : i1 to i32
    %cond3A_109 = arith.constant 0 : i32
    %cond3A_110 = arith.cmpi ne, %convert_element_type3A_108, %cond3A_109 : i32
    scf.if %cond3A_110 {
      %run_scoped3A_122 = arith.constant 159 : i32
      "tpu.region"() ({
        %run_scoped3A_123 = tpu.sem_alloc : memref<!tpu.dma_semaphore, #tpu.memory_space<semaphore_mem>>
        %dma_start3A_124 = arith.constant 0 : i32
        %dma_start3A_125 = tpu.memref_slice %arg12[%run_scoped3A_122, %dma_start3A_124] : memref<160x128xi32, #tpu.memory_space<vmem>> -> memref<1x128xi32, #tpu.memory_space<vmem>>
        %dma_start3A_126 = tpu.memref_squeeze %dma_start3A_125 : memref<1x128xi32, #tpu.memory_space<vmem>> -> memref<128xi32, #tpu.memory_space<vmem>>
        %dma_start3A_127 = arith.constant 0 : i32
        %dma_start3A_128 = arith.constant 0 : i32
        %dma_start3A_129 = tpu.memref_slice %arg19[%dma_start3A_127, %dma_start3A_128] : memref<10240x8xf32, #tpu.memory_space<vmem_shared>> -> memref<10240x8xf32, #tpu.memory_space<vmem_shared>>
        tpu.enqueue_indirect_dma source(%arg17 : memref<128x8xf32, #tpu.memory_space<vmem>>) target(%dma_start3A_129 : memref<10240x8xf32, #tpu.memory_space<vmem_shared>>) offsets(%dma_start3A_126 : memref<128xi32, #tpu.memory_space<vmem>>) semaphore(%run_scoped3A_123 : memref<!tpu.dma_semaphore, #tpu.memory_space<semaphore_mem>>) {add = true}
        %dma_wait3A_130 = arith.constant 0 : i32
        %dma_wait3A_131 = tpu.memref_slice %arg12[%run_scoped3A_122, %dma_wait3A_130] : memref<160x128xi32, #tpu.memory_space<vmem>> -> memref<1x128xi32, #tpu.memory_space<vmem>>
        %dma_wait3A_132 = tpu.memref_squeeze %dma_wait3A_131 : memref<1x128xi32, #tpu.memory_space<vmem>> -> memref<128xi32, #tpu.memory_space<vmem>>
        %dma_wait3A_133 = arith.constant 0 : i32
        %dma_wait3A_134 = arith.constant 0 : i32
        %dma_wait3A_135 = tpu.memref_slice %arg19[%dma_wait3A_133, %dma_wait3A_134] : memref<10240x8xf32, #tpu.memory_space<vmem_shared>> -> memref<10240x8xf32, #tpu.memory_space<vmem_shared>>
        tpu.wait_indirect_dma semaphore(%run_scoped3A_123 : memref<!tpu.dma_semaphore, #tpu.memory_space<semaphore_mem>>) src(%arg17 : memref<128x8xf32, #tpu.memory_space<vmem>>) dst(%dma_wait3A_135 : memref<10240x8xf32, #tpu.memory_space<vmem_shared>>)
        tpu.yield
      }) : () -> ()
    } else {
    }
    %barrier3A_111 = arith.constant 0 : index
    tpu.barrier barrier_id(%barrier3A_111)
    %eq3A_112 = arith.constant 0 : i32
    %eq3A_113 = arith.cmpi eq, %arg0, %eq3A_112 : i32
    %convert_element_type3A_114 = arith.extui %eq3A_113 : i1 to i32
    %cond3A_115 = arith.constant 0 : i32
    %cond3A_116 = arith.cmpi ne, %convert_element_type3A_114, %cond3A_115 : i32
    scf.if %cond3A_116 {
      "tpu.region"() ({
        %run_scoped3A_122 = tpu.sem_alloc : memref<!tpu.dma_semaphore, #tpu.memory_space<semaphore_mem>>
        %dma_start3A_123 = arith.constant 0 : i32
        %dma_start3A_124 = tpu.memref_slice %arg8[%mul3A_0, %dma_start3A_123] : memref<10240x64xf32, #tpu.memory_space<hbm>> -> memref<640x64xf32, #tpu.memory_space<hbm>>
        %dma_start3A_125 = arith.constant 0 : i32
        %dma_start3A_126 = tpu.memref_slice %arg18[%mul3A_0, %dma_start3A_125] : memref<10240x64xf32, #tpu.memory_space<vmem_shared>> -> memref<640x64xf32, #tpu.memory_space<vmem_shared>>
        tpu.enqueue_dma source(%dma_start3A_126 : memref<640x64xf32, #tpu.memory_space<vmem_shared>>) target(%dma_start3A_124 : memref<640x64xf32, #tpu.memory_space<hbm>>) target_semaphore(%run_scoped3A_122 : memref<!tpu.dma_semaphore, #tpu.memory_space<semaphore_mem>>)
        %dma_wait3A_127 = arith.constant 0 : i32
        %dma_wait3A_128 = tpu.memref_slice %arg8[%mul3A_0, %dma_wait3A_127] : memref<10240x64xf32, #tpu.memory_space<hbm>> -> memref<640x64xf32, #tpu.memory_space<hbm>>
        %dma_wait3A_129 = arith.constant 0 : i32
        %dma_wait3A_130 = tpu.memref_slice %arg18[%mul3A_0, %dma_wait3A_129] : memref<10240x64xf32, #tpu.memory_space<vmem_shared>> -> memref<640x64xf32, #tpu.memory_space<vmem_shared>>
        tpu.wait_dma2 semaphore(%run_scoped3A_122 : memref<!tpu.dma_semaphore, #tpu.memory_space<semaphore_mem>>) src(%dma_wait3A_130 : memref<640x64xf32, #tpu.memory_space<vmem_shared>>) dst(%dma_wait3A_128 : memref<640x64xf32, #tpu.memory_space<hbm>>)
        tpu.yield
      }) : () -> ()
      "tpu.region"() ({
        %run_scoped3A_122 = tpu.sem_alloc : memref<!tpu.dma_semaphore, #tpu.memory_space<semaphore_mem>>
        %dma_start3A_123 = arith.constant 0 : i32
        %dma_start3A_124 = tpu.memref_slice %arg10[%mul3A_0, %dma_start3A_123] : memref<10240x8xf32, #tpu.memory_space<hbm>> -> memref<640x8xf32, #tpu.memory_space<hbm>>
        %dma_start3A_125 = arith.constant 0 : i32
        %dma_start3A_126 = tpu.memref_slice %arg19[%mul3A_0, %dma_start3A_125] : memref<10240x8xf32, #tpu.memory_space<vmem_shared>> -> memref<640x8xf32, #tpu.memory_space<vmem_shared>>
        tpu.enqueue_dma source(%dma_start3A_126 : memref<640x8xf32, #tpu.memory_space<vmem_shared>>) target(%dma_start3A_124 : memref<640x8xf32, #tpu.memory_space<hbm>>) target_semaphore(%run_scoped3A_122 : memref<!tpu.dma_semaphore, #tpu.memory_space<semaphore_mem>>)
        %dma_wait3A_127 = arith.constant 0 : i32
        %dma_wait3A_128 = tpu.memref_slice %arg10[%mul3A_0, %dma_wait3A_127] : memref<10240x8xf32, #tpu.memory_space<hbm>> -> memref<640x8xf32, #tpu.memory_space<hbm>>
        %dma_wait3A_129 = arith.constant 0 : i32
        %dma_wait3A_130 = tpu.memref_slice %arg19[%mul3A_0, %dma_wait3A_129] : memref<10240x8xf32, #tpu.memory_space<vmem_shared>> -> memref<640x8xf32, #tpu.memory_space<vmem_shared>>
        tpu.wait_dma2 semaphore(%run_scoped3A_122 : memref<!tpu.dma_semaphore, #tpu.memory_space<semaphore_mem>>) src(%dma_wait3A_130 : memref<640x8xf32, #tpu.memory_space<vmem_shared>>) dst(%dma_wait3A_128 : memref<640x8xf32, #tpu.memory_space<hbm>>)
        tpu.yield
      }) : () -> ()
    } else {
    }
    %eq3A_117 = arith.constant 1 : i32
    %eq3A_118 = arith.cmpi eq, %arg0, %eq3A_117 : i32
    %convert_element_type3A_119 = arith.extui %eq3A_118 : i1 to i32
    %cond3A_120 = arith.constant 0 : i32
    %cond3A_121 = arith.cmpi ne, %convert_element_type3A_119, %cond3A_120 : i32
    scf.if %cond3A_121 {
      "tpu.region"() ({
        %run_scoped3A_122 = tpu.sem_alloc : memref<!tpu.dma_semaphore, #tpu.memory_space<semaphore_mem>>
        %dma_start3A_123 = arith.constant 0 : i32
        %dma_start3A_124 = tpu.memref_slice %arg9[%mul3A_0, %dma_start3A_123] : memref<10240x64xf32, #tpu.memory_space<hbm>> -> memref<640x64xf32, #tpu.memory_space<hbm>>
        %dma_start3A_125 = arith.constant 0 : i32
        %dma_start3A_126 = tpu.memref_slice %arg18[%mul3A_0, %dma_start3A_125] : memref<10240x64xf32, #tpu.memory_space<vmem_shared>> -> memref<640x64xf32, #tpu.memory_space<vmem_shared>>
        tpu.enqueue_dma source(%dma_start3A_126 : memref<640x64xf32, #tpu.memory_space<vmem_shared>>) target(%dma_start3A_124 : memref<640x64xf32, #tpu.memory_space<hbm>>) target_semaphore(%run_scoped3A_122 : memref<!tpu.dma_semaphore, #tpu.memory_space<semaphore_mem>>)
        %dma_wait3A_127 = arith.constant 0 : i32
        %dma_wait3A_128 = tpu.memref_slice %arg9[%mul3A_0, %dma_wait3A_127] : memref<10240x64xf32, #tpu.memory_space<hbm>> -> memref<640x64xf32, #tpu.memory_space<hbm>>
        %dma_wait3A_129 = arith.constant 0 : i32
        %dma_wait3A_130 = tpu.memref_slice %arg18[%mul3A_0, %dma_wait3A_129] : memref<10240x64xf32, #tpu.memory_space<vmem_shared>> -> memref<640x64xf32, #tpu.memory_space<vmem_shared>>
        tpu.wait_dma2 semaphore(%run_scoped3A_122 : memref<!tpu.dma_semaphore, #tpu.memory_space<semaphore_mem>>) src(%dma_wait3A_130 : memref<640x64xf32, #tpu.memory_space<vmem_shared>>) dst(%dma_wait3A_128 : memref<640x64xf32, #tpu.memory_space<hbm>>)
        tpu.yield
      }) : () -> ()
    } else {
    }
    return
  }
}

#map = affine_map<(d0, d1) -> (0, 0, 0)>
#map1 = affine_map<(d0, d1) -> (0, 0)>
module attributes {stable_mosaic.version = 14 : i64} {
  func.func @_agg_body(%arg0: i32, %arg1: i32, %arg2: memref<16x160x128xi32, #tpu.memory_space<hbm>>, %arg3: memref<16x160x128xi32, #tpu.memory_space<hbm>>, %arg4: memref<16x160x128xi32, #tpu.memory_space<hbm>>, %arg5: memref<20000x64xf32, #tpu.memory_space<hbm>>, %arg6: memref<10240x64xf32, #tpu.memory_space<hbm>>, %arg7: memref<10240x64xf32, #tpu.memory_space<hbm>>, %arg8: memref<160x128xi32, #tpu.memory_space<vmem>>, %arg9: memref<160x128xi32, #tpu.memory_space<vmem>>, %arg10: memref<128x64xf32, #tpu.memory_space<vmem>>, %arg11: memref<128x64xf32, #tpu.memory_space<vmem>>, %arg12: memref<128x64xf32, #tpu.memory_space<vmem>>, %arg13: memref<128x64xf32, #tpu.memory_space<vmem>>, %arg14: memref<10240x64xf32, #tpu.memory_space<vmem_shared>>, %arg15: memref<!tpu.dma_semaphore, #tpu.memory_space<semaphore_mem>>, %arg16: memref<!tpu.dma_semaphore, #tpu.memory_space<semaphore_mem>>, %arg17: memref<!tpu.dma_semaphore, #tpu.memory_space<semaphore_mem>>, %arg18: memref<!tpu.dma_semaphore, #tpu.memory_space<semaphore_mem>>) attributes {dimension_semantics = [#tpu.dimension_semantics<core_parallel>, #tpu.dimension_semantics<subcore_parallel>], iteration_bounds = array<i64: 2, 16>, scalar_prefetch = 0 : i64, scratch_operands = 11 : i64, tpu.core_type = #tpu.core_type<sc_vector_subcore>, window_params = [{transform_indices = #map}, {transform_indices = #map}, {transform_indices = #map}, {transform_indices = #map1}, {transform_indices = #map1}, {transform_indices = #map1}]} {
    %mul3A = arith.constant 640 : i32
    %mul3A_0 = arith.muli %arg1, %mul3A : i32
    %broadcast_in_dim3A = arith.constant 0.000000e+00 : f32
    %broadcast_in_dim3A_1 = vector.broadcast %broadcast_in_dim3A : f32 to vector<16xf32>
    %scan3A = arith.constant 0 : i32
    %scan3A_2 = arith.constant 0 : i32
    %scan3A_3 = arith.constant 128 : i32
    %scan3A_4 = arith.addi %scan3A_2, %scan3A_3 : i32
    %scan3A_5 = arith.constant 1 : i32
    scf.for %scan3A_97 = %scan3A_2 to %scan3A_4 step %scan3A_5  : i32 {
      %swap3A = arith.index_cast %scan3A_97 : i32 to index
      %swap3A_98 = arith.constant 0 : index
      %swap3A_99 = tpu.vector_load %arg10[%swap3A, %swap3A_98] {strides = array<i32>} : memref<128x64xf32, #tpu.memory_space<vmem>>, vector<1x16xf32>,
      %swap3A_100 = vector.shape_cast %swap3A_99 : vector<1x16xf32> to vector<16xf32>
      %swap3A_101 = vector.shape_cast %broadcast_in_dim3A_1 : vector<16xf32> to vector<1x16xf32>
      tpu.vector_store %arg10[%swap3A, %swap3A_98], %swap3A_101 {strides = array<i32>} : memref<128x64xf32, #tpu.memory_space<vmem>>, vector<1x16xf32>,
      %swap3A_102 = arith.index_cast %scan3A_97 : i32 to index
      %swap3A_103 = arith.constant 16 : index
      %swap3A_104 = tpu.vector_load %arg10[%swap3A_102, %swap3A_103] {strides = array<i32>} : memref<128x64xf32, #tpu.memory_space<vmem>>, vector<1x16xf32>,
      %swap3A_105 = vector.shape_cast %swap3A_104 : vector<1x16xf32> to vector<16xf32>
      %swap3A_106 = vector.shape_cast %broadcast_in_dim3A_1 : vector<16xf32> to vector<1x16xf32>
      tpu.vector_store %arg10[%swap3A_102, %swap3A_103], %swap3A_106 {strides = array<i32>} : memref<128x64xf32, #tpu.memory_space<vmem>>, vector<1x16xf32>,
      %swap3A_107 = arith.index_cast %scan3A_97 : i32 to index
      %swap3A_108 = arith.constant 32 : index
      %swap3A_109 = tpu.vector_load %arg10[%swap3A_107, %swap3A_108] {strides = array<i32>} : memref<128x64xf32, #tpu.memory_space<vmem>>, vector<1x16xf32>,
      %swap3A_110 = vector.shape_cast %swap3A_109 : vector<1x16xf32> to vector<16xf32>
      %swap3A_111 = vector.shape_cast %broadcast_in_dim3A_1 : vector<16xf32> to vector<1x16xf32>
      tpu.vector_store %arg10[%swap3A_107, %swap3A_108], %swap3A_111 {strides = array<i32>} : memref<128x64xf32, #tpu.memory_space<vmem>>, vector<1x16xf32>,
      %swap3A_112 = arith.index_cast %scan3A_97 : i32 to index
      %swap3A_113 = arith.constant 48 : index
      %swap3A_114 = tpu.vector_load %arg10[%swap3A_112, %swap3A_113] {strides = array<i32>} : memref<128x64xf32, #tpu.memory_space<vmem>>, vector<1x16xf32>,
      %swap3A_115 = vector.shape_cast %swap3A_114 : vector<1x16xf32> to vector<16xf32>
      %swap3A_116 = vector.shape_cast %broadcast_in_dim3A_1 : vector<16xf32> to vector<1x16xf32>
      tpu.vector_store %arg10[%swap3A_112, %swap3A_113], %swap3A_116 {strides = array<i32>} : memref<128x64xf32, #tpu.memory_space<vmem>>, vector<1x16xf32>,
    }
    %scan3A_6 = arith.constant 128 : i32
    %add3A = arith.constant 0 : i32
    %add3A_7 = arith.addi %mul3A_0, %add3A : i32
    "tpu.region"() ({
      %run_scoped3A_97 = tpu.sem_alloc : memref<!tpu.dma_semaphore, #tpu.memory_space<semaphore_mem>>
      %dma_start3A_98 = arith.constant 0 : i32
      %dma_start3A_99 = tpu.memref_slice %arg14[%add3A_7, %dma_start3A_98] : memref<10240x64xf32, #tpu.memory_space<vmem_shared>> -> memref<128x64xf32, #tpu.memory_space<vmem_shared>>
      %dma_start3A_100 = arith.constant 0 : i32
      %dma_start3A_101 = tpu.memref_slice %arg14[%add3A_7, %dma_start3A_100] : memref<10240x64xf32, #tpu.memory_space<vmem_shared>> -> memref<128x64xf32, #tpu.memory_space<vmem_shared>>
      tpu.enqueue_dma source(%arg10 : memref<128x64xf32, #tpu.memory_space<vmem>>) target(%dma_start3A_101 : memref<128x64xf32, #tpu.memory_space<vmem_shared>>) target_semaphore(%run_scoped3A_97 : memref<!tpu.dma_semaphore, #tpu.memory_space<semaphore_mem>>)
      %dma_wait3A_102 = arith.constant 0 : i32
      %dma_wait3A_103 = tpu.memref_slice %arg14[%add3A_7, %dma_wait3A_102] : memref<10240x64xf32, #tpu.memory_space<vmem_shared>> -> memref<128x64xf32, #tpu.memory_space<vmem_shared>>
      %dma_wait3A_104 = arith.constant 0 : i32
      %dma_wait3A_105 = tpu.memref_slice %arg14[%add3A_7, %dma_wait3A_104] : memref<10240x64xf32, #tpu.memory_space<vmem_shared>> -> memref<128x64xf32, #tpu.memory_space<vmem_shared>>
      tpu.wait_dma2 semaphore(%run_scoped3A_97 : memref<!tpu.dma_semaphore, #tpu.memory_space<semaphore_mem>>) src(%arg10 : memref<128x64xf32, #tpu.memory_space<vmem>>) dst(%dma_wait3A_105 : memref<128x64xf32, #tpu.memory_space<vmem_shared>>)
      tpu.yield
    }) : () -> ()
    %add3A_8 = arith.constant 128 : i32
    %add3A_9 = arith.addi %mul3A_0, %add3A_8 : i32
    "tpu.region"() ({
      %run_scoped3A_97 = tpu.sem_alloc : memref<!tpu.dma_semaphore, #tpu.memory_space<semaphore_mem>>
      %dma_start3A_98 = arith.constant 0 : i32
      %dma_start3A_99 = tpu.memref_slice %arg14[%add3A_9, %dma_start3A_98] : memref<10240x64xf32, #tpu.memory_space<vmem_shared>> -> memref<128x64xf32, #tpu.memory_space<vmem_shared>>
      %dma_start3A_100 = arith.constant 0 : i32
      %dma_start3A_101 = tpu.memref_slice %arg14[%add3A_9, %dma_start3A_100] : memref<10240x64xf32, #tpu.memory_space<vmem_shared>> -> memref<128x64xf32, #tpu.memory_space<vmem_shared>>
      tpu.enqueue_dma source(%arg10 : memref<128x64xf32, #tpu.memory_space<vmem>>) target(%dma_start3A_101 : memref<128x64xf32, #tpu.memory_space<vmem_shared>>) target_semaphore(%run_scoped3A_97 : memref<!tpu.dma_semaphore, #tpu.memory_space<semaphore_mem>>)
      %dma_wait3A_102 = arith.constant 0 : i32
      %dma_wait3A_103 = tpu.memref_slice %arg14[%add3A_9, %dma_wait3A_102] : memref<10240x64xf32, #tpu.memory_space<vmem_shared>> -> memref<128x64xf32, #tpu.memory_space<vmem_shared>>
      %dma_wait3A_104 = arith.constant 0 : i32
      %dma_wait3A_105 = tpu.memref_slice %arg14[%add3A_9, %dma_wait3A_104] : memref<10240x64xf32, #tpu.memory_space<vmem_shared>> -> memref<128x64xf32, #tpu.memory_space<vmem_shared>>
      tpu.wait_dma2 semaphore(%run_scoped3A_97 : memref<!tpu.dma_semaphore, #tpu.memory_space<semaphore_mem>>) src(%arg10 : memref<128x64xf32, #tpu.memory_space<vmem>>) dst(%dma_wait3A_105 : memref<128x64xf32, #tpu.memory_space<vmem_shared>>)
      tpu.yield
    }) : () -> ()
    %add3A_10 = arith.constant 256 : i32
    %add3A_11 = arith.addi %mul3A_0, %add3A_10 : i32
    "tpu.region"() ({
      %run_scoped3A_97 = tpu.sem_alloc : memref<!tpu.dma_semaphore, #tpu.memory_space<semaphore_mem>>
      %dma_start3A_98 = arith.constant 0 : i32
      %dma_start3A_99 = tpu.memref_slice %arg14[%add3A_11, %dma_start3A_98] : memref<10240x64xf32, #tpu.memory_space<vmem_shared>> -> memref<128x64xf32, #tpu.memory_space<vmem_shared>>
      %dma_start3A_100 = arith.constant 0 : i32
      %dma_start3A_101 = tpu.memref_slice %arg14[%add3A_11, %dma_start3A_100] : memref<10240x64xf32, #tpu.memory_space<vmem_shared>> -> memref<128x64xf32, #tpu.memory_space<vmem_shared>>
      tpu.enqueue_dma source(%arg10 : memref<128x64xf32, #tpu.memory_space<vmem>>) target(%dma_start3A_101 : memref<128x64xf32, #tpu.memory_space<vmem_shared>>) target_semaphore(%run_scoped3A_97 : memref<!tpu.dma_semaphore, #tpu.memory_space<semaphore_mem>>)
      %dma_wait3A_102 = arith.constant 0 : i32
      %dma_wait3A_103 = tpu.memref_slice %arg14[%add3A_11, %dma_wait3A_102] : memref<10240x64xf32, #tpu.memory_space<vmem_shared>> -> memref<128x64xf32, #tpu.memory_space<vmem_shared>>
      %dma_wait3A_104 = arith.constant 0 : i32
      %dma_wait3A_105 = tpu.memref_slice %arg14[%add3A_11, %dma_wait3A_104] : memref<10240x64xf32, #tpu.memory_space<vmem_shared>> -> memref<128x64xf32, #tpu.memory_space<vmem_shared>>
      tpu.wait_dma2 semaphore(%run_scoped3A_97 : memref<!tpu.dma_semaphore, #tpu.memory_space<semaphore_mem>>) src(%arg10 : memref<128x64xf32, #tpu.memory_space<vmem>>) dst(%dma_wait3A_105 : memref<128x64xf32, #tpu.memory_space<vmem_shared>>)
      tpu.yield
    }) : () -> ()
    %add3A_12 = arith.constant 384 : i32
    %add3A_13 = arith.addi %mul3A_0, %add3A_12 : i32
    "tpu.region"() ({
      %run_scoped3A_97 = tpu.sem_alloc : memref<!tpu.dma_semaphore, #tpu.memory_space<semaphore_mem>>
      %dma_start3A_98 = arith.constant 0 : i32
      %dma_start3A_99 = tpu.memref_slice %arg14[%add3A_13, %dma_start3A_98] : memref<10240x64xf32, #tpu.memory_space<vmem_shared>> -> memref<128x64xf32, #tpu.memory_space<vmem_shared>>
      %dma_start3A_100 = arith.constant 0 : i32
      %dma_start3A_101 = tpu.memref_slice %arg14[%add3A_13, %dma_start3A_100] : memref<10240x64xf32, #tpu.memory_space<vmem_shared>> -> memref<128x64xf32, #tpu.memory_space<vmem_shared>>
      tpu.enqueue_dma source(%arg10 : memref<128x64xf32, #tpu.memory_space<vmem>>) target(%dma_start3A_101 : memref<128x64xf32, #tpu.memory_space<vmem_shared>>) target_semaphore(%run_scoped3A_97 : memref<!tpu.dma_semaphore, #tpu.memory_space<semaphore_mem>>)
      %dma_wait3A_102 = arith.constant 0 : i32
      %dma_wait3A_103 = tpu.memref_slice %arg14[%add3A_13, %dma_wait3A_102] : memref<10240x64xf32, #tpu.memory_space<vmem_shared>> -> memref<128x64xf32, #tpu.memory_space<vmem_shared>>
      %dma_wait3A_104 = arith.constant 0 : i32
      %dma_wait3A_105 = tpu.memref_slice %arg14[%add3A_13, %dma_wait3A_104] : memref<10240x64xf32, #tpu.memory_space<vmem_shared>> -> memref<128x64xf32, #tpu.memory_space<vmem_shared>>
      tpu.wait_dma2 semaphore(%run_scoped3A_97 : memref<!tpu.dma_semaphore, #tpu.memory_space<semaphore_mem>>) src(%arg10 : memref<128x64xf32, #tpu.memory_space<vmem>>) dst(%dma_wait3A_105 : memref<128x64xf32, #tpu.memory_space<vmem_shared>>)
      tpu.yield
    }) : () -> ()
    %add3A_14 = arith.constant 512 : i32
    %add3A_15 = arith.addi %mul3A_0, %add3A_14 : i32
    "tpu.region"() ({
      %run_scoped3A_97 = tpu.sem_alloc : memref<!tpu.dma_semaphore, #tpu.memory_space<semaphore_mem>>
      %dma_start3A_98 = arith.constant 0 : i32
      %dma_start3A_99 = tpu.memref_slice %arg14[%add3A_15, %dma_start3A_98] : memref<10240x64xf32, #tpu.memory_space<vmem_shared>> -> memref<128x64xf32, #tpu.memory_space<vmem_shared>>
      %dma_start3A_100 = arith.constant 0 : i32
      %dma_start3A_101 = tpu.memref_slice %arg14[%add3A_15, %dma_start3A_100] : memref<10240x64xf32, #tpu.memory_space<vmem_shared>> -> memref<128x64xf32, #tpu.memory_space<vmem_shared>>
      tpu.enqueue_dma source(%arg10 : memref<128x64xf32, #tpu.memory_space<vmem>>) target(%dma_start3A_101 : memref<128x64xf32, #tpu.memory_space<vmem_shared>>) target_semaphore(%run_scoped3A_97 : memref<!tpu.dma_semaphore, #tpu.memory_space<semaphore_mem>>)
      %dma_wait3A_102 = arith.constant 0 : i32
      %dma_wait3A_103 = tpu.memref_slice %arg14[%add3A_15, %dma_wait3A_102] : memref<10240x64xf32, #tpu.memory_space<vmem_shared>> -> memref<128x64xf32, #tpu.memory_space<vmem_shared>>
      %dma_wait3A_104 = arith.constant 0 : i32
      %dma_wait3A_105 = tpu.memref_slice %arg14[%add3A_15, %dma_wait3A_104] : memref<10240x64xf32, #tpu.memory_space<vmem_shared>> -> memref<128x64xf32, #tpu.memory_space<vmem_shared>>
      tpu.wait_dma2 semaphore(%run_scoped3A_97 : memref<!tpu.dma_semaphore, #tpu.memory_space<semaphore_mem>>) src(%arg10 : memref<128x64xf32, #tpu.memory_space<vmem>>) dst(%dma_wait3A_105 : memref<128x64xf32, #tpu.memory_space<vmem_shared>>)
      tpu.yield
    }) : () -> ()
    %eq3A = arith.constant 0 : i32
    %eq3A_16 = arith.cmpi eq, %arg0, %eq3A : i32
    %convert_element_type3A = arith.extui %eq3A_16 : i1 to i32
    %cond3A = arith.constant 0 : i32
    %cond3A_17 = arith.cmpi ne, %convert_element_type3A, %cond3A : i32
    scf.if %cond3A_17 {
      "tpu.region"() ({
        %run_scoped3A_97 = tpu.sem_alloc : memref<!tpu.dma_semaphore, #tpu.memory_space<semaphore_mem>>
        %dma_start3A_98 = arith.constant 0 : i32
        %dma_start3A_99 = arith.constant 0 : i32
        %dma_start3A_100 = tpu.memref_slice %arg2[%arg1, %dma_start3A_98, %dma_start3A_99] : memref<16x160x128xi32, #tpu.memory_space<hbm>> -> memref<1x160x128xi32, #tpu.memory_space<hbm>>
        %dma_start3A_101 = tpu.memref_squeeze %dma_start3A_100 : memref<1x160x128xi32, #tpu.memory_space<hbm>> -> memref<160x128xi32, #tpu.memory_space<hbm>>
        %dma_start3A_102 = arith.constant 0 : i32
        %dma_start3A_103 = arith.constant 0 : i32
        %dma_start3A_104 = tpu.memref_slice %arg2[%arg1, %dma_start3A_102, %dma_start3A_103] : memref<16x160x128xi32, #tpu.memory_space<hbm>> -> memref<1x160x128xi32, #tpu.memory_space<hbm>>
        %dma_start3A_105 = tpu.memref_squeeze %dma_start3A_104 : memref<1x160x128xi32, #tpu.memory_space<hbm>> -> memref<160x128xi32, #tpu.memory_space<hbm>>
        tpu.enqueue_dma source(%dma_start3A_105 : memref<160x128xi32, #tpu.memory_space<hbm>>) target(%arg8 : memref<160x128xi32, #tpu.memory_space<vmem>>) target_semaphore(%run_scoped3A_97 : memref<!tpu.dma_semaphore, #tpu.memory_space<semaphore_mem>>)
        %dma_wait3A_106 = arith.constant 0 : i32
        %dma_wait3A_107 = arith.constant 0 : i32
        %dma_wait3A_108 = tpu.memref_slice %arg2[%arg1, %dma_wait3A_106, %dma_wait3A_107] : memref<16x160x128xi32, #tpu.memory_space<hbm>> -> memref<1x160x128xi32, #tpu.memory_space<hbm>>
        %dma_wait3A_109 = tpu.memref_squeeze %dma_wait3A_108 : memref<1x160x128xi32, #tpu.memory_space<hbm>> -> memref<160x128xi32, #tpu.memory_space<hbm>>
        %dma_wait3A_110 = arith.constant 0 : i32
        %dma_wait3A_111 = arith.constant 0 : i32
        %dma_wait3A_112 = tpu.memref_slice %arg2[%arg1, %dma_wait3A_110, %dma_wait3A_111] : memref<16x160x128xi32, #tpu.memory_space<hbm>> -> memref<1x160x128xi32, #tpu.memory_space<hbm>>
        %dma_wait3A_113 = tpu.memref_squeeze %dma_wait3A_112 : memref<1x160x128xi32, #tpu.memory_space<hbm>> -> memref<160x128xi32, #tpu.memory_space<hbm>>
        tpu.wait_dma2 semaphore(%run_scoped3A_97 : memref<!tpu.dma_semaphore, #tpu.memory_space<semaphore_mem>>) src(%dma_wait3A_113 : memref<160x128xi32, #tpu.memory_space<hbm>>) dst(%arg8 : memref<160x128xi32, #tpu.memory_space<vmem>>)
        tpu.yield
      }) : () -> ()
    } else {
    }
    %eq3A_18 = arith.constant 1 : i32
    %eq3A_19 = arith.cmpi eq, %arg0, %eq3A_18 : i32
    %convert_element_type3A_20 = arith.extui %eq3A_19 : i1 to i32
    %cond3A_21 = arith.constant 0 : i32
    %cond3A_22 = arith.cmpi ne, %convert_element_type3A_20, %cond3A_21 : i32
    scf.if %cond3A_22 {
      "tpu.region"() ({
        %run_scoped3A_97 = tpu.sem_alloc : memref<!tpu.dma_semaphore, #tpu.memory_space<semaphore_mem>>
        %dma_start3A_98 = arith.constant 0 : i32
        %dma_start3A_99 = arith.constant 0 : i32
        %dma_start3A_100 = tpu.memref_slice %arg3[%arg1, %dma_start3A_98, %dma_start3A_99] : memref<16x160x128xi32, #tpu.memory_space<hbm>> -> memref<1x160x128xi32, #tpu.memory_space<hbm>>
        %dma_start3A_101 = tpu.memref_squeeze %dma_start3A_100 : memref<1x160x128xi32, #tpu.memory_space<hbm>> -> memref<160x128xi32, #tpu.memory_space<hbm>>
        %dma_start3A_102 = arith.constant 0 : i32
        %dma_start3A_103 = arith.constant 0 : i32
        %dma_start3A_104 = tpu.memref_slice %arg3[%arg1, %dma_start3A_102, %dma_start3A_103] : memref<16x160x128xi32, #tpu.memory_space<hbm>> -> memref<1x160x128xi32, #tpu.memory_space<hbm>>
        %dma_start3A_105 = tpu.memref_squeeze %dma_start3A_104 : memref<1x160x128xi32, #tpu.memory_space<hbm>> -> memref<160x128xi32, #tpu.memory_space<hbm>>
        tpu.enqueue_dma source(%dma_start3A_105 : memref<160x128xi32, #tpu.memory_space<hbm>>) target(%arg8 : memref<160x128xi32, #tpu.memory_space<vmem>>) target_semaphore(%run_scoped3A_97 : memref<!tpu.dma_semaphore, #tpu.memory_space<semaphore_mem>>)
        %dma_wait3A_106 = arith.constant 0 : i32
        %dma_wait3A_107 = arith.constant 0 : i32
        %dma_wait3A_108 = tpu.memref_slice %arg3[%arg1, %dma_wait3A_106, %dma_wait3A_107] : memref<16x160x128xi32, #tpu.memory_space<hbm>> -> memref<1x160x128xi32, #tpu.memory_space<hbm>>
        %dma_wait3A_109 = tpu.memref_squeeze %dma_wait3A_108 : memref<1x160x128xi32, #tpu.memory_space<hbm>> -> memref<160x128xi32, #tpu.memory_space<hbm>>
        %dma_wait3A_110 = arith.constant 0 : i32
        %dma_wait3A_111 = arith.constant 0 : i32
        %dma_wait3A_112 = tpu.memref_slice %arg3[%arg1, %dma_wait3A_110, %dma_wait3A_111] : memref<16x160x128xi32, #tpu.memory_space<hbm>> -> memref<1x160x128xi32, #tpu.memory_space<hbm>>
        %dma_wait3A_113 = tpu.memref_squeeze %dma_wait3A_112 : memref<1x160x128xi32, #tpu.memory_space<hbm>> -> memref<160x128xi32, #tpu.memory_space<hbm>>
        tpu.wait_dma2 semaphore(%run_scoped3A_97 : memref<!tpu.dma_semaphore, #tpu.memory_space<semaphore_mem>>) src(%dma_wait3A_113 : memref<160x128xi32, #tpu.memory_space<hbm>>) dst(%arg8 : memref<160x128xi32, #tpu.memory_space<vmem>>)
        tpu.yield
      }) : () -> ()
    } else {
    }
    "tpu.region"() ({
      %run_scoped3A_97 = tpu.sem_alloc : memref<!tpu.dma_semaphore, #tpu.memory_space<semaphore_mem>>
      %dma_start3A_98 = arith.constant 0 : i32
      %dma_start3A_99 = arith.constant 0 : i32
      %dma_start3A_100 = tpu.memref_slice %arg4[%arg1, %dma_start3A_98, %dma_start3A_99] : memref<16x160x128xi32, #tpu.memory_space<hbm>> -> memref<1x160x128xi32, #tpu.memory_space<hbm>>
      %dma_start3A_101 = tpu.memref_squeeze %dma_start3A_100 : memref<1x160x128xi32, #tpu.memory_space<hbm>> -> memref<160x128xi32, #tpu.memory_space<hbm>>
      %dma_start3A_102 = arith.constant 0 : i32
      %dma_start3A_103 = arith.constant 0 : i32
      %dma_start3A_104 = tpu.memref_slice %arg4[%arg1, %dma_start3A_102, %dma_start3A_103] : memref<16x160x128xi32, #tpu.memory_space<hbm>> -> memref<1x160x128xi32, #tpu.memory_space<hbm>>
      %dma_start3A_105 = tpu.memref_squeeze %dma_start3A_104 : memref<1x160x128xi32, #tpu.memory_space<hbm>> -> memref<160x128xi32, #tpu.memory_space<hbm>>
      tpu.enqueue_dma source(%dma_start3A_105 : memref<160x128xi32, #tpu.memory_space<hbm>>) target(%arg9 : memref<160x128xi32, #tpu.memory_space<vmem>>) target_semaphore(%run_scoped3A_97 : memref<!tpu.dma_semaphore, #tpu.memory_space<semaphore_mem>>)
      %dma_wait3A_106 = arith.constant 0 : i32
      %dma_wait3A_107 = arith.constant 0 : i32
      %dma_wait3A_108 = tpu.memref_slice %arg4[%arg1, %dma_wait3A_106, %dma_wait3A_107] : memref<16x160x128xi32, #tpu.memory_space<hbm>> -> memref<1x160x128xi32, #tpu.memory_space<hbm>>
      %dma_wait3A_109 = tpu.memref_squeeze %dma_wait3A_108 : memref<1x160x128xi32, #tpu.memory_space<hbm>> -> memref<160x128xi32, #tpu.memory_space<hbm>>
      %dma_wait3A_110 = arith.constant 0 : i32
      %dma_wait3A_111 = arith.constant 0 : i32
      %dma_wait3A_112 = tpu.memref_slice %arg4[%arg1, %dma_wait3A_110, %dma_wait3A_111] : memref<16x160x128xi32, #tpu.memory_space<hbm>> -> memref<1x160x128xi32, #tpu.memory_space<hbm>>
      %dma_wait3A_113 = tpu.memref_squeeze %dma_wait3A_112 : memref<1x160x128xi32, #tpu.memory_space<hbm>> -> memref<160x128xi32, #tpu.memory_space<hbm>>
      tpu.wait_dma2 semaphore(%run_scoped3A_97 : memref<!tpu.dma_semaphore, #tpu.memory_space<semaphore_mem>>) src(%dma_wait3A_113 : memref<160x128xi32, #tpu.memory_space<hbm>>) dst(%arg9 : memref<160x128xi32, #tpu.memory_space<vmem>>)
      tpu.yield
    }) : () -> ()
    %barrier3A = arith.constant 0 : index
    tpu.barrier barrier_id(%barrier3A)
    %dma_start3A = arith.constant 0 : i32
    %dma_start3A_23 = arith.constant 0 : i32
    %dma_start3A_24 = tpu.memref_slice %arg8[%dma_start3A, %dma_start3A_23] : memref<160x128xi32, #tpu.memory_space<vmem>> -> memref<1x128xi32, #tpu.memory_space<vmem>>
    %dma_start3A_25 = tpu.memref_squeeze %dma_start3A_24 : memref<1x128xi32, #tpu.memory_space<vmem>> -> memref<128xi32, #tpu.memory_space<vmem>>
    %dma_start3A_26 = arith.constant 0 : i32
    %dma_start3A_27 = arith.constant 0 : i32
    %dma_start3A_28 = tpu.memref_slice %arg5[%dma_start3A_26, %dma_start3A_27] : memref<20000x64xf32, #tpu.memory_space<hbm>> -> memref<20000x64xf32, #tpu.memory_space<hbm>>
    tpu.enqueue_indirect_dma source(%dma_start3A_28 : memref<20000x64xf32, #tpu.memory_space<hbm>>) target(%arg10 : memref<128x64xf32, #tpu.memory_space<vmem>>) offsets(%dma_start3A_25 : memref<128xi32, #tpu.memory_space<vmem>>) semaphore(%arg15 : memref<!tpu.dma_semaphore, #tpu.memory_space<semaphore_mem>>)
    %dma_start3A_29 = arith.constant 1 : i32
    %dma_start3A_30 = arith.constant 0 : i32
    %dma_start3A_31 = tpu.memref_slice %arg8[%dma_start3A_29, %dma_start3A_30] : memref<160x128xi32, #tpu.memory_space<vmem>> -> memref<1x128xi32, #tpu.memory_space<vmem>>
    %dma_start3A_32 = tpu.memref_squeeze %dma_start3A_31 : memref<1x128xi32, #tpu.memory_space<vmem>> -> memref<128xi32, #tpu.memory_space<vmem>>
    %dma_start3A_33 = arith.constant 0 : i32
    %dma_start3A_34 = arith.constant 0 : i32
    %dma_start3A_35 = tpu.memref_slice %arg5[%dma_start3A_33, %dma_start3A_34] : memref<20000x64xf32, #tpu.memory_space<hbm>> -> memref<20000x64xf32, #tpu.memory_space<hbm>>
    tpu.enqueue_indirect_dma source(%dma_start3A_35 : memref<20000x64xf32, #tpu.memory_space<hbm>>) target(%arg11 : memref<128x64xf32, #tpu.memory_space<vmem>>) offsets(%dma_start3A_32 : memref<128xi32, #tpu.memory_space<vmem>>) semaphore(%arg16 : memref<!tpu.dma_semaphore, #tpu.memory_space<semaphore_mem>>)
    %dma_start3A_36 = arith.constant 2 : i32
    %dma_start3A_37 = arith.constant 0 : i32
    %dma_start3A_38 = tpu.memref_slice %arg8[%dma_start3A_36, %dma_start3A_37] : memref<160x128xi32, #tpu.memory_space<vmem>> -> memref<1x128xi32, #tpu.memory_space<vmem>>
    %dma_start3A_39 = tpu.memref_squeeze %dma_start3A_38 : memref<1x128xi32, #tpu.memory_space<vmem>> -> memref<128xi32, #tpu.memory_space<vmem>>
    %dma_start3A_40 = arith.constant 0 : i32
    %dma_start3A_41 = arith.constant 0 : i32
    %dma_start3A_42 = tpu.memref_slice %arg5[%dma_start3A_40, %dma_start3A_41] : memref<20000x64xf32, #tpu.memory_space<hbm>> -> memref<20000x64xf32, #tpu.memory_space<hbm>>
    tpu.enqueue_indirect_dma source(%dma_start3A_42 : memref<20000x64xf32, #tpu.memory_space<hbm>>) target(%arg12 : memref<128x64xf32, #tpu.memory_space<vmem>>) offsets(%dma_start3A_39 : memref<128xi32, #tpu.memory_space<vmem>>) semaphore(%arg17 : memref<!tpu.dma_semaphore, #tpu.memory_space<semaphore_mem>>)
    %dma_start3A_43 = arith.constant 3 : i32
    %dma_start3A_44 = arith.constant 0 : i32
    %dma_start3A_45 = tpu.memref_slice %arg8[%dma_start3A_43, %dma_start3A_44] : memref<160x128xi32, #tpu.memory_space<vmem>> -> memref<1x128xi32, #tpu.memory_space<vmem>>
    %dma_start3A_46 = tpu.memref_squeeze %dma_start3A_45 : memref<1x128xi32, #tpu.memory_space<vmem>> -> memref<128xi32, #tpu.memory_space<vmem>>
    %dma_start3A_47 = arith.constant 0 : i32
    %dma_start3A_48 = arith.constant 0 : i32
    %dma_start3A_49 = tpu.memref_slice %arg5[%dma_start3A_47, %dma_start3A_48] : memref<20000x64xf32, #tpu.memory_space<hbm>> -> memref<20000x64xf32, #tpu.memory_space<hbm>>
    tpu.enqueue_indirect_dma source(%dma_start3A_49 : memref<20000x64xf32, #tpu.memory_space<hbm>>) target(%arg13 : memref<128x64xf32, #tpu.memory_space<vmem>>) offsets(%dma_start3A_46 : memref<128xi32, #tpu.memory_space<vmem>>) semaphore(%arg18 : memref<!tpu.dma_semaphore, #tpu.memory_space<semaphore_mem>>)
    %scan3A_50 = arith.constant 0 : i32
    %scan3A_51 = arith.constant 0 : i32
    %scan3A_52 = arith.constant 39 : i32
    %scan3A_53 = arith.addi %scan3A_51, %scan3A_52 : i32
    %scan3A_54 = arith.constant 1 : i32
    scf.for %scan3A_97 = %scan3A_51 to %scan3A_53 step %scan3A_54  : i32 {
      %mul3A_98 = arith.constant 4 : i32
      %mul3A_99 = arith.muli %scan3A_97, %mul3A_98 : i32
      %dma_wait3A_100 = arith.constant 0 : i32
      %dma_wait3A_101 = arith.constant 0 : i32
      %dma_wait3A_102 = tpu.memref_slice %arg8[%dma_wait3A_100, %dma_wait3A_101] : memref<160x128xi32, #tpu.memory_space<vmem>> -> memref<1x128xi32, #tpu.memory_space<vmem>>
      %dma_wait3A_103 = tpu.memref_squeeze %dma_wait3A_102 : memref<1x128xi32, #tpu.memory_space<vmem>> -> memref<128xi32, #tpu.memory_space<vmem>>
      %dma_wait3A_104 = arith.constant 0 : i32
      %dma_wait3A_105 = arith.constant 0 : i32
      %dma_wait3A_106 = tpu.memref_slice %arg5[%dma_wait3A_104, %dma_wait3A_105] : memref<20000x64xf32, #tpu.memory_space<hbm>> -> memref<20000x64xf32, #tpu.memory_space<hbm>>
      tpu.wait_indirect_dma semaphore(%arg15 : memref<!tpu.dma_semaphore, #tpu.memory_space<semaphore_mem>>) src(%dma_wait3A_106 : memref<20000x64xf32, #tpu.memory_space<hbm>>) dst(%arg10 : memref<128x64xf32, #tpu.memory_space<vmem>>)
      %add3A_107 = arith.constant 0 : i32
      %add3A_108 = arith.addi %mul3A_99, %add3A_107 : i32
      "tpu.region"() ({
        %run_scoped3A_176 = tpu.sem_alloc : memref<!tpu.dma_semaphore, #tpu.memory_space<semaphore_mem>>
        %dma_start3A_177 = arith.constant 0 : i32
        %dma_start3A_178 = tpu.memref_slice %arg9[%add3A_108, %dma_start3A_177] : memref<160x128xi32, #tpu.memory_space<vmem>> -> memref<1x128xi32, #tpu.memory_space<vmem>>
        %dma_start3A_179 = tpu.memref_squeeze %dma_start3A_178 : memref<1x128xi32, #tpu.memory_space<vmem>> -> memref<128xi32, #tpu.memory_space<vmem>>
        %dma_start3A_180 = arith.constant 0 : i32
        %dma_start3A_181 = arith.constant 0 : i32
        %dma_start3A_182 = tpu.memref_slice %arg14[%dma_start3A_180, %dma_start3A_181] : memref<10240x64xf32, #tpu.memory_space<vmem_shared>> -> memref<10240x64xf32, #tpu.memory_space<vmem_shared>>
        tpu.enqueue_indirect_dma source(%arg10 : memref<128x64xf32, #tpu.memory_space<vmem>>) target(%dma_start3A_182 : memref<10240x64xf32, #tpu.memory_space<vmem_shared>>) offsets(%dma_start3A_179 : memref<128xi32, #tpu.memory_space<vmem>>) semaphore(%run_scoped3A_176 : memref<!tpu.dma_semaphore, #tpu.memory_space<semaphore_mem>>) {add = true}
        %dma_wait3A_183 = arith.constant 0 : i32
        %dma_wait3A_184 = tpu.memref_slice %arg9[%add3A_108, %dma_wait3A_183] : memref<160x128xi32, #tpu.memory_space<vmem>> -> memref<1x128xi32, #tpu.memory_space<vmem>>
        %dma_wait3A_185 = tpu.memref_squeeze %dma_wait3A_184 : memref<1x128xi32, #tpu.memory_space<vmem>> -> memref<128xi32, #tpu.memory_space<vmem>>
        %dma_wait3A_186 = arith.constant 0 : i32
        %dma_wait3A_187 = arith.constant 0 : i32
        %dma_wait3A_188 = tpu.memref_slice %arg14[%dma_wait3A_186, %dma_wait3A_187] : memref<10240x64xf32, #tpu.memory_space<vmem_shared>> -> memref<10240x64xf32, #tpu.memory_space<vmem_shared>>
        tpu.wait_indirect_dma semaphore(%run_scoped3A_176 : memref<!tpu.dma_semaphore, #tpu.memory_space<semaphore_mem>>) src(%arg10 : memref<128x64xf32, #tpu.memory_space<vmem>>) dst(%dma_wait3A_188 : memref<10240x64xf32, #tpu.memory_space<vmem_shared>>)
        tpu.yield
      }) : () -> ()
      %add3A_109 = arith.constant 4 : i32
      %add3A_110 = arith.addi %mul3A_99, %add3A_109 : i32
      %add3A_111 = arith.constant 0 : i32
      %add3A_112 = arith.addi %add3A_110, %add3A_111 : i32
      %dma_start3A_113 = arith.constant 0 : i32
      %dma_start3A_114 = tpu.memref_slice %arg8[%add3A_112, %dma_start3A_113] : memref<160x128xi32, #tpu.memory_space<vmem>> -> memref<1x128xi32, #tpu.memory_space<vmem>>
      %dma_start3A_115 = tpu.memref_squeeze %dma_start3A_114 : memref<1x128xi32, #tpu.memory_space<vmem>> -> memref<128xi32, #tpu.memory_space<vmem>>
      %dma_start3A_116 = arith.constant 0 : i32
      %dma_start3A_117 = arith.constant 0 : i32
      %dma_start3A_118 = tpu.memref_slice %arg5[%dma_start3A_116, %dma_start3A_117] : memref<20000x64xf32, #tpu.memory_space<hbm>> -> memref<20000x64xf32, #tpu.memory_space<hbm>>
      tpu.enqueue_indirect_dma source(%dma_start3A_118 : memref<20000x64xf32, #tpu.memory_space<hbm>>) target(%arg10 : memref<128x64xf32, #tpu.memory_space<vmem>>) offsets(%dma_start3A_115 : memref<128xi32, #tpu.memory_space<vmem>>) semaphore(%arg15 : memref<!tpu.dma_semaphore, #tpu.memory_space<semaphore_mem>>)
      %dma_wait3A_119 = arith.constant 0 : i32
      %dma_wait3A_120 = arith.constant 0 : i32
      %dma_wait3A_121 = tpu.memref_slice %arg8[%dma_wait3A_119, %dma_wait3A_120] : memref<160x128xi32, #tpu.memory_space<vmem>> -> memref<1x128xi32, #tpu.memory_space<vmem>>
      %dma_wait3A_122 = tpu.memref_squeeze %dma_wait3A_121 : memref<1x128xi32, #tpu.memory_space<vmem>> -> memref<128xi32, #tpu.memory_space<vmem>>
      %dma_wait3A_123 = arith.constant 0 : i32
      %dma_wait3A_124 = arith.constant 0 : i32
      %dma_wait3A_125 = tpu.memref_slice %arg5[%dma_wait3A_123, %dma_wait3A_124] : memref<20000x64xf32, #tpu.memory_space<hbm>> -> memref<20000x64xf32, #tpu.memory_space<hbm>>
      tpu.wait_indirect_dma semaphore(%arg16 : memref<!tpu.dma_semaphore, #tpu.memory_space<semaphore_mem>>) src(%dma_wait3A_125 : memref<20000x64xf32, #tpu.memory_space<hbm>>) dst(%arg11 : memref<128x64xf32, #tpu.memory_space<vmem>>)
      %add3A_126 = arith.constant 1 : i32
      %add3A_127 = arith.addi %mul3A_99, %add3A_126 : i32
      "tpu.region"() ({
        %run_scoped3A_176 = tpu.sem_alloc : memref<!tpu.dma_semaphore, #tpu.memory_space<semaphore_mem>>
        %dma_start3A_177 = arith.constant 0 : i32
        %dma_start3A_178 = tpu.memref_slice %arg9[%add3A_127, %dma_start3A_177] : memref<160x128xi32, #tpu.memory_space<vmem>> -> memref<1x128xi32, #tpu.memory_space<vmem>>
        %dma_start3A_179 = tpu.memref_squeeze %dma_start3A_178 : memref<1x128xi32, #tpu.memory_space<vmem>> -> memref<128xi32, #tpu.memory_space<vmem>>
        %dma_start3A_180 = arith.constant 0 : i32
        %dma_start3A_181 = arith.constant 0 : i32
        %dma_start3A_182 = tpu.memref_slice %arg14[%dma_start3A_180, %dma_start3A_181] : memref<10240x64xf32, #tpu.memory_space<vmem_shared>> -> memref<10240x64xf32, #tpu.memory_space<vmem_shared>>
        tpu.enqueue_indirect_dma source(%arg11 : memref<128x64xf32, #tpu.memory_space<vmem>>) target(%dma_start3A_182 : memref<10240x64xf32, #tpu.memory_space<vmem_shared>>) offsets(%dma_start3A_179 : memref<128xi32, #tpu.memory_space<vmem>>) semaphore(%run_scoped3A_176 : memref<!tpu.dma_semaphore, #tpu.memory_space<semaphore_mem>>) {add = true}
        %dma_wait3A_183 = arith.constant 0 : i32
        %dma_wait3A_184 = tpu.memref_slice %arg9[%add3A_127, %dma_wait3A_183] : memref<160x128xi32, #tpu.memory_space<vmem>> -> memref<1x128xi32, #tpu.memory_space<vmem>>
        %dma_wait3A_185 = tpu.memref_squeeze %dma_wait3A_184 : memref<1x128xi32, #tpu.memory_space<vmem>> -> memref<128xi32, #tpu.memory_space<vmem>>
        %dma_wait3A_186 = arith.constant 0 : i32
        %dma_wait3A_187 = arith.constant 0 : i32
        %dma_wait3A_188 = tpu.memref_slice %arg14[%dma_wait3A_186, %dma_wait3A_187] : memref<10240x64xf32, #tpu.memory_space<vmem_shared>> -> memref<10240x64xf32, #tpu.memory_space<vmem_shared>>
        tpu.wait_indirect_dma semaphore(%run_scoped3A_176 : memref<!tpu.dma_semaphore, #tpu.memory_space<semaphore_mem>>) src(%arg11 : memref<128x64xf32, #tpu.memory_space<vmem>>) dst(%dma_wait3A_188 : memref<10240x64xf32, #tpu.memory_space<vmem_shared>>)
        tpu.yield
      }) : () -> ()
      %add3A_128 = arith.constant 4 : i32
      %add3A_129 = arith.addi %mul3A_99, %add3A_128 : i32
      %add3A_130 = arith.constant 1 : i32
      %add3A_131 = arith.addi %add3A_129, %add3A_130 : i32
      %dma_start3A_132 = arith.constant 0 : i32
      %dma_start3A_133 = tpu.memref_slice %arg8[%add3A_131, %dma_start3A_132] : memref<160x128xi32, #tpu.memory_space<vmem>> -> memref<1x128xi32, #tpu.memory_space<vmem>>
      %dma_start3A_134 = tpu.memref_squeeze %dma_start3A_133 : memref<1x128xi32, #tpu.memory_space<vmem>> -> memref<128xi32, #tpu.memory_space<vmem>>
      %dma_start3A_135 = arith.constant 0 : i32
      %dma_start3A_136 = arith.constant 0 : i32
      %dma_start3A_137 = tpu.memref_slice %arg5[%dma_start3A_135, %dma_start3A_136] : memref<20000x64xf32, #tpu.memory_space<hbm>> -> memref<20000x64xf32, #tpu.memory_space<hbm>>
      tpu.enqueue_indirect_dma source(%dma_start3A_137 : memref<20000x64xf32, #tpu.memory_space<hbm>>) target(%arg11 : memref<128x64xf32, #tpu.memory_space<vmem>>) offsets(%dma_start3A_134 : memref<128xi32, #tpu.memory_space<vmem>>) semaphore(%arg16 : memref<!tpu.dma_semaphore, #tpu.memory_space<semaphore_mem>>)
      %dma_wait3A_138 = arith.constant 0 : i32
      %dma_wait3A_139 = arith.constant 0 : i32
      %dma_wait3A_140 = tpu.memref_slice %arg8[%dma_wait3A_138, %dma_wait3A_139] : memref<160x128xi32, #tpu.memory_space<vmem>> -> memref<1x128xi32, #tpu.memory_space<vmem>>
      %dma_wait3A_141 = tpu.memref_squeeze %dma_wait3A_140 : memref<1x128xi32, #tpu.memory_space<vmem>> -> memref<128xi32, #tpu.memory_space<vmem>>
      %dma_wait3A_142 = arith.constant 0 : i32
      %dma_wait3A_143 = arith.constant 0 : i32
      %dma_wait3A_144 = tpu.memref_slice %arg5[%dma_wait3A_142, %dma_wait3A_143] : memref<20000x64xf32, #tpu.memory_space<hbm>> -> memref<20000x64xf32, #tpu.memory_space<hbm>>
      tpu.wait_indirect_dma semaphore(%arg17 : memref<!tpu.dma_semaphore, #tpu.memory_space<semaphore_mem>>) src(%dma_wait3A_144 : memref<20000x64xf32, #tpu.memory_space<hbm>>) dst(%arg12 : memref<128x64xf32, #tpu.memory_space<vmem>>)
      %add3A_145 = arith.constant 2 : i32
      %add3A_146 = arith.addi %mul3A_99, %add3A_145 : i32
      "tpu.region"() ({
        %run_scoped3A_176 = tpu.sem_alloc : memref<!tpu.dma_semaphore, #tpu.memory_space<semaphore_mem>>
        %dma_start3A_177 = arith.constant 0 : i32
        %dma_start3A_178 = tpu.memref_slice %arg9[%add3A_146, %dma_start3A_177] : memref<160x128xi32, #tpu.memory_space<vmem>> -> memref<1x128xi32, #tpu.memory_space<vmem>>
        %dma_start3A_179 = tpu.memref_squeeze %dma_start3A_178 : memref<1x128xi32, #tpu.memory_space<vmem>> -> memref<128xi32, #tpu.memory_space<vmem>>
        %dma_start3A_180 = arith.constant 0 : i32
        %dma_start3A_181 = arith.constant 0 : i32
        %dma_start3A_182 = tpu.memref_slice %arg14[%dma_start3A_180, %dma_start3A_181] : memref<10240x64xf32, #tpu.memory_space<vmem_shared>> -> memref<10240x64xf32, #tpu.memory_space<vmem_shared>>
        tpu.enqueue_indirect_dma source(%arg12 : memref<128x64xf32, #tpu.memory_space<vmem>>) target(%dma_start3A_182 : memref<10240x64xf32, #tpu.memory_space<vmem_shared>>) offsets(%dma_start3A_179 : memref<128xi32, #tpu.memory_space<vmem>>) semaphore(%run_scoped3A_176 : memref<!tpu.dma_semaphore, #tpu.memory_space<semaphore_mem>>) {add = true}
        %dma_wait3A_183 = arith.constant 0 : i32
        %dma_wait3A_184 = tpu.memref_slice %arg9[%add3A_146, %dma_wait3A_183] : memref<160x128xi32, #tpu.memory_space<vmem>> -> memref<1x128xi32, #tpu.memory_space<vmem>>
        %dma_wait3A_185 = tpu.memref_squeeze %dma_wait3A_184 : memref<1x128xi32, #tpu.memory_space<vmem>> -> memref<128xi32, #tpu.memory_space<vmem>>
        %dma_wait3A_186 = arith.constant 0 : i32
        %dma_wait3A_187 = arith.constant 0 : i32
        %dma_wait3A_188 = tpu.memref_slice %arg14[%dma_wait3A_186, %dma_wait3A_187] : memref<10240x64xf32, #tpu.memory_space<vmem_shared>> -> memref<10240x64xf32, #tpu.memory_space<vmem_shared>>
        tpu.wait_indirect_dma semaphore(%run_scoped3A_176 : memref<!tpu.dma_semaphore, #tpu.memory_space<semaphore_mem>>) src(%arg12 : memref<128x64xf32, #tpu.memory_space<vmem>>) dst(%dma_wait3A_188 : memref<10240x64xf32, #tpu.memory_space<vmem_shared>>)
        tpu.yield
      }) : () -> ()
      %add3A_147 = arith.constant 4 : i32
      %add3A_148 = arith.addi %mul3A_99, %add3A_147 : i32
      %add3A_149 = arith.constant 2 : i32
      %add3A_150 = arith.addi %add3A_148, %add3A_149 : i32
      %dma_start3A_151 = arith.constant 0 : i32
      %dma_start3A_152 = tpu.memref_slice %arg8[%add3A_150, %dma_start3A_151] : memref<160x128xi32, #tpu.memory_space<vmem>> -> memref<1x128xi32, #tpu.memory_space<vmem>>
      %dma_start3A_153 = tpu.memref_squeeze %dma_start3A_152 : memref<1x128xi32, #tpu.memory_space<vmem>> -> memref<128xi32, #tpu.memory_space<vmem>>
      %dma_start3A_154 = arith.constant 0 : i32
      %dma_start3A_155 = arith.constant 0 : i32
      %dma_start3A_156 = tpu.memref_slice %arg5[%dma_start3A_154, %dma_start3A_155] : memref<20000x64xf32, #tpu.memory_space<hbm>> -> memref<20000x64xf32, #tpu.memory_space<hbm>>
      tpu.enqueue_indirect_dma source(%dma_start3A_156 : memref<20000x64xf32, #tpu.memory_space<hbm>>) target(%arg12 : memref<128x64xf32, #tpu.memory_space<vmem>>) offsets(%dma_start3A_153 : memref<128xi32, #tpu.memory_space<vmem>>) semaphore(%arg17 : memref<!tpu.dma_semaphore, #tpu.memory_space<semaphore_mem>>)
      %dma_wait3A_157 = arith.constant 0 : i32
      %dma_wait3A_158 = arith.constant 0 : i32
      %dma_wait3A_159 = tpu.memref_slice %arg8[%dma_wait3A_157, %dma_wait3A_158] : memref<160x128xi32, #tpu.memory_space<vmem>> -> memref<1x128xi32, #tpu.memory_space<vmem>>
      %dma_wait3A_160 = tpu.memref_squeeze %dma_wait3A_159 : memref<1x128xi32, #tpu.memory_space<vmem>> -> memref<128xi32, #tpu.memory_space<vmem>>
      %dma_wait3A_161 = arith.constant 0 : i32
      %dma_wait3A_162 = arith.constant 0 : i32
      %dma_wait3A_163 = tpu.memref_slice %arg5[%dma_wait3A_161, %dma_wait3A_162] : memref<20000x64xf32, #tpu.memory_space<hbm>> -> memref<20000x64xf32, #tpu.memory_space<hbm>>
      tpu.wait_indirect_dma semaphore(%arg18 : memref<!tpu.dma_semaphore, #tpu.memory_space<semaphore_mem>>) src(%dma_wait3A_163 : memref<20000x64xf32, #tpu.memory_space<hbm>>) dst(%arg13 : memref<128x64xf32, #tpu.memory_space<vmem>>)
      %add3A_164 = arith.constant 3 : i32
      %add3A_165 = arith.addi %mul3A_99, %add3A_164 : i32
      "tpu.region"() ({
        %run_scoped3A_176 = tpu.sem_alloc : memref<!tpu.dma_semaphore, #tpu.memory_space<semaphore_mem>>
        %dma_start3A_177 = arith.constant 0 : i32
        %dma_start3A_178 = tpu.memref_slice %arg9[%add3A_165, %dma_start3A_177] : memref<160x128xi32, #tpu.memory_space<vmem>> -> memref<1x128xi32, #tpu.memory_space<vmem>>
        %dma_start3A_179 = tpu.memref_squeeze %dma_start3A_178 : memref<1x128xi32, #tpu.memory_space<vmem>> -> memref<128xi32, #tpu.memory_space<vmem>>
        %dma_start3A_180 = arith.constant 0 : i32
        %dma_start3A_181 = arith.constant 0 : i32
        %dma_start3A_182 = tpu.memref_slice %arg14[%dma_start3A_180, %dma_start3A_181] : memref<10240x64xf32, #tpu.memory_space<vmem_shared>> -> memref<10240x64xf32, #tpu.memory_space<vmem_shared>>
        tpu.enqueue_indirect_dma source(%arg13 : memref<128x64xf32, #tpu.memory_space<vmem>>) target(%dma_start3A_182 : memref<10240x64xf32, #tpu.memory_space<vmem_shared>>) offsets(%dma_start3A_179 : memref<128xi32, #tpu.memory_space<vmem>>) semaphore(%run_scoped3A_176 : memref<!tpu.dma_semaphore, #tpu.memory_space<semaphore_mem>>) {add = true}
        %dma_wait3A_183 = arith.constant 0 : i32
        %dma_wait3A_184 = tpu.memref_slice %arg9[%add3A_165, %dma_wait3A_183] : memref<160x128xi32, #tpu.memory_space<vmem>> -> memref<1x128xi32, #tpu.memory_space<vmem>>
        %dma_wait3A_185 = tpu.memref_squeeze %dma_wait3A_184 : memref<1x128xi32, #tpu.memory_space<vmem>> -> memref<128xi32, #tpu.memory_space<vmem>>
        %dma_wait3A_186 = arith.constant 0 : i32
        %dma_wait3A_187 = arith.constant 0 : i32
        %dma_wait3A_188 = tpu.memref_slice %arg14[%dma_wait3A_186, %dma_wait3A_187] : memref<10240x64xf32, #tpu.memory_space<vmem_shared>> -> memref<10240x64xf32, #tpu.memory_space<vmem_shared>>
        tpu.wait_indirect_dma semaphore(%run_scoped3A_176 : memref<!tpu.dma_semaphore, #tpu.memory_space<semaphore_mem>>) src(%arg13 : memref<128x64xf32, #tpu.memory_space<vmem>>) dst(%dma_wait3A_188 : memref<10240x64xf32, #tpu.memory_space<vmem_shared>>)
        tpu.yield
      }) : () -> ()
      %add3A_166 = arith.constant 4 : i32
      %add3A_167 = arith.addi %mul3A_99, %add3A_166 : i32
      %add3A_168 = arith.constant 3 : i32
      %add3A_169 = arith.addi %add3A_167, %add3A_168 : i32
      %dma_start3A_170 = arith.constant 0 : i32
      %dma_start3A_171 = tpu.memref_slice %arg8[%add3A_169, %dma_start3A_170] : memref<160x128xi32, #tpu.memory_space<vmem>> -> memref<1x128xi32, #tpu.memory_space<vmem>>
      %dma_start3A_172 = tpu.memref_squeeze %dma_start3A_171 : memref<1x128xi32, #tpu.memory_space<vmem>> -> memref<128xi32, #tpu.memory_space<vmem>>
      %dma_start3A_173 = arith.constant 0 : i32
      %dma_start3A_174 = arith.constant 0 : i32
      %dma_start3A_175 = tpu.memref_slice %arg5[%dma_start3A_173, %dma_start3A_174] : memref<20000x64xf32, #tpu.memory_space<hbm>> -> memref<20000x64xf32, #tpu.memory_space<hbm>>
      tpu.enqueue_indirect_dma source(%dma_start3A_175 : memref<20000x64xf32, #tpu.memory_space<hbm>>) target(%arg13 : memref<128x64xf32, #tpu.memory_space<vmem>>) offsets(%dma_start3A_172 : memref<128xi32, #tpu.memory_space<vmem>>) semaphore(%arg18 : memref<!tpu.dma_semaphore, #tpu.memory_space<semaphore_mem>>)
    }
    %scan3A_55 = arith.constant 39 : i32
    %dma_wait3A = arith.constant 0 : i32
    %dma_wait3A_56 = arith.constant 0 : i32
    %dma_wait3A_57 = tpu.memref_slice %arg8[%dma_wait3A, %dma_wait3A_56] : memref<160x128xi32, #tpu.memory_space<vmem>> -> memref<1x128xi32, #tpu.memory_space<vmem>>
    %dma_wait3A_58 = tpu.memref_squeeze %dma_wait3A_57 : memref<1x128xi32, #tpu.memory_space<vmem>> -> memref<128xi32, #tpu.memory_space<vmem>>
    %dma_wait3A_59 = arith.constant 0 : i32
    %dma_wait3A_60 = arith.constant 0 : i32
    %dma_wait3A_61 = tpu.memref_slice %arg5[%dma_wait3A_59, %dma_wait3A_60] : memref<20000x64xf32, #tpu.memory_space<hbm>> -> memref<20000x64xf32, #tpu.memory_space<hbm>>
    tpu.wait_indirect_dma semaphore(%arg15 : memref<!tpu.dma_semaphore, #tpu.memory_space<semaphore_mem>>) src(%dma_wait3A_61 : memref<20000x64xf32, #tpu.memory_space<hbm>>) dst(%arg10 : memref<128x64xf32, #tpu.memory_space<vmem>>)
    %run_scoped3A = arith.constant 156 : i32
    "tpu.region"() ({
      %run_scoped3A_97 = tpu.sem_alloc : memref<!tpu.dma_semaphore, #tpu.memory_space<semaphore_mem>>
      %dma_start3A_98 = arith.constant 0 : i32
      %dma_start3A_99 = tpu.memref_slice %arg9[%run_scoped3A, %dma_start3A_98] : memref<160x128xi32, #tpu.memory_space<vmem>> -> memref<1x128xi32, #tpu.memory_space<vmem>>
      %dma_start3A_100 = tpu.memref_squeeze %dma_start3A_99 : memref<1x128xi32, #tpu.memory_space<vmem>> -> memref<128xi32, #tpu.memory_space<vmem>>
      %dma_start3A_101 = arith.constant 0 : i32
      %dma_start3A_102 = arith.constant 0 : i32
      %dma_start3A_103 = tpu.memref_slice %arg14[%dma_start3A_101, %dma_start3A_102] : memref<10240x64xf32, #tpu.memory_space<vmem_shared>> -> memref<10240x64xf32, #tpu.memory_space<vmem_shared>>
      tpu.enqueue_indirect_dma source(%arg10 : memref<128x64xf32, #tpu.memory_space<vmem>>) target(%dma_start3A_103 : memref<10240x64xf32, #tpu.memory_space<vmem_shared>>) offsets(%dma_start3A_100 : memref<128xi32, #tpu.memory_space<vmem>>) semaphore(%run_scoped3A_97 : memref<!tpu.dma_semaphore, #tpu.memory_space<semaphore_mem>>) {add = true}
      %dma_wait3A_104 = arith.constant 0 : i32
      %dma_wait3A_105 = tpu.memref_slice %arg9[%run_scoped3A, %dma_wait3A_104] : memref<160x128xi32, #tpu.memory_space<vmem>> -> memref<1x128xi32, #tpu.memory_space<vmem>>
      %dma_wait3A_106 = tpu.memref_squeeze %dma_wait3A_105 : memref<1x128xi32, #tpu.memory_space<vmem>> -> memref<128xi32, #tpu.memory_space<vmem>>
      %dma_wait3A_107 = arith.constant 0 : i32
      %dma_wait3A_108 = arith.constant 0 : i32
      %dma_wait3A_109 = tpu.memref_slice %arg14[%dma_wait3A_107, %dma_wait3A_108] : memref<10240x64xf32, #tpu.memory_space<vmem_shared>> -> memref<10240x64xf32, #tpu.memory_space<vmem_shared>>
      tpu.wait_indirect_dma semaphore(%run_scoped3A_97 : memref<!tpu.dma_semaphore, #tpu.memory_space<semaphore_mem>>) src(%arg10 : memref<128x64xf32, #tpu.memory_space<vmem>>) dst(%dma_wait3A_109 : memref<10240x64xf32, #tpu.memory_space<vmem_shared>>)
      tpu.yield
    }) : () -> ()
    %dma_wait3A_62 = arith.constant 0 : i32
    %dma_wait3A_63 = arith.constant 0 : i32
    %dma_wait3A_64 = tpu.memref_slice %arg8[%dma_wait3A_62, %dma_wait3A_63] : memref<160x128xi32, #tpu.memory_space<vmem>> -> memref<1x128xi32, #tpu.memory_space<vmem>>
    %dma_wait3A_65 = tpu.memref_squeeze %dma_wait3A_64 : memref<1x128xi32, #tpu.memory_space<vmem>> -> memref<128xi32, #tpu.memory_space<vmem>>
    %dma_wait3A_66 = arith.constant 0 : i32
    %dma_wait3A_67 = arith.constant 0 : i32
    %dma_wait3A_68 = tpu.memref_slice %arg5[%dma_wait3A_66, %dma_wait3A_67] : memref<20000x64xf32, #tpu.memory_space<hbm>> -> memref<20000x64xf32, #tpu.memory_space<hbm>>
    tpu.wait_indirect_dma semaphore(%arg16 : memref<!tpu.dma_semaphore, #tpu.memory_space<semaphore_mem>>) src(%dma_wait3A_68 : memref<20000x64xf32, #tpu.memory_space<hbm>>) dst(%arg11 : memref<128x64xf32, #tpu.memory_space<vmem>>)
    %run_scoped3A_69 = arith.constant 157 : i32
    "tpu.region"() ({
      %run_scoped3A_97 = tpu.sem_alloc : memref<!tpu.dma_semaphore, #tpu.memory_space<semaphore_mem>>
      %dma_start3A_98 = arith.constant 0 : i32
      %dma_start3A_99 = tpu.memref_slice %arg9[%run_scoped3A_69, %dma_start3A_98] : memref<160x128xi32, #tpu.memory_space<vmem>> -> memref<1x128xi32, #tpu.memory_space<vmem>>
      %dma_start3A_100 = tpu.memref_squeeze %dma_start3A_99 : memref<1x128xi32, #tpu.memory_space<vmem>> -> memref<128xi32, #tpu.memory_space<vmem>>
      %dma_start3A_101 = arith.constant 0 : i32
      %dma_start3A_102 = arith.constant 0 : i32
      %dma_start3A_103 = tpu.memref_slice %arg14[%dma_start3A_101, %dma_start3A_102] : memref<10240x64xf32, #tpu.memory_space<vmem_shared>> -> memref<10240x64xf32, #tpu.memory_space<vmem_shared>>
      tpu.enqueue_indirect_dma source(%arg11 : memref<128x64xf32, #tpu.memory_space<vmem>>) target(%dma_start3A_103 : memref<10240x64xf32, #tpu.memory_space<vmem_shared>>) offsets(%dma_start3A_100 : memref<128xi32, #tpu.memory_space<vmem>>) semaphore(%run_scoped3A_97 : memref<!tpu.dma_semaphore, #tpu.memory_space<semaphore_mem>>) {add = true}
      %dma_wait3A_104 = arith.constant 0 : i32
      %dma_wait3A_105 = tpu.memref_slice %arg9[%run_scoped3A_69, %dma_wait3A_104] : memref<160x128xi32, #tpu.memory_space<vmem>> -> memref<1x128xi32, #tpu.memory_space<vmem>>
      %dma_wait3A_106 = tpu.memref_squeeze %dma_wait3A_105 : memref<1x128xi32, #tpu.memory_space<vmem>> -> memref<128xi32, #tpu.memory_space<vmem>>
      %dma_wait3A_107 = arith.constant 0 : i32
      %dma_wait3A_108 = arith.constant 0 : i32
      %dma_wait3A_109 = tpu.memref_slice %arg14[%dma_wait3A_107, %dma_wait3A_108] : memref<10240x64xf32, #tpu.memory_space<vmem_shared>> -> memref<10240x64xf32, #tpu.memory_space<vmem_shared>>
      tpu.wait_indirect_dma semaphore(%run_scoped3A_97 : memref<!tpu.dma_semaphore, #tpu.memory_space<semaphore_mem>>) src(%arg11 : memref<128x64xf32, #tpu.memory_space<vmem>>) dst(%dma_wait3A_109 : memref<10240x64xf32, #tpu.memory_space<vmem_shared>>)
      tpu.yield
    }) : () -> ()
    %dma_wait3A_70 = arith.constant 0 : i32
    %dma_wait3A_71 = arith.constant 0 : i32
    %dma_wait3A_72 = tpu.memref_slice %arg8[%dma_wait3A_70, %dma_wait3A_71] : memref<160x128xi32, #tpu.memory_space<vmem>> -> memref<1x128xi32, #tpu.memory_space<vmem>>
    %dma_wait3A_73 = tpu.memref_squeeze %dma_wait3A_72 : memref<1x128xi32, #tpu.memory_space<vmem>> -> memref<128xi32, #tpu.memory_space<vmem>>
    %dma_wait3A_74 = arith.constant 0 : i32
    %dma_wait3A_75 = arith.constant 0 : i32
    %dma_wait3A_76 = tpu.memref_slice %arg5[%dma_wait3A_74, %dma_wait3A_75] : memref<20000x64xf32, #tpu.memory_space<hbm>> -> memref<20000x64xf32, #tpu.memory_space<hbm>>
    tpu.wait_indirect_dma semaphore(%arg17 : memref<!tpu.dma_semaphore, #tpu.memory_space<semaphore_mem>>) src(%dma_wait3A_76 : memref<20000x64xf32, #tpu.memory_space<hbm>>) dst(%arg12 : memref<128x64xf32, #tpu.memory_space<vmem>>)
    %run_scoped3A_77 = arith.constant 158 : i32
    "tpu.region"() ({
      %run_scoped3A_97 = tpu.sem_alloc : memref<!tpu.dma_semaphore, #tpu.memory_space<semaphore_mem>>
      %dma_start3A_98 = arith.constant 0 : i32
      %dma_start3A_99 = tpu.memref_slice %arg9[%run_scoped3A_77, %dma_start3A_98] : memref<160x128xi32, #tpu.memory_space<vmem>> -> memref<1x128xi32, #tpu.memory_space<vmem>>
      %dma_start3A_100 = tpu.memref_squeeze %dma_start3A_99 : memref<1x128xi32, #tpu.memory_space<vmem>> -> memref<128xi32, #tpu.memory_space<vmem>>
      %dma_start3A_101 = arith.constant 0 : i32
      %dma_start3A_102 = arith.constant 0 : i32
      %dma_start3A_103 = tpu.memref_slice %arg14[%dma_start3A_101, %dma_start3A_102] : memref<10240x64xf32, #tpu.memory_space<vmem_shared>> -> memref<10240x64xf32, #tpu.memory_space<vmem_shared>>
      tpu.enqueue_indirect_dma source(%arg12 : memref<128x64xf32, #tpu.memory_space<vmem>>) target(%dma_start3A_103 : memref<10240x64xf32, #tpu.memory_space<vmem_shared>>) offsets(%dma_start3A_100 : memref<128xi32, #tpu.memory_space<vmem>>) semaphore(%run_scoped3A_97 : memref<!tpu.dma_semaphore, #tpu.memory_space<semaphore_mem>>) {add = true}
      %dma_wait3A_104 = arith.constant 0 : i32
      %dma_wait3A_105 = tpu.memref_slice %arg9[%run_scoped3A_77, %dma_wait3A_104] : memref<160x128xi32, #tpu.memory_space<vmem>> -> memref<1x128xi32, #tpu.memory_space<vmem>>
      %dma_wait3A_106 = tpu.memref_squeeze %dma_wait3A_105 : memref<1x128xi32, #tpu.memory_space<vmem>> -> memref<128xi32, #tpu.memory_space<vmem>>
      %dma_wait3A_107 = arith.constant 0 : i32
      %dma_wait3A_108 = arith.constant 0 : i32
      %dma_wait3A_109 = tpu.memref_slice %arg14[%dma_wait3A_107, %dma_wait3A_108] : memref<10240x64xf32, #tpu.memory_space<vmem_shared>> -> memref<10240x64xf32, #tpu.memory_space<vmem_shared>>
      tpu.wait_indirect_dma semaphore(%run_scoped3A_97 : memref<!tpu.dma_semaphore, #tpu.memory_space<semaphore_mem>>) src(%arg12 : memref<128x64xf32, #tpu.memory_space<vmem>>) dst(%dma_wait3A_109 : memref<10240x64xf32, #tpu.memory_space<vmem_shared>>)
      tpu.yield
    }) : () -> ()
    %dma_wait3A_78 = arith.constant 0 : i32
    %dma_wait3A_79 = arith.constant 0 : i32
    %dma_wait3A_80 = tpu.memref_slice %arg8[%dma_wait3A_78, %dma_wait3A_79] : memref<160x128xi32, #tpu.memory_space<vmem>> -> memref<1x128xi32, #tpu.memory_space<vmem>>
    %dma_wait3A_81 = tpu.memref_squeeze %dma_wait3A_80 : memref<1x128xi32, #tpu.memory_space<vmem>> -> memref<128xi32, #tpu.memory_space<vmem>>
    %dma_wait3A_82 = arith.constant 0 : i32
    %dma_wait3A_83 = arith.constant 0 : i32
    %dma_wait3A_84 = tpu.memref_slice %arg5[%dma_wait3A_82, %dma_wait3A_83] : memref<20000x64xf32, #tpu.memory_space<hbm>> -> memref<20000x64xf32, #tpu.memory_space<hbm>>
    tpu.wait_indirect_dma semaphore(%arg18 : memref<!tpu.dma_semaphore, #tpu.memory_space<semaphore_mem>>) src(%dma_wait3A_84 : memref<20000x64xf32, #tpu.memory_space<hbm>>) dst(%arg13 : memref<128x64xf32, #tpu.memory_space<vmem>>)
    %run_scoped3A_85 = arith.constant 159 : i32
    "tpu.region"() ({
      %run_scoped3A_97 = tpu.sem_alloc : memref<!tpu.dma_semaphore, #tpu.memory_space<semaphore_mem>>
      %dma_start3A_98 = arith.constant 0 : i32
      %dma_start3A_99 = tpu.memref_slice %arg9[%run_scoped3A_85, %dma_start3A_98] : memref<160x128xi32, #tpu.memory_space<vmem>> -> memref<1x128xi32, #tpu.memory_space<vmem>>
      %dma_start3A_100 = tpu.memref_squeeze %dma_start3A_99 : memref<1x128xi32, #tpu.memory_space<vmem>> -> memref<128xi32, #tpu.memory_space<vmem>>
      %dma_start3A_101 = arith.constant 0 : i32
      %dma_start3A_102 = arith.constant 0 : i32
      %dma_start3A_103 = tpu.memref_slice %arg14[%dma_start3A_101, %dma_start3A_102] : memref<10240x64xf32, #tpu.memory_space<vmem_shared>> -> memref<10240x64xf32, #tpu.memory_space<vmem_shared>>
      tpu.enqueue_indirect_dma source(%arg13 : memref<128x64xf32, #tpu.memory_space<vmem>>) target(%dma_start3A_103 : memref<10240x64xf32, #tpu.memory_space<vmem_shared>>) offsets(%dma_start3A_100 : memref<128xi32, #tpu.memory_space<vmem>>) semaphore(%run_scoped3A_97 : memref<!tpu.dma_semaphore, #tpu.memory_space<semaphore_mem>>) {add = true}
      %dma_wait3A_104 = arith.constant 0 : i32
      %dma_wait3A_105 = tpu.memref_slice %arg9[%run_scoped3A_85, %dma_wait3A_104] : memref<160x128xi32, #tpu.memory_space<vmem>> -> memref<1x128xi32, #tpu.memory_space<vmem>>
      %dma_wait3A_106 = tpu.memref_squeeze %dma_wait3A_105 : memref<1x128xi32, #tpu.memory_space<vmem>> -> memref<128xi32, #tpu.memory_space<vmem>>
      %dma_wait3A_107 = arith.constant 0 : i32
      %dma_wait3A_108 = arith.constant 0 : i32
      %dma_wait3A_109 = tpu.memref_slice %arg14[%dma_wait3A_107, %dma_wait3A_108] : memref<10240x64xf32, #tpu.memory_space<vmem_shared>> -> memref<10240x64xf32, #tpu.memory_space<vmem_shared>>
      tpu.wait_indirect_dma semaphore(%run_scoped3A_97 : memref<!tpu.dma_semaphore, #tpu.memory_space<semaphore_mem>>) src(%arg13 : memref<128x64xf32, #tpu.memory_space<vmem>>) dst(%dma_wait3A_109 : memref<10240x64xf32, #tpu.memory_space<vmem_shared>>)
      tpu.yield
    }) : () -> ()
    %barrier3A_86 = arith.constant 0 : index
    tpu.barrier barrier_id(%barrier3A_86)
    %eq3A_87 = arith.constant 0 : i32
    %eq3A_88 = arith.cmpi eq, %arg0, %eq3A_87 : i32
    %convert_element_type3A_89 = arith.extui %eq3A_88 : i1 to i32
    %cond3A_90 = arith.constant 0 : i32
    %cond3A_91 = arith.cmpi ne, %convert_element_type3A_89, %cond3A_90 : i32
    scf.if %cond3A_91 {
      "tpu.region"() ({
        %run_scoped3A_97 = tpu.sem_alloc : memref<!tpu.dma_semaphore, #tpu.memory_space<semaphore_mem>>
        %dma_start3A_98 = arith.constant 0 : i32
        %dma_start3A_99 = tpu.memref_slice %arg6[%mul3A_0, %dma_start3A_98] : memref<10240x64xf32, #tpu.memory_space<hbm>> -> memref<640x64xf32, #tpu.memory_space<hbm>>
        %dma_start3A_100 = arith.constant 0 : i32
        %dma_start3A_101 = tpu.memref_slice %arg14[%mul3A_0, %dma_start3A_100] : memref<10240x64xf32, #tpu.memory_space<vmem_shared>> -> memref<640x64xf32, #tpu.memory_space<vmem_shared>>
        tpu.enqueue_dma source(%dma_start3A_101 : memref<640x64xf32, #tpu.memory_space<vmem_shared>>) target(%dma_start3A_99 : memref<640x64xf32, #tpu.memory_space<hbm>>) target_semaphore(%run_scoped3A_97 : memref<!tpu.dma_semaphore, #tpu.memory_space<semaphore_mem>>)
        %dma_wait3A_102 = arith.constant 0 : i32
        %dma_wait3A_103 = tpu.memref_slice %arg6[%mul3A_0, %dma_wait3A_102] : memref<10240x64xf32, #tpu.memory_space<hbm>> -> memref<640x64xf32, #tpu.memory_space<hbm>>
        %dma_wait3A_104 = arith.constant 0 : i32
        %dma_wait3A_105 = tpu.memref_slice %arg14[%mul3A_0, %dma_wait3A_104] : memref<10240x64xf32, #tpu.memory_space<vmem_shared>> -> memref<640x64xf32, #tpu.memory_space<vmem_shared>>
        tpu.wait_dma2 semaphore(%run_scoped3A_97 : memref<!tpu.dma_semaphore, #tpu.memory_space<semaphore_mem>>) src(%dma_wait3A_105 : memref<640x64xf32, #tpu.memory_space<vmem_shared>>) dst(%dma_wait3A_103 : memref<640x64xf32, #tpu.memory_space<hbm>>)
        tpu.yield
      }) : () -> ()
    } else {
    }
    %eq3A_92 = arith.constant 1 : i32
    %eq3A_93 = arith.cmpi eq, %arg0, %eq3A_92 : i32
    %convert_element_type3A_94 = arith.extui %eq3A_93 : i1 to i32
    %cond3A_95 = arith.constant 0 : i32
    %cond3A_96 = arith.cmpi ne, %convert_element_type3A_94, %cond3A_95 : i32
    scf.if %cond3A_96 {
      "tpu.region"() ({
        %run_scoped3A_97 = tpu.sem_alloc : memref<!tpu.dma_semaphore, #tpu.memory_space<semaphore_mem>>
        %dma_start3A_98 = arith.constant 0 : i32
        %dma_start3A_99 = tpu.memref_slice %arg7[%mul3A_0, %dma_start3A_98] : memref<10240x64xf32, #tpu.memory_space<hbm>> -> memref<640x64xf32, #tpu.memory_space<hbm>>
        %dma_start3A_100 = arith.constant 0 : i32
        %dma_start3A_101 = tpu.memref_slice %arg14[%mul3A_0, %dma_start3A_100] : memref<10240x64xf32, #tpu.memory_space<vmem_shared>> -> memref<640x64xf32, #tpu.memory_space<vmem_shared>>
        tpu.enqueue_dma source(%dma_start3A_101 : memref<640x64xf32, #tpu.memory_space<vmem_shared>>) target(%dma_start3A_99 : memref<640x64xf32, #tpu.memory_space<hbm>>) target_semaphore(%run_scoped3A_97 : memref<!tpu.dma_semaphore, #tpu.memory_space<semaphore_mem>>)
        %dma_wait3A_102 = arith.constant 0 : i32
        %dma_wait3A_103 = tpu.memref_slice %arg7[%mul3A_0, %dma_wait3A_102] : memref<10240x64xf32, #tpu.memory_space<hbm>> -> memref<640x64xf32, #tpu.memory_space<hbm>>
        %dma_wait3A_104 = arith.constant 0 : i32
        %dma_wait3A_105 = tpu.memref_slice %arg14[%mul3A_0, %dma_wait3A_104] : memref<10240x64xf32, #tpu.memory_space<vmem_shared>> -> memref<640x64xf32, #tpu.memory_space<vmem_shared>>
        tpu.wait_dma2 semaphore(%run_scoped3A_97 : memref<!tpu.dma_semaphore, #tpu.memory_space<semaphore_mem>>) src(%dma_wait3A_105 : memref<640x64xf32, #tpu.memory_space<vmem_shared>>) dst(%dma_wait3A_103 : memref<640x64xf32, #tpu.memory_space<hbm>>)
        tpu.yield
      }) : () -> ()
    } else {
    }
    return
  }
}

module attributes {stable_mosaic.version = 14 : i64} {
  func.func @_dense_body(%arg0: i32, %arg1: memref<1000x64xf32, #tpu.memory_space<vmem>>, %arg2: memref<1000x64xf32, #tpu.memory_space<vmem>>, %arg3: memref<1000x8xf32, #tpu.memory_space<vmem>>, %arg4: memref<1000x128xf32, #tpu.memory_space<vmem>>, %arg5: memref<128x128xf32, #tpu.memory_space<vmem>>, %arg6: memref<1x128xf32, #tpu.memory_space<vmem>>, %arg7: memref<128x128xf32, #tpu.memory_space<vmem>>, %arg8: memref<1000x128xf32, #tpu.memory_space<vmem>>) attributes {dimension_semantics = [#tpu.dimension_semantics<arbitrary>], iteration_bounds = array<i64: 10>, scalar_prefetch = 0 : i64, scratch_operands = 0 : i64, tpu.core_type = #tpu.core_type<tc>, window_params = [{transform_indices = @transform_0, window_bounds = array<i64: 1000, 64>}, {transform_indices = @transform_1, window_bounds = array<i64: 1000, 64>}, {transform_indices = @transform_2, window_bounds = array<i64: 1000, 8>}, {transform_indices = @transform_3, window_bounds = array<i64: 1000, 128>}, {pipeline_mode = #tpu.pipeline_mode<synchronous>, transform_indices = @transform_4, window_bounds = array<i64: 128, 128>}, {pipeline_mode = #tpu.pipeline_mode<synchronous>, transform_indices = @transform_5, window_bounds = array<i64: 1, 128>}, {pipeline_mode = #tpu.pipeline_mode<synchronous>, transform_indices = @transform_6, window_bounds = array<i64: 128, 128>}, {transform_indices = @transform_7, window_bounds = array<i64: 1000, 128>}]} {
    %get3A = arith.constant 0 : index
    %get3A_0 = arith.constant 0 : index
    %get3A_1 = vector.load %arg3[%get3A, %get3A_0] : memref<1000x8xf32, #tpu.memory_space<vmem>>, vector<1000x1xf32>
    %max3A = arith.constant 1.000000e+00 : f32
    %max3A_2 = vector.broadcast %max3A : f32 to vector<1000x1xf32>
    %max3A_3 = arith.maximumf %get3A_1, %max3A_2 : vector<1000x1xf32>
    %div3A = arith.constant 1.000000e+00 : f32
    %div3A_4 = vector.broadcast %div3A : f32 to vector<1000x1xf32>
    %div3A_5 = arith.divf %div3A_4, %max3A_3 : vector<1000x1xf32>
    %get3A_6 = arith.constant 0 : index
    %get3A_7 = arith.constant 0 : index
    %get3A_8 = vector.load %arg1[%get3A_6, %get3A_7] : memref<1000x64xf32, #tpu.memory_space<vmem>>, vector<1000x64xf32>
    %mul3A = vector.broadcast %div3A_5 : vector<1000x1xf32> to vector<1000x64xf32>
    %mul3A_9 = arith.mulf %get3A_8, %mul3A : vector<1000x64xf32>
    %get3A_10 = arith.constant 0 : index
    %get3A_11 = arith.constant 0 : index
    %get3A_12 = vector.load %arg5[%get3A_10, %get3A_11] : memref<128x128xf32, #tpu.memory_space<vmem>>, vector<64x128xf32>
    %dot_general3A = arith.constant dense<0.000000e+00> : vector<1000x128xf32>
    %dot_general3A_13 = tpu.matmul %mul3A_9, %get3A_12, %dot_general3A {dimension_numbers = #tpu.dot_dimension_numbers<[1], [0], [0], [1], [0, 0, 1, 1], [], []>, transpose_lhs_hint = false} : vector<1000x64xf32>, vector<64x128xf32>, vector<1000x128xf32> -> vector<1000x128xf32>
    %get3A_14 = arith.constant 0 : index
    %get3A_15 = arith.constant 0 : index
    %get3A_16 = vector.load %arg2[%get3A_14, %get3A_15] : memref<1000x64xf32, #tpu.memory_space<vmem>>, vector<1000x64xf32>
    %mul3A_17 = vector.broadcast %div3A_5 : vector<1000x1xf32> to vector<1000x64xf32>
    %mul3A_18 = arith.mulf %get3A_16, %mul3A_17 : vector<1000x64xf32>
    %get3A_19 = arith.constant 64 : index
    %get3A_20 = arith.constant 0 : index
    %get3A_21 = vector.load %arg5[%get3A_19, %get3A_20] : memref<128x128xf32, #tpu.memory_space<vmem>>, vector<64x128xf32>
    %dot_general3A_22 = arith.constant dense<0.000000e+00> : vector<1000x128xf32>
    %dot_general3A_23 = tpu.matmul %mul3A_18, %get3A_21, %dot_general3A_22 {dimension_numbers = #tpu.dot_dimension_numbers<[1], [0], [0], [1], [0, 0, 1, 1], [], []>, transpose_lhs_hint = false} : vector<1000x64xf32>, vector<64x128xf32>, vector<1000x128xf32> -> vector<1000x128xf32>
    %add3A = arith.addf %dot_general3A_13, %dot_general3A_23 : vector<1000x128xf32>
    %get3A_24 = arith.constant 0 : index
    %get3A_25 = arith.constant 0 : index
    %get3A_26 = vector.load %arg4[%get3A_24, %get3A_25] : memref<1000x128xf32, #tpu.memory_space<vmem>>, vector<1000x128xf32>
    %get3A_27 = arith.constant 0 : index
    %get3A_28 = arith.constant 0 : index
    %get3A_29 = vector.load %arg7[%get3A_27, %get3A_28] : memref<128x128xf32, #tpu.memory_space<vmem>>, vector<128x128xf32>
    %dot_general3A_30 = arith.constant dense<0.000000e+00> : vector<1000x128xf32>
    %dot_general3A_31 = tpu.matmul %get3A_26, %get3A_29, %dot_general3A_30 {dimension_numbers = #tpu.dot_dimension_numbers<[1], [0], [0], [1], [0, 0, 1, 1], [], []>, transpose_lhs_hint = false} : vector<1000x128xf32>, vector<128x128xf32>, vector<1000x128xf32> -> vector<1000x128xf32>
    %add3A_32 = arith.addf %add3A, %dot_general3A_31 : vector<1000x128xf32>
    %get3A_33 = arith.constant 0 : index
    %get3A_34 = arith.constant 0 : index
    %get3A_35 = vector.load %arg6[%get3A_33, %get3A_34] : memref<1x128xf32, #tpu.memory_space<vmem>>, vector<1x128xf32>
    %add3A_36 = vector.broadcast %get3A_35 : vector<1x128xf32> to vector<1000x128xf32>
    %add3A_37 = arith.addf %add3A_32, %add3A_36 : vector<1000x128xf32>
    %tanh3A = math.tanh %add3A_37 : vector<1000x128xf32>
    %swap3A = arith.constant 0 : index
    %swap3A_38 = arith.constant 0 : index
    %swap3A_39 = vector.load %arg8[%swap3A, %swap3A_38] : memref<1000x128xf32, #tpu.memory_space<vmem>>, vector<1000x128xf32>
    tpu.vector_store %arg8[%swap3A, %swap3A_38], %tanh3A {strides = array<i32>} : memref<1000x128xf32, #tpu.memory_space<vmem>>, vector<1000x128xf32>,
    return
  }
  func.func @transform_0(%arg0: i32) -> (i32, i32) {
    %c0_i32 = arith.constant 0 : i32
    %c0_i32_0 = arith.constant 0 : i32
    return %arg0, %c0_i32 : i32, i32
  }
  func.func @transform_1(%arg0: i32) -> (i32, i32) {
    %c0_i32 = arith.constant 0 : i32
    %c0_i32_0 = arith.constant 0 : i32
    return %arg0, %c0_i32 : i32, i32
  }
  func.func @transform_2(%arg0: i32) -> (i32, i32) {
    %c0_i32 = arith.constant 0 : i32
    %c0_i32_0 = arith.constant 0 : i32
    return %arg0, %c0_i32 : i32, i32
  }
  func.func @transform_3(%arg0: i32) -> (i32, i32) {
    %c0_i32 = arith.constant 0 : i32
    %c0_i32_0 = arith.constant 0 : i32
    return %arg0, %c0_i32 : i32, i32
  }
  func.func @transform_4(%arg0: i32) -> (i32, i32) {
    %c0_i32 = arith.constant 0 : i32
    %c0_i32_0 = arith.constant 0 : i32
    %c0_i32_1 = arith.constant 0 : i32
    return %c0_i32, %c0_i32_0 : i32, i32
  }
  func.func @transform_5(%arg0: i32) -> (i32, i32) {
    %c0_i32 = arith.constant 0 : i32
    %c0_i32_0 = arith.constant 0 : i32
    %c0_i32_1 = arith.constant 0 : i32
    return %c0_i32, %c0_i32_0 : i32, i32
  }
  func.func @transform_6(%arg0: i32) -> (i32, i32) {
    %c0_i32 = arith.constant 0 : i32
    %c0_i32_0 = arith.constant 0 : i32
    %c0_i32_1 = arith.constant 0 : i32
    return %c0_i32, %c0_i32_0 : i32, i32
  }
  func.func @transform_7(%arg0: i32) -> (i32, i32) {
    %c0_i32 = arith.constant 0 : i32
    %c0_i32_0 = arith.constant 0 : i32
    return %arg0, %c0_i32 : i32, i32
  }
}

module attributes {stable_mosaic.version = 14 : i64} {
  func.func @_dense_body(%arg0: i32, %arg1: memref<1000x64xf32, #tpu.memory_space<vmem>>, %arg2: memref<1000x64xf32, #tpu.memory_space<vmem>>, %arg3: memref<1000x8xf32, #tpu.memory_space<vmem>>, %arg4: memref<1000x128xf32, #tpu.memory_space<vmem>>, %arg5: memref<128x512xf32, #tpu.memory_space<vmem>>, %arg6: memref<1x512xf32, #tpu.memory_space<vmem>>, %arg7: memref<128x512xf32, #tpu.memory_space<vmem>>, %arg8: memref<1000x512xf32, #tpu.memory_space<vmem>>) attributes {dimension_semantics = [#tpu.dimension_semantics<arbitrary>], iteration_bounds = array<i64: 10>, scalar_prefetch = 0 : i64, scratch_operands = 0 : i64, tpu.core_type = #tpu.core_type<tc>, window_params = [{transform_indices = @transform_0, window_bounds = array<i64: 1000, 64>}, {transform_indices = @transform_1, window_bounds = array<i64: 1000, 64>}, {transform_indices = @transform_2, window_bounds = array<i64: 1000, 8>}, {transform_indices = @transform_3, window_bounds = array<i64: 1000, 128>}, {pipeline_mode = #tpu.pipeline_mode<synchronous>, transform_indices = @transform_4, window_bounds = array<i64: 128, 512>}, {pipeline_mode = #tpu.pipeline_mode<synchronous>, transform_indices = @transform_5, window_bounds = array<i64: 1, 512>}, {pipeline_mode = #tpu.pipeline_mode<synchronous>, transform_indices = @transform_6, window_bounds = array<i64: 128, 512>}, {transform_indices = @transform_7, window_bounds = array<i64: 1000, 512>}]} {
    %get3A = arith.constant 0 : index
    %get3A_0 = arith.constant 0 : index
    %get3A_1 = vector.load %arg3[%get3A, %get3A_0] : memref<1000x8xf32, #tpu.memory_space<vmem>>, vector<1000x1xf32>
    %max3A = arith.constant 1.000000e+00 : f32
    %max3A_2 = vector.broadcast %max3A : f32 to vector<1000x1xf32>
    %max3A_3 = arith.maximumf %get3A_1, %max3A_2 : vector<1000x1xf32>
    %div3A = arith.constant 1.000000e+00 : f32
    %div3A_4 = vector.broadcast %div3A : f32 to vector<1000x1xf32>
    %div3A_5 = arith.divf %div3A_4, %max3A_3 : vector<1000x1xf32>
    %get3A_6 = arith.constant 0 : index
    %get3A_7 = arith.constant 0 : index
    %get3A_8 = vector.load %arg1[%get3A_6, %get3A_7] : memref<1000x64xf32, #tpu.memory_space<vmem>>, vector<1000x64xf32>
    %mul3A = vector.broadcast %div3A_5 : vector<1000x1xf32> to vector<1000x64xf32>
    %mul3A_9 = arith.mulf %get3A_8, %mul3A : vector<1000x64xf32>
    %get3A_10 = arith.constant 0 : index
    %get3A_11 = arith.constant 0 : index
    %get3A_12 = vector.load %arg5[%get3A_10, %get3A_11] : memref<128x512xf32, #tpu.memory_space<vmem>>, vector<64x512xf32>
    %dot_general3A = arith.constant dense<0.000000e+00> : vector<1000x512xf32>
    %dot_general3A_13 = tpu.matmul %mul3A_9, %get3A_12, %dot_general3A {dimension_numbers = #tpu.dot_dimension_numbers<[1], [0], [0], [1], [0, 0, 1, 1], [], []>, transpose_lhs_hint = false} : vector<1000x64xf32>, vector<64x512xf32>, vector<1000x512xf32> -> vector<1000x512xf32>
    %get3A_14 = arith.constant 0 : index
    %get3A_15 = arith.constant 0 : index
    %get3A_16 = vector.load %arg2[%get3A_14, %get3A_15] : memref<1000x64xf32, #tpu.memory_space<vmem>>, vector<1000x64xf32>
    %mul3A_17 = vector.broadcast %div3A_5 : vector<1000x1xf32> to vector<1000x64xf32>
    %mul3A_18 = arith.mulf %get3A_16, %mul3A_17 : vector<1000x64xf32>
    %get3A_19 = arith.constant 64 : index
    %get3A_20 = arith.constant 0 : index
    %get3A_21 = vector.load %arg5[%get3A_19, %get3A_20] : memref<128x512xf32, #tpu.memory_space<vmem>>, vector<64x512xf32>
    %dot_general3A_22 = arith.constant dense<0.000000e+00> : vector<1000x512xf32>
    %dot_general3A_23 = tpu.matmul %mul3A_18, %get3A_21, %dot_general3A_22 {dimension_numbers = #tpu.dot_dimension_numbers<[1], [0], [0], [1], [0, 0, 1, 1], [], []>, transpose_lhs_hint = false} : vector<1000x64xf32>, vector<64x512xf32>, vector<1000x512xf32> -> vector<1000x512xf32>
    %add3A = arith.addf %dot_general3A_13, %dot_general3A_23 : vector<1000x512xf32>
    %get3A_24 = arith.constant 0 : index
    %get3A_25 = arith.constant 0 : index
    %get3A_26 = vector.load %arg4[%get3A_24, %get3A_25] : memref<1000x128xf32, #tpu.memory_space<vmem>>, vector<1000x128xf32>
    %get3A_27 = arith.constant 0 : index
    %get3A_28 = arith.constant 0 : index
    %get3A_29 = vector.load %arg7[%get3A_27, %get3A_28] : memref<128x512xf32, #tpu.memory_space<vmem>>, vector<128x512xf32>
    %dot_general3A_30 = arith.constant dense<0.000000e+00> : vector<1000x512xf32>
    %dot_general3A_31 = tpu.matmul %get3A_26, %get3A_29, %dot_general3A_30 {dimension_numbers = #tpu.dot_dimension_numbers<[1], [0], [0], [1], [0, 0, 1, 1], [], []>, transpose_lhs_hint = false} : vector<1000x128xf32>, vector<128x512xf32>, vector<1000x512xf32> -> vector<1000x512xf32>
    %add3A_32 = arith.addf %add3A, %dot_general3A_31 : vector<1000x512xf32>
    %get3A_33 = arith.constant 0 : index
    %get3A_34 = arith.constant 0 : index
    %get3A_35 = vector.load %arg6[%get3A_33, %get3A_34] : memref<1x512xf32, #tpu.memory_space<vmem>>, vector<1x512xf32>
    %add3A_36 = vector.broadcast %get3A_35 : vector<1x512xf32> to vector<1000x512xf32>
    %add3A_37 = arith.addf %add3A_32, %add3A_36 : vector<1000x512xf32>
    %swap3A = arith.constant 0 : index
    %swap3A_38 = arith.constant 0 : index
    %swap3A_39 = vector.load %arg8[%swap3A, %swap3A_38] : memref<1000x512xf32, #tpu.memory_space<vmem>>, vector<1000x512xf32>
    tpu.vector_store %arg8[%swap3A, %swap3A_38], %add3A_37 {strides = array<i32>} : memref<1000x512xf32, #tpu.memory_space<vmem>>, vector<1000x512xf32>,
    return
  }
  func.func @transform_0(%arg0: i32) -> (i32, i32) {
    %c0_i32 = arith.constant 0 : i32
    %c0_i32_0 = arith.constant 0 : i32
    return %arg0, %c0_i32 : i32, i32
  }
  func.func @transform_1(%arg0: i32) -> (i32, i32) {
    %c0_i32 = arith.constant 0 : i32
    %c0_i32_0 = arith.constant 0 : i32
    return %arg0, %c0_i32 : i32, i32
  }
  func.func @transform_2(%arg0: i32) -> (i32, i32) {
    %c0_i32 = arith.constant 0 : i32
    %c0_i32_0 = arith.constant 0 : i32
    return %arg0, %c0_i32 : i32, i32
  }
  func.func @transform_3(%arg0: i32) -> (i32, i32) {
    %c0_i32 = arith.constant 0 : i32
    %c0_i32_0 = arith.constant 0 : i32
    return %arg0, %c0_i32 : i32, i32
  }
  func.func @transform_4(%arg0: i32) -> (i32, i32) {
    %c0_i32 = arith.constant 0 : i32
    %c0_i32_0 = arith.constant 0 : i32
    %c0_i32_1 = arith.constant 0 : i32
    return %c0_i32, %c0_i32_0 : i32, i32
  }
  func.func @transform_5(%arg0: i32) -> (i32, i32) {
    %c0_i32 = arith.constant 0 : i32
    %c0_i32_0 = arith.constant 0 : i32
    %c0_i32_1 = arith.constant 0 : i32
    return %c0_i32, %c0_i32_0 : i32, i32
  }
  func.func @transform_6(%arg0: i32) -> (i32, i32) {
    %c0_i32 = arith.constant 0 : i32
    %c0_i32_0 = arith.constant 0 : i32
    %c0_i32_1 = arith.constant 0 : i32
    return %c0_i32, %c0_i32_0 : i32, i32
  }
  func.func @transform_7(%arg0: i32) -> (i32, i32) {
    %c0_i32 = arith.constant 0 : i32
    %c0_i32_0 = arith.constant 0 : i32
    return %arg0, %c0_i32 : i32, i32
  }
}

</mosaic_0001>

<sc_bundles>
// kernel: kernel.6.cloned.1.call-start
scs
__scs_entry_jumppad:
0x0: {  	(pc) =	sbr.rel $0x88, $3  }
0x1: {  	(tag) =	ssettag $0x0;
	lr =	simm.s32 $0x1  }
0x2: {  	[smem:$0x3F99] =	sst lr;
	_ =	strace $0xD0000000  }
0x3: {  	_ = 	snop  }
0x4: {  	_ = 	snop  }
0x5: {  	_ = 	snop  }
0x6: {  	_ = 	snop  }
0x7: {  	_ = 	snop  }
__scs_overlays_trampoline_lowered:
0x8: {  	[smem:$0x3FA8] =	sst s0  }
0x9: {  	[smem:$0x3FA9] =	sst s1  }
0xa: {  	[smem:$0x3FAA] =	sst s2  }
0xb: {  	[smem:$0x3FAB] =	sst s3  }
0xc: {  	[smem:$0x3FAC] =	sst s4  }
0xd: {  	[smem:$0x3FAD] =	sst s5  }
0xe: {  	[smem:$0x3FAE] =	sst s6  }
0xf: {  	[smem:$0x3FAF] =	sst s7  }
0x10: {  	[smem:$0x3FB0] =	sst s8  }
0x11: {  	[smem:$0x3FB1] =	sst s9;
	s0 =	simm.s32 @!p0 $0x0  }
0x12: {  	s1 =	sld [smem:$0x3F97];
	s0 =	simm.s32 @p0 $0x1  }
0x13: {  	[smem:$0x3FB2] =	sst s0;
	s0 =	simm.s32 @!p1 $0x0  }
0x14: {  	s2 =	sld [smem:$0x3F96];
	s0 =	simm.s32 @p1 $0x1  }
0x15: {  	[smem:$0x3FB3] =	sst s0;
	s0 =	simm.s32 @!p2 $0x0  }
0x16: {  	s3 =	sld [smem:$0x3FDB];
	s0 =	simm.s32 @p2 $0x1  }
0x17: {  	s4 =	simm.s32 $0x1BF5;
	[smem:$0x3FB5] =	sst s0  }
0x18: {  	s0 =	sld [smem:$0x3F98];
	_ =	swait.ge [sflag:s4], $0x0  }
0x19: {  	s7 =	sld [smem:$0x3F99]  }
0x1a: {  	s8 =	sadd.s32 $0xFFFFE003, lr  }
0x1b: {  	s9 =	sadd.s32 $0xFFFFFEF7, lr;
	s5 =	simm.s32 $0xFFFFFFFF;
	p2 =	slt.u32 s8, $0xFFFFF086  }
0x1c: {  	p1 =	slt.u32 s9, $0xF7A;
	s5 =	simm.s32 @!p2 $0x0  }
0x1d: {  	s5 =	simm.s32 @p1 $0x1;
	p0 =	seq.s32 s7, s2  }
0x1e: {  	s7 =	smul.u32 @!p0 $0xF7A, s2;
	p2 =	seq.s32 @!p0 s5, $0x0  }
0x1f: {  	s9 =	smul.u32 $0xF7A, s1;
	s8 =	simm.s32 @!p0 $0x1BF5;
	p2 =	por !p2, p0  }
0x20: {  	[sflag:s8] =	ssyncset.s32 @!p0 $0xFFFFF086;
	s6 =	sadd.s32 @!p0 s3, s7;
	s7 =	simm.s32 @!p0 $0x108  }
0x21: {  	s3 =	sadd.s32 s3, s9;
	s6 =	sadd.s32 @!p0 $0x88, s6;
	s7 =	simm.s32 @p2 $0x1082  }
0x22: {  	[simem:s7], [sflag:s8] =	dma.local @!p0 [hbm:s6], $0xF7A  }
0x23: {  	s9 =	sor.u32 $0xD0000000, s2;
	s6 =	simm.s32 $0x108;
	_ =	swait.ge @!p0 [sflag:s8], $0x0  }
0x24: {  	s3 =	sadd.s32 $0x88, s3;
	s6 =	simm.s32 @!p1 $0x1082;
	[sflag:s4] =	ssyncset.s32 $0xFFFFF086  }
0x25: {  	[simem:s6], [sflag:s4] =	dma.local [hbm:s3], $0xF7A  }
0x26: {  	[smem:$0x3F99] =	sst s1;
	(tag) =	ssettag s2;
	_ =	strace s9  }
0x27: {  	s1 =	sld [smem:$0x3FA9]  }
0x28: {  	s2 =	sld [smem:$0x3FAA]  }
0x29: {  	s4 =	sld [smem:$0x3FAC]  }
0x2a: {  	p0 =	seq.s32 s5, $0x0;
	s5 =	sld [smem:$0x3FAD]  }
0x2b: {  	s6 =	sld [smem:$0x3FAE]  }
0x2c: {  	s7 =	sld [smem:$0x3FAF]  }
0x2d: {  	s3 =	simm.s32 $0x108;
	s8 =	sld [smem:$0x3FB0]  }
0x2e: {  	s3 =	simm.s32 @!p0 $0x1082;
	s9 =	sld [smem:$0x3FB1]  }
0x2f: {  	lr =	sadd.s32 s0, s3;
	s0 =	sld [smem:$0x3FA8]  }
0x30: {  	s3 =	sld [smem:$0x3FAB]  }
0x31: {  	[smem:$0x3FB4] =	sst s10  }
0x32: {  	s10 =	sld [smem:$0x3FB2];
	_ =	sdelay $0x3  }
0x33: {  	p0 =	seq.s32 s10, $0x1;
	s10 =	sld [smem:$0x3FB4];
	_ =	sdelay $0x3  }
0x34: {  	[smem:$0x3FB4] =	sst s10  }
0x35: {  	s10 =	sld [smem:$0x3FB3];
	_ =	sdelay $0x3  }
0x36: {  	p1 =	seq.s32 s10, $0x1;
	s10 =	sld [smem:$0x3FB4];
	_ =	sdelay $0x3  }
0x37: {  	[smem:$0x3FB4] =	sst s10  }
0x38: {  	s10 =	sld [smem:$0x3FB5]  }
0x39: {  	_ = 	snop;
	(pc) =	sbr.ind lr, $3  }
0x3a: {  	_ = 	snop  }
0x3b: {  	_ = 	snop  }
0x3c: {  	p2 =	seq.s32 s10, $0x1;
	s10 =	sld [smem:$0x3FB4]  }
0x3d: {  	_ =	shalt  }
0x3e: {  	_ =	shalt  }
0x3f: {  	_ =	shalt  }
0x40: {  	_ =	shalt  }
0x41: {  	_ =	shalt  }
0x42: {  	_ =	shalt  }
0x43: {  	_ =	shalt  }
0x44: {  	_ =	shalt  }
0x45: {  	_ =	shalt  }
0x46: {  	_ =	shalt  }
0x47: {  	_ =	shalt  }
0x48: {  	_ =	shalt  }
0x49: {  	_ =	shalt  }
0x4a: {  	_ =	shalt  }
0x4b: {  	_ =	shalt  }
0x4c: {  	_ =	shalt  }
0x4d: {  	_ =	shalt  }
0x4e: {  	_ =	shalt  }
0x4f: {  	_ =	shalt  }
0x50: {  	_ =	shalt  }
0x51: {  	_ =	shalt  }
0x52: {  	_ =	shalt  }
0x53: {  	_ =	shalt  }
0x54: {  	_ =	shalt  }
0x55: {  	_ =	shalt  }
0x56: {  	_ =	shalt  }
0x57: {  	_ =	shalt  }
0x58: {  	_ =	shalt  }
0x59: {  	_ =	shalt  }
0x5a: {  	_ =	shalt  }
0x5b: {  	_ =	shalt  }
0x5c: {  	_ =	shalt  }
0x5d: {  	_ =	shalt  }
0x5e: {  	_ =	shalt  }
0x5f: {  	_ =	shalt  }
0x60: {  	_ =	shalt  }
0x61: {  	_ =	shalt  }
0x62: {  	_ =	shalt  }
0x63: {  	_ =	shalt  }
0x64: {  	_ =	shalt  }
0x65: {  	_ =	shalt  }
0x66: {  	_ =	shalt  }
0x67: {  	_ =	shalt  }
0x68: {  	_ =	shalt  }
0x69: {  	_ =	shalt  }
0x6a: {  	_ =	shalt  }
0x6b: {  	_ =	shalt  }
0x6c: {  	_ =	shalt  }
0x6d: {  	_ =	shalt  }
0x6e: {  	_ =	shalt  }
0x6f: {  	_ =	shalt  }
0x70: {  	_ =	shalt  }
0x71: {  	_ =	shalt  }
0x72: {  	_ =	shalt  }
0x73: {  	_ =	shalt  }
0x74: {  	_ =	shalt  }
0x75: {  	_ =	shalt  }
0x76: {  	_ =	shalt  }
0x77: {  	_ =	shalt  }
0x78: {  	_ =	shalt  }
0x79: {  	_ =	shalt  }
0x7a: {  	_ =	shalt  }
0x7b: {  	_ =	shalt  }
0x7c: {  	_ =	shalt  }
0x7d: {  	_ =	shalt  }
0x7e: {  	_ =	shalt  }
0x7f: {  	_ =	shalt  }
0x80: {  	_ =	shalt  }
0x81: {  	_ =	shalt  }
0x82: {  	_ =	shalt  }
0x83: {  	_ =	shalt  }
0x84: {  	_ =	shalt  }
0x85: {  	_ =	shalt  }
0x86: {  	_ =	shalt  }
0x87: {  	_ =	shalt  }
.Lfunc_end0:
.L_simem_size_0:
called_computation_lowered:
.L_overlay_start_0:
0x88: {  	s2 =	sld [smem:$0x3FD9]  }
0x89: {  	s3 =	sld [smem:$0x3FFE];
	_ =	sdelay $0x1  }
0x8a: {  	s1 =	srdreg.scid  }
0x8b: {  	s0 =	sand.u32 $0x1, s1  }
0x8c: {  	s17 =	sshll.u32 s0, $0xA;
	s2 =	sadd.s32 s3, s2  }
0x8d: {  	s2 =	sadd.s32 s2, s17  }
0x8e: {  	[smem:$0x3FC0] =	sst s2  }
0x8f: {  	_ = 	snop  }
0x90: {  	s2 =	sld [smem:$0x3FC9]  }
0x91: {  	s18 =	sld [smem:$0x3FD0];
	(tm) =	ssettm $0x1  }
0x92: {  	s4 =	sld [smem:$0x3FFB];
	_ =	sdelay $0x3  }
0x93: {  	_ =	strace s4  }
0x94: {  	s4 =	sld [smem:$0x3FFC];
	_ =	sdelay $0x3  }
0x95: {  	_ =	strace s4  }
0x96: {  	s4 =	sld [smem:$0x3FFD];
	_ =	sdelay $0x3  }
0x97: {  	_ =	strace s4  }
0x98: {  	_ =	strace $0x8FFFFFFF  }
0x99: {  	s19 =	sld [smem:$0x3FDB];
	_ =	sdelay $0x1  }
0x9a: {  	s5 =	simm.s32 $_scs_section_size  }
0x9b: {  	s6 =	simm.s32 $_size__tile_overlayer_lowered;
	s7 =	simm.s32 $_tile_overlayer_lowered  }
0x9c: {  	s22 =	simm.s32 $0x1BFF;
	s21 =	sshll.u32 s7, $0x1;
	s4 =	sadd.s32 s5, s19  }
0x9d: {  	s8 =	simm.s32 $0x0;
	s20 =	sshll.u32 s6, $0x1;
	s6 =	sadd.s32 s21, s4  }
0x9e: {  	[timem:s8], [sflag:s22] =	dma.local [hbm:s6], s20  }
0x9f: {  	_ =	swait.ge [sflag:s22], s20  }
0xa0: {  	s5 =	ssub.s32 $0x0, s20;
	[sflag:s22] =	ssyncset.done $0x0  }
0xa1: {  	[sflag:s22] =	ssyncadd.s32 s5;
	_ =	sdelay $0x1  }
0xa2: {  	s23 =	simm.s32 $0x1B8B  }
0xa3: {  	_ =	swait.ge [sflag:s23], $0x1  }
0xa4: {  	[sflag:s23] =	ssyncset.done $0x0  }
0xa5: {  	s25 =	simm.s32 $0x1B8E;
	s24 =	sld [smem:$0x3FFE];
	[sflag:s23] =	ssyncadd.s32 $0xFFFFFFFF  }
0xa6: {  	s26 =	simm.s32 $execute0_lowered;
	[smem:$0x3FD2] =	sst s25  }
0xa7: {  	s6 =	sshll.u32 s26, $0x1;
	_ =	strace $0x80000046;
	[dreg:$0x1] =	wrdreg $0xFFFFFFFF  }
0xa8: {  	s28 =	simm.s32 $_size_execute0_lowered;
	s4 =	sadd.s32 s4, s6;
	[dreg:$0x0] =	wrdreg $0x0  }
0xa9: {  	s6 =	sshll.u32 s28, $0x1;
	[dreg:$0x2] =	wrdreg s4  }
0xaa: {  	[dreg:$0x3] =	wrdreg s6  }
0xab: {  	[dreg:$0x4] =	wrdreg $0xC0  }
0xac: {  	_ =	task [dreg:s8], $0x5FFFF  }
0xad: {  	[dreg:$0x1] =	wrdreg $0xFFFFFFFF  }
0xae: {  	[dreg:$0x0] =	wrdreg $0x60  }
0xaf: {  	[dreg:$0x2] =	wrdreg s24  }
0xb0: {  	[dreg:$0x3] =	wrdreg s2  }
0xb1: {  	[dreg:$0x4] =	wrdreg s18  }
0xb2: {  	[dreg:$0x5] =	wrdreg $0x124000  }
0xb3: {  	[dreg:$0x6] =	wrdreg $0x1C4000  }
0xb4: {  	[dreg:$0x7] =	wrdreg $0x9  }
0xb5: {  	_ =	task.clear_ibuf [dreg:s8], $0x8FFFF;
	_ =	strace $0x90000046  }
0xb6: {  	s29 =	simm.s32 $0x9;
	_ =	strace $0x80000048  }
0xb7: {  	_ =	swait.ge [sflag:s29], $0x1  }
0xb8: {  	[sflag:s29] =	ssyncadd.s32 $0xFFFFFFFF  }
0xb9: {  	_ =	strace $0x90000048  }
0xba: {  	_ =	sfence  }
0xbb: {  	s30 =	sld [smem:$0x0];
	_ =	sdelay $0x2  }
0xbc: {  	s31 =	sshll.u32 s1, $0xD;
	s1 =	sshrl.u32 s1, $0x2  }
0xbd: {  	s3 =	sand.u32 $0x4000, s31;
	s1 =	sadd.s32 s1, s30  }
0xbe: {  	s0 =	sor.u32 s3, s0;
	s1 =	sshll.u32 s1, $0x11  }
0xbf: {  	s0 =	sor.u32 s1, s0  }
0xc0: {  	s0 =	sadd.s32 $0x8F2B, s0  }
0xc1: {  	[sflag:s0] =	ssyncadd.remote.s32 $0x1  }
0xc2: {  	_ =	sfence.sel $0xFFFF  }
0xc3: {  	[dreg:$0x0] =	wrdreg $0xFFFFFFFF;
	(pc) =	sbr.abs _section_cstart, $3  }
0xc4: {  	[dreg:$0x1] =	wrdreg $0xFFFFFFFF  }
0xc5: {  	_ =	task.clear_ibuf [dreg:s8], $0x2FFFF;
	_ =	strace $0x9FFFFFFF  }
0xc6: {  	(tm) =	ssettm $0x7FFFFFFF  }
0xc7: {  	_ =	shalt  }
tec
execute0_lowered:
.L_overlay_start_1:
0x0: {  	(tag) =	ssettag $0x1  }
0x1: {  	s0 =	rddreg [dreg:$0x0]  }
0x2: {  	s1 =	rddreg [dreg:$0x1]  }
0x3: {  	s2 =	rddreg [dreg:$0x2]  }
0x4: {  	s3 =	rddreg [dreg:$0x3]  }
0x5: {  	s4 =	rddreg [dreg:$0x4];
	s5 =	simm.s32 $0x0;
	s21 =	stileid.u32  }
0x6: {  	s11 =	srdreg.scid;
	s29 =	simm.s32 $0x80;
	s30 =	simm.s32 $0xC000  }
0x7: {  	[smem:$0x7FF] =	sst s5;
	s6 =	smul.u32 $0xA00, s21;
	s7 =	sadd.s32 $0x17600, s0  }
0x8: {  	s9 =	sadd.s32 $0xD600, s0;
	s8 =	sadd.s32 $0x21800, s0;
	s20 =	smul.u32 $0xA000, s21  }
0x9: {  	s12 =	sadd.s32 $0x21600, s0;
	s11 =	sand.u32 $0x1, s11;
	s15 =	smul.u32 $0x280, s21  }
0xa: {  	s26 =	smul.u32 $0x5000, s21;
	_ =	strace $0x80000047;
	[dreg:$0x6] =	wrdreg s8  }
0xb: {  	[dreg:$0x7] =	wrdreg s12;
	s12 =	smul.u32 $0x1400, s21;
	s14 =	ssub.s32 $0x2, s11  }
0xc: {  	p0 =	sne.s32 s11, $0x0;
	s10 =	sadd.s32 s6, s0;
	s13 =	sshrl.u32 s20, $0x3  }
0xd: {  	s18 =	sshrl.u32 s14, $0x1;
	s8 =	sadd.s32 s20, s3;
	s19 =	sadd.s32 $0x100, s15  }
0xe: {  	s20 =	sadd.s32 $0x180, s15;
	s25 =	sadd.s32 $0x200, s15;
	s7 =	smov.u32 @p0 s9  }
0xf: {  	s16 =	sadd.s32 s13, s0;
	s17 =	sshrl.u32 s12, $0x3;
	s14 =	ssub.s32 s14, s18  }
0x10: {  	s2 =	sadd.s32 s2, s13;
	s24 =	sshll.u32 s20, $0x6;
	s9 =	sshll.u32 s25, $0x6  }
0x11: {  	s21 =	sshll.u32 s25, $0x3;
	[dreg:$0xa] =	wrdreg s2;
	s2 =	sadd.s32 s24, s3  }
0x12: {  	s0 =	sadd.s32 s17, s0;
	s24 =	sadd.s32 $0x21A00, s16;
	[dreg:$0xb] =	wrdreg s2  }
0x13: {  	s17 =	sadd.s32 $0x80, s15;
	s25 =	smax.u32 s14, $0x1;
	[dreg:$0x13] =	wrdreg s24  }
0x14: {  	s15 =	sshrl.u32 s26, $0x2;
	s26 =	sadd.s32 s7, s6;
	[dreg:$0x15] =	wrdreg s25  }
0x15: {  	s31 =	simm.s32 $0x10000;
	s2 =	sadd.s32 s9, s3;
	[dreg:$0x16] =	wrdreg s26  }
0x16: {  	s22 =	sshll.u32 s17, $0x6;
	s0 =	sadd.s32 $0x35A00, s0;
	[dreg:$0xc] =	wrdreg s2  }
0x17: {  	s28 =	simm.s32 $0x1;
	s18 =	sadd.s32 s22, s3;
	[dreg:$0x14] =	wrdreg s0  }
0x18: {  	s23 =	sshll.u32 s19, $0x6;
	s2 =	sadd.s32 s15, s4;
	[dreg:$0x8] =	wrdreg s18  }
0x19: {  	s19 =	sshll.u32 s19, $0x3;
	s22 =	sadd.s32 s21, s4;
	[dreg:$0xd] =	wrdreg s2  }
0x1a: {  	s20 =	sshll.u32 s20, $0x3;
	s18 =	sadd.s32 s23, s3;
	[dreg:$0x11] =	wrdreg s22  }
0x1b: {  	s6 =	simm.s32 $0x2;
	s2 =	sadd.s32 s19, s4;
	[dreg:$0x9] =	wrdreg s18  }
0x1c: {  	s0 =	sadd.s32 s12, s4;
	s23 =	sadd.s32 $0x3600, s10;
	[dreg:$0xf] =	wrdreg s2  }
0x1d: {  	s17 =	sshll.u32 s17, $0x3;
	s0 =	sshrl.u32 @!p0 s0, $0x3;
	[dreg:$0x12] =	wrdreg s23  }
0x1e: {  	s7 =	simm.s32 $0x4;
	s18 =	sadd.s32 s17, s4;
	[dreg:$0x17] =	wrdreg s0  }
0x1f: {  	s24 =	simm.s32 $0xA000;
	s2 =	sadd.s32 s20, s4;
	[dreg:$0xe] =	wrdreg s18  }
0x20: {  	v0 =	vimm.f32 $0.0e+00;
	s26 =	simm.s32 $0x5;
	s0 =	simm.s32 $0xE000;
	[dreg:$0x10] =	wrdreg s2  }
.LBB2_1:
0x21: {  	s10 =	simm.s32 $0x100;
	s2 =	simm.s32 $0x0  }
.LBB2_2:
0x22: {  	p1 =	sne.s32 s10, $0x7F00;
	[tilespmem:s2+$0xA030] =	vst v0;
	s11 =	smov.u32 s10;
	s10 =	sadd.s32 $0x100, s10  }
.Ltmp0:
0x23: {  	[tilespmem:s2+$0xA020] =	vst v0;
	(pc) =	sbr.rel @p1 .LBB2_2-.Ltmp0, $3  }
0x24: {  	[tilespmem:s2+$0xA000] =	vst v0  }
0x25: {  	[tilespmem:s2+$0xA010] =	vst v0;
	_ =	sdelay $0x1  }
0x26: {  	s2 =	sshra.s32 s11, $0x2  }
0x27: {  	[tilespmem:s2+$0xA030] =	vst v0  }
0x28: {  	[tilespmem:s2+$0xA020] =	vst v0  }
0x29: {  	[tilespmem:s2+$0xA000] =	vst v0  }
0x2a: {  	[tilespmem:s2+$0xA010] =	vst v0  }
0x2b: {  	[spmem:s8] =	stream.linear.scatter [tilespmem:s24], [sflag:$0x5], $0x2000, $0x38;
	[tilespmem:$0x1D800] =	vst v63  }
0x2c: {  	_ =	swait.ge [sflag:s26], $0x2000  }
0x2d: {  	[sflag:s26] =	ssyncset.done $0x0  }
0x2e: {  	s14 =	rddreg [dreg:$0x8];
	[sflag:s26] =	ssyncadd.s32 $0xFFFFE000  }
0x2f: {  	[spmem:s14] =	stream.linear.scatter [tilespmem:s24], [sflag:$0x5], $0x2000, $0x38;
	[tilespmem:$0x1D800] =	vst v63  }
0x30: {  	_ =	swait.ge [sflag:s26], $0x2000  }
0x31: {  	[sflag:s26] =	ssyncset.done $0x0  }
0x32: {  	s15 =	rddreg [dreg:$0x9];
	[sflag:s26] =	ssyncadd.s32 $0xFFFFE000  }
0x33: {  	[spmem:s15] =	stream.linear.scatter [tilespmem:s24], [sflag:$0x5], $0x2000, $0x38;
	[tilespmem:$0x1D800] =	vst v63  }
0x34: {  	_ =	swait.ge [sflag:s26], $0x2000  }
0x35: {  	[sflag:s26] =	ssyncset.done $0x0  }
0x36: {  	s16 =	rddreg [dreg:$0xb];
	[sflag:s26] =	ssyncadd.s32 $0xFFFFE000  }
0x37: {  	[spmem:s16] =	stream.linear.scatter [tilespmem:s24], [sflag:$0x5], $0x2000, $0x38;
	[tilespmem:$0x1D800] =	vst v63  }
0x38: {  	_ =	swait.ge [sflag:s26], $0x2000  }
0x39: {  	[sflag:s26] =	ssyncset.done $0x0  }
0x3a: {  	s17 =	rddreg [dreg:$0xc];
	[sflag:s26] =	ssyncadd.s32 $0xFFFFE000  }
0x3b: {  	[spmem:s17] =	stream.linear.scatter [tilespmem:s24], [sflag:$0x5], $0x2000, $0x38;
	[tilespmem:$0x1D800] =	vst v63  }
0x3c: {  	_ =	swait.ge [sflag:s26], $0x2000  }
0x3d: {  	s10 =	simm.s32 @!p0 $0x0;
	[sflag:s26] =	ssyncset.done $0x0  }
0x3e: {  	s11 =	simm.s32 @!p0 $0x12000;
	s2 =	rddreg [dreg:$0x7];
	[sflag:s26] =	ssyncadd.s32 $0xFFFFE000  }
0x3f: {  	[tilespmem:s11], [sflag:$0x5] =	stream.linear.gather @!p0 [hbm4b:s2+s10], $0x400, $0x38;
	[tilespmem:$0x1D800] =	vst v63  }
0x40: {  	s2 =	simm.s32 @!p0 $0x5  }
0x41: {  	_ =	swait.ge @!p0 [sflag:s2], $0x400  }
0x42: {  	[sflag:s2] =	ssyncset.done @!p0 $0x0  }
0x43: {  	s9 =	rddreg [dreg:$0xd];
	[sflag:s2] =	ssyncadd.s32 @!p0 $0xFFFFFC00  }
0x44: {  	[spmem:s9] =	stream.linear.scatter @!p0 [tilespmem:s11], [sflag:$0x5], $0x400, $0x38;
	[tilespmem:$0x1D800] =	vst v63  }
0x45: {  	_ =	swait.ge @!p0 [sflag:s2], $0x400  }
0x46: {  	[sflag:s2] =	ssyncset.done @!p0 $0x0  }
0x47: {  	s9 =	rddreg [dreg:$0xe];
	[sflag:s2] =	ssyncadd.s32 @!p0 $0xFFFFFC00  }
0x48: {  	[spmem:s9] =	stream.linear.scatter @!p0 [tilespmem:s11], [sflag:$0x5], $0x400, $0x38;
	[tilespmem:$0x1D800] =	vst v63  }
0x49: {  	_ =	swait.ge @!p0 [sflag:s2], $0x400  }
0x4a: {  	[sflag:s2] =	ssyncset.done @!p0 $0x0  }
0x4b: {  	s9 =	rddreg [dreg:$0xf];
	[sflag:s2] =	ssyncadd.s32 @!p0 $0xFFFFFC00  }
0x4c: {  	[spmem:s9] =	stream.linear.scatter @!p0 [tilespmem:s11], [sflag:$0x5], $0x400, $0x38;
	[tilespmem:$0x1D800] =	vst v63  }
0x4d: {  	_ =	swait.ge @!p0 [sflag:s2], $0x400  }
0x4e: {  	[sflag:s2] =	ssyncset.done @!p0 $0x0  }
0x4f: {  	s9 =	rddreg [dreg:$0x10];
	[sflag:s2] =	ssyncadd.s32 @!p0 $0xFFFFFC00  }
0x50: {  	[spmem:s9] =	stream.linear.scatter @!p0 [tilespmem:s11], [sflag:$0x5], $0x400, $0x38;
	[tilespmem:$0x1D800] =	vst v63  }
0x51: {  	_ =	swait.ge @!p0 [sflag:s2], $0x400  }
0x52: {  	[sflag:s2] =	ssyncset.done @!p0 $0x0  }
0x53: {  	s9 =	rddreg [dreg:$0x11];
	[sflag:s2] =	ssyncadd.s32 @!p0 $0xFFFFFC00  }
0x54: {  	[spmem:s9] =	stream.linear.scatter @!p0 [tilespmem:s11], [sflag:$0x5], $0x400, $0x38;
	[tilespmem:$0x1D800] =	vst v63  }
0x55: {  	_ =	swait.ge @!p0 [sflag:s2], $0x400  }
0x56: {  	[sflag:s2] =	ssyncset.done @!p0 $0x0  }
0x57: {  	s9 =	rddreg [dreg:$0x6];
	[sflag:s2] =	ssyncadd.s32 @!p0 $0xFFFFFC00  }
0x58: {  	[tilespmem:s11], [sflag:$0x5] =	stream.linear.gather @!p0 [hbm4b:s9+s10], $0x400, $0x38;
	[tilespmem:$0x1D800] =	vst v63  }
0x59: {  	_ =	swait.ge @!p0 [sflag:s2], $0x400  }
0x5a: {  	[sflag:s2] =	ssyncset.done @!p0 $0x0  }
0x5b: {  	s18 =	simm.s32 $0x0;
	s19 =	rddreg [dreg:$0x16];
	[sflag:s2] =	ssyncadd.s32 @!p0 $0xFFFFFC00  }
0x5c: {  	[tilespmem:s18], [sflag:$0x5] =	stream.linear.gather [hbm4b:s19+s18], $0x5000, $0x38;
	[tilespmem:$0x1D800] =	vst v63  }
0x5d: {  	_ =	swait.ge [sflag:s26], $0x5000  }
0x5e: {  	[sflag:s26] =	ssyncset.done $0x0  }
0x5f: {  	s12 =	simm.s32 $0x5000;
	s20 =	rddreg [dreg:$0x12];
	[sflag:s26] =	ssyncadd.s32 $0xFFFFB000  }
0x60: {  	[tilespmem:s12], [sflag:$0x5] =	stream.linear.gather [hbm4b:s20+s18], $0x5000, $0x38;
	[tilespmem:$0x1D800] =	vst v63  }
0x61: {  	_ =	swait.ge [sflag:s26], $0x5000  }
0x62: {  	[sflag:s26] =	ssyncset.done $0x0  }
0x63: {  	[sflag:s26] =	ssyncadd.s32 $0xFFFFB000  }
0x64: {  	[bflag:$0x0] =	sbarrier.arrive $0xFFFF  }
0x65: {  	[tilespmem:s24], [sflag:$0x1] =	stream.indirect.gather [hbm4b:s1+s29], $0x40, s18, s29, $0xb8;
	[tilespmem:$0x1D800] =	vst v63  }
0x66: {  	_ = 	snop  }
0x67: {  	[tilespmem:s30], [sflag:$0x2] =	stream.indirect.gather [hbm4b:s1+s29], $0x40, s29, s29, $0xb8;
	[tilespmem:$0x1D800] =	vst v63  }
0x68: {  	s21 =	simm.s32 $0x100  }
0x69: {  	[tilespmem:s0], [sflag:$0x3] =	stream.indirect.gather [hbm4b:s1+s29], $0x40, s21, s29, $0xb8;
	[tilespmem:$0x1D800] =	vst v63  }
0x6a: {  	s22 =	simm.s32 $0x180  }
0x6b: {  	[tilespmem:s31], [sflag:$0x4] =	stream.indirect.gather [hbm4b:s1+s29], $0x40, s22, s29, $0xb8;
	[tilespmem:$0x1D800] =	vst v63  }
0x6c: {  	_ =	swait.ge [sflag:s28], $0x2000  }
0x6d: {  	[sflag:s28] =	ssyncset.done $0x0  }
0x6e: {  	s12 =	simm.s32 $0x5000;
	[sflag:s28] =	ssyncadd.s32 $0xFFFFE000  }
0x6f: {  	[spmem:s3] =	stream.indirect.scatter.add.f32 [tilespmem:s24], [sflag:$0x5], $0x40, s12, s29, $0xb8;
	[tilespmem:$0x1D800] =	vst v63  }
0x70: {  	_ =	swait.ge [sflag:s26], $0x2000  }
0x71: {  	[sflag:s26] =	ssyncset.done $0x0  }
0x72: {  	s10 =	simm.s32 @!p0 $0x80;
	[sflag:s26] =	ssyncadd.s32 $0xFFFFE000  }
0x73: {  	[spmem:s4] =	stream.indirect.scatter.add.f32 @!p0 [tilespmem:s11], [sflag:$0x5], $0x8, s12, s10, $0xb8;
	[tilespmem:$0x1D800] =	vst v63  }
0x74: {  	_ =	swait.ge @!p0 [sflag:s2], $0x400  }
0x75: {  	[sflag:s2] =	ssyncset.done @!p0 $0x0  }
0x76: {  	s23 =	simm.s32 $0x200;
	[sflag:s2] =	ssyncadd.s32 @!p0 $0xFFFFFC00  }
0x77: {  	[tilespmem:s24], [sflag:$0x1] =	stream.indirect.gather [hbm4b:s1+s29], $0x40, s23, s29, $0xb8;
	[tilespmem:$0x1D800] =	vst v63  }
0x78: {  	_ =	swait.ge [sflag:s6], $0x2000  }
0x79: {  	[sflag:s6] =	ssyncset.done $0x0  }
0x7a: {  	s15 =	simm.s32 $0x5080;
	[sflag:s6] =	ssyncadd.s32 $0xFFFFE000  }
0x7b: {  	[spmem:s3] =	stream.indirect.scatter.add.f32 [tilespmem:s30], [sflag:$0x5], $0x40, s15, s29, $0xb8;
	[tilespmem:$0x1D800] =	vst v63  }
0x7c: {  	_ =	swait.ge [sflag:s26], $0x2000  }
0x7d: {  	s13 =	simm.s32 @p0 $0x80;
	s14 =	simm.s32 @p0 $0xC000;
	[sflag:s26] =	ssyncset.done $0x0  }
0x7e: {  	s16 =	simm.s32 @p0 $0x3;
	s12 =	simm.s32 @p0 $0x280;
	[sflag:s26] =	ssyncadd.s32 $0xFFFFE000  }
0x7f: {  	[tilespmem:s14], [sflag:$0x2] =	stream.indirect.gather @p0 [hbm4b:s1+s13], $0x40, s12, s13, $0xb8;
	[tilespmem:$0x1D800] =	vst v63  }
0x80: {  	_ =	swait.ge @p0 [sflag:s16], $0x2000  }
0x81: {  	s17 =	simm.s32 @p0 $0xE000;
	[sflag:s16] =	ssyncset.done @p0 $0x0  }
0x82: {  	s18 =	simm.s32 @p0 $0x5100;
	s12 =	simm.s32 @p0 $0x5;
	[sflag:s16] =	ssyncadd.s32 @p0 $0xFFFFE000  }
0x83: {  	[spmem:s3] =	stream.indirect.scatter.add.f32 @p0 [tilespmem:s17], [sflag:$0x5], $0x40, s18, s13, $0xb8;
	[tilespmem:$0x1D800] =	vst v63  }
0x84: {  	_ =	swait.ge @p0 [sflag:s12], $0x2000  }
0x85: {  	[sflag:s12] =	ssyncset.done @p0 $0x0  }
0x86: {  	[sflag:s12] =	ssyncadd.s32 @p0 $0xFFFFE000  }
0x87: {  	[spmem:s4] =	stream.indirect.scatter.add.f32 @!p0 [tilespmem:s11], [sflag:$0x5], $0x8, s15, s10, $0xb8;
	[tilespmem:$0x1D800] =	vst v63  }
0x88: {  	_ =	swait.ge @!p0 [sflag:s2], $0x400  }
0x89: {  	s19 =	simm.s32 @!p0 $0x280;
	[sflag:s2] =	ssyncset.done @!p0 $0x0  }
0x8a: {  	s18 =	simm.s32 @!p0 $0x3;
	s15 =	simm.s32 @!p0 $0xC000;
	[sflag:s2] =	ssyncadd.s32 @!p0 $0xFFFFFC00  }
0x8b: {  	[tilespmem:s15], [sflag:$0x2] =	stream.indirect.gather @!p0 [hbm4b:s1+s10], $0x40, s19, s10, $0xb8;
	[tilespmem:$0x1D800] =	vst v63  }
0x8c: {  	_ =	swait.ge @!p0 [sflag:s18], $0x2000  }
0x8d: {  	[sflag:s18] =	ssyncset.done @!p0 $0x0  }
0x8e: {  	s20 =	simm.s32 @!p0 $0x5100;
	s19 =	simm.s32 @!p0 $0xE000;
	[sflag:s18] =	ssyncadd.s32 @!p0 $0xFFFFE000  }
0x8f: {  	[spmem:s3] =	stream.indirect.scatter.add.f32 @!p0 [tilespmem:s19], [sflag:$0x5], $0x40, s20, s10, $0xb8;
	[tilespmem:$0x1D800] =	vst v63  }
0x90: {  	_ =	swait.ge @!p0 [sflag:s2], $0x2000  }
0x91: {  	[sflag:s2] =	ssyncset.done @!p0 $0x0  }
0x92: {  	[sflag:s2] =	ssyncadd.s32 @!p0 $0xFFFFE000  }
0x93: {  	[spmem:s4] =	stream.indirect.scatter.add.f32 @!p0 [tilespmem:s11], [sflag:$0x5], $0x8, s20, s10, $0xb8;
	[tilespmem:$0x1D800] =	vst v63  }
0x94: {  	_ =	swait.ge @!p0 [sflag:s2], $0x400  }
0x95: {  	[sflag:s2] =	ssyncset.done @!p0 $0x0  }
0x96: {  	s25 =	simm.s32 $0x300;
	[sflag:s2] =	ssyncadd.s32 @!p0 $0xFFFFFC00  }
0x97: {  	[tilespmem:s0], [sflag:$0x3] =	stream.indirect.gather [hbm4b:s1+s29], $0x40, s25, s29, $0xb8;
	[tilespmem:$0x1D800] =	vst v63  }
0x98: {  	_ =	swait.ge [sflag:s7], $0x2000  }
0x99: {  	[sflag:s7] =	ssyncset.done $0x0  }
0x9a: {  	s20 =	simm.s32 $0x5180;
	[sflag:s7] =	ssyncadd.s32 $0xFFFFE000  }
0x9b: {  	[spmem:s3] =	stream.indirect.scatter.add.f32 [tilespmem:s31], [sflag:$0x5], $0x40, s20, s29, $0xb8;
	[tilespmem:$0x1D800] =	vst v63  }
0x9c: {  	_ =	swait.ge [sflag:s26], $0x2000  }
0x9d: {  	[sflag:s26] =	ssyncset.done $0x0  }
0x9e: {  	[sflag:s26] =	ssyncadd.s32 $0xFFFFE000  }
0x9f: {  	[spmem:s4] =	stream.indirect.scatter.add.f32 @!p0 [tilespmem:s11], [sflag:$0x5], $0x8, s20, s10, $0xb8;
	[tilespmem:$0x1D800] =	vst v63  }
0xa0: {  	_ =	swait.ge @!p0 [sflag:s2], $0x400  }
0xa1: {  	[sflag:s2] =	ssyncset.done @!p0 $0x0  }
0xa2: {  	s21 =	simm.s32 $0x380;
	s20 =	simm.s32 $0x800;
	[sflag:s2] =	ssyncadd.s32 @!p0 $0xFFFFFC00  }
.LBB2_4:
0xa3: {  	[tilespmem:s31], [sflag:$0x4] =	stream.indirect.gather [hbm4b:s1+s29], $0x40, s21, s29, $0xb8;
	[tilespmem:$0x1D800] =	vst v63  }
0xa4: {  	s22 =	smov.u32 s20;
	s20 =	sadd.s32 $0x800, s20;
	_ =	swait.ge [sflag:s28], $0x2000  }
0xa5: {  	s21 =	sshra.s32 s22, $0x2;
	p1 =	sne.s32 s20, $0x13800;
	[sflag:s28] =	ssyncset.done $0x0  }
0xa6: {  	s23 =	sadd.s32 $0x5000, s21;
	[sflag:s28] =	ssyncadd.s32 $0xFFFFE000  }
0xa7: {  	[spmem:s3] =	stream.indirect.scatter.add.f32 [tilespmem:s24], [sflag:$0x5], $0x40, s23, s29, $0xb8;
	[tilespmem:$0x1D800] =	vst v63  }
0xa8: {  	_ =	swait.ge [sflag:s26], $0x2000  }
0xa9: {  	[sflag:s26] =	ssyncset.done $0x0  }
0xaa: {  	[sflag:s26] =	ssyncadd.s32 $0xFFFFE000  }
0xab: {  	[spmem:s4] =	stream.indirect.scatter.add.f32 @!p0 [tilespmem:s11], [sflag:$0x5], $0x8, s23, s10, $0xb8;
	[tilespmem:$0x1D800] =	vst v63  }
0xac: {  	_ =	swait.ge @!p0 [sflag:s2], $0x400  }
0xad: {  	[sflag:s2] =	ssyncset.done @!p0 $0x0  }
0xae: {  	s23 =	sadd.s32 $0x200, s21;
	[sflag:s2] =	ssyncadd.s32 @!p0 $0xFFFFFC00  }
0xaf: {  	[tilespmem:s24], [sflag:$0x1] =	stream.indirect.gather [hbm4b:s1+s29], $0x40, s23, s29, $0xb8;
	[tilespmem:$0x1D800] =	vst v63  }
0xb0: {  	_ =	swait.ge [sflag:s6], $0x2000  }
0xb1: {  	[sflag:s6] =	ssyncset.done $0x0  }
0xb2: {  	s23 =	sadd.s32 $0x5080, s21;
	[sflag:s6] =	ssyncadd.s32 $0xFFFFE000  }
0xb3: {  	[spmem:s3] =	stream.indirect.scatter.add.f32 [tilespmem:s30], [sflag:$0x5], $0x40, s23, s29, $0xb8;
	[tilespmem:$0x1D800] =	vst v63  }
0xb4: {  	_ =	swait.ge [sflag:s26], $0x2000  }
0xb5: {  	s25 =	sshra.s32 @p0 s22, $0x2;
	[sflag:s26] =	ssyncset.done $0x0  }
0xb6: {  	s9 =	sadd.s32 @p0 $0x280, s25;
	[sflag:s26] =	ssyncadd.s32 $0xFFFFE000  }
0xb7: {  	[tilespmem:s14], [sflag:$0x2] =	stream.indirect.gather @p0 [hbm4b:s1+s13], $0x40, s9, s13, $0xb8;
	[tilespmem:$0x1D800] =	vst v63  }
0xb8: {  	_ =	swait.ge @p0 [sflag:s16], $0x2000  }
0xb9: {  	[sflag:s16] =	ssyncset.done @p0 $0x0  }
0xba: {  	s9 =	sadd.s32 @p0 $0x5100, s25;
	[sflag:s16] =	ssyncadd.s32 @p0 $0xFFFFE000  }
0xbb: {  	[spmem:s3] =	stream.indirect.scatter.add.f32 @p0 [tilespmem:s17], [sflag:$0x5], $0x40, s9, s13, $0xb8;
	[tilespmem:$0x1D800] =	vst v63  }
0xbc: {  	_ =	swait.ge @p0 [sflag:s12], $0x2000  }
0xbd: {  	[sflag:s12] =	ssyncset.done @p0 $0x0  }
0xbe: {  	[sflag:s12] =	ssyncadd.s32 @p0 $0xFFFFE000  }
0xbf: {  	[spmem:s4] =	stream.indirect.scatter.add.f32 @!p0 [tilespmem:s11], [sflag:$0x5], $0x8, s23, s10, $0xb8;
	[tilespmem:$0x1D800] =	vst v63  }
0xc0: {  	_ =	swait.ge @!p0 [sflag:s2], $0x400  }
0xc1: {  	s9 =	sshra.s32 @!p0 s22, $0x2;
	[sflag:s2] =	ssyncset.done @!p0 $0x0  }
0xc2: {  	s22 =	sadd.s32 @!p0 $0x280, s9;
	[sflag:s2] =	ssyncadd.s32 @!p0 $0xFFFFFC00  }
0xc3: {  	[tilespmem:s15], [sflag:$0x2] =	stream.indirect.gather @!p0 [hbm4b:s1+s10], $0x40, s22, s10, $0xb8;
	[tilespmem:$0x1D800] =	vst v63  }
0xc4: {  	_ =	swait.ge @!p0 [sflag:s18], $0x2000  }
0xc5: {  	[sflag:s18] =	ssyncset.done @!p0 $0x0  }
0xc6: {  	s9 =	sadd.s32 @!p0 $0x5100, s9;
	[sflag:s18] =	ssyncadd.s32 @!p0 $0xFFFFE000  }
0xc7: {  	[spmem:s3] =	stream.indirect.scatter.add.f32 @!p0 [tilespmem:s19], [sflag:$0x5], $0x40, s9, s10, $0xb8;
	[tilespmem:$0x1D800] =	vst v63  }
0xc8: {  	_ =	swait.ge @!p0 [sflag:s2], $0x2000  }
0xc9: {  	[sflag:s2] =	ssyncset.done @!p0 $0x0  }
0xca: {  	[sflag:s2] =	ssyncadd.s32 @!p0 $0xFFFFE000  }
0xcb: {  	[spmem:s4] =	stream.indirect.scatter.add.f32 @!p0 [tilespmem:s11], [sflag:$0x5], $0x8, s9, s10, $0xb8;
	[tilespmem:$0x1D800] =	vst v63  }
0xcc: {  	_ =	swait.ge @!p0 [sflag:s2], $0x400  }
0xcd: {  	[sflag:s2] =	ssyncset.done @!p0 $0x0  }
0xce: {  	s9 =	sadd.s32 $0x300, s21;
	[sflag:s2] =	ssyncadd.s32 @!p0 $0xFFFFFC00  }
0xcf: {  	[tilespmem:s0], [sflag:$0x3] =	stream.indirect.gather [hbm4b:s1+s29], $0x40, s9, s29, $0xb8;
	[tilespmem:$0x1D800] =	vst v63  }
0xd0: {  	_ =	swait.ge [sflag:s7], $0x2000  }
0xd1: {  	[sflag:s7] =	ssyncset.done $0x0  }
0xd2: {  	s9 =	sadd.s32 $0x5180, s21;
	[sflag:s7] =	ssyncadd.s32 $0xFFFFE000  }
0xd3: {  	[spmem:s3] =	stream.indirect.scatter.add.f32 [tilespmem:s31], [sflag:$0x5], $0x40, s9, s29, $0xb8;
	[tilespmem:$0x1D800] =	vst v63  }
0xd4: {  	_ =	swait.ge [sflag:s26], $0x2000  }
0xd5: {  	[sflag:s26] =	ssyncset.done $0x0  }
.Ltmp1:
0xd6: {  	[sflag:s26] =	ssyncadd.s32 $0xFFFFE000;
	(pc) =	sbr.rel @p1 .LBB2_4-.Ltmp1, $4  }
0xd7: {  	[spmem:s4] =	stream.indirect.scatter.add.f32 @!p0 [tilespmem:s11], [sflag:$0x5], $0x8, s9, s10, $0xb8;
	[tilespmem:$0x1D800] =	vst v63  }
0xd8: {  	_ =	swait.ge @!p0 [sflag:s2], $0x400  }
0xd9: {  	[sflag:s2] =	ssyncset.done @!p0 $0x0  }
0xda: {  	s21 =	sadd.s32 $0x380, s21;
	[sflag:s2] =	ssyncadd.s32 @!p0 $0xFFFFFC00  }
0xdb: {  	[tilespmem:s31], [sflag:$0x4] =	stream.indirect.gather [hbm4b:s1+s29], $0x40, s21, s29, $0xb8;
	[tilespmem:$0x1D800] =	vst v63  }
0xdc: {  	_ =	swait.ge [sflag:s28], $0x2000  }
0xdd: {  	[sflag:s28] =	ssyncset.done $0x0  }
0xde: {  	s2 =	simm.s32 $0x9E00;
	[sflag:s28] =	ssyncadd.s32 $0xFFFFE000  }
0xdf: {  	[spmem:s3] =	stream.indirect.scatter.add.f32 [tilespmem:s24], [sflag:$0x5], $0x40, s2, s29, $0xb8;
	[tilespmem:$0x1D800] =	vst v63  }
0xe0: {  	_ =	swait.ge [sflag:s26], $0x2000  }
0xe1: {  	[sflag:s26] =	ssyncset.done $0x0  }
0xe2: {  	s2 =	simm.s32 @p0 $0x2;
	[sflag:s26] =	ssyncadd.s32 $0xFFFFE000  }
0xe3: {  	_ =	swait.ge @p0 [sflag:s2], $0x2000  }
0xe4: {  	[sflag:s2] =	ssyncset.done @p0 $0x0  }
0xe5: {  	[sflag:s2] =	ssyncadd.s32 @p0 $0xFFFFE000;
	s2 =	simm.s32 @p0 $0x9E80  }
0xe6: {  	[spmem:s3] =	stream.indirect.scatter.add.f32 @p0 [tilespmem:s14], [sflag:$0x5], $0x40, s2, s13, $0xb8;
	[tilespmem:$0x1D800] =	vst v63  }
0xe7: {  	_ =	swait.ge @p0 [sflag:s12], $0x2000  }
0xe8: {  	[sflag:s12] =	ssyncset.done @p0 $0x0  }
0xe9: {  	s9 =	simm.s32 @!p0 $0x12000;
	s2 =	simm.s32 @!p0 $0x9E00;
	[sflag:s12] =	ssyncadd.s32 @p0 $0xFFFFE000  }
0xea: {  	[spmem:s4] =	stream.indirect.scatter.add.f32 @!p0 [tilespmem:s9], [sflag:$0x5], $0x8, s2, s10, $0xb8;
	[tilespmem:$0x1D800] =	vst v63  }
0xeb: {  	s2 =	simm.s32 @!p0 $0x5  }
0xec: {  	_ =	swait.ge @!p0 [sflag:s2], $0x400  }
0xed: {  	[sflag:s2] =	ssyncset.done @!p0 $0x0  }
0xee: {  	s11 =	simm.s32 @!p0 $0x2;
	[sflag:s2] =	ssyncadd.s32 @!p0 $0xFFFFFC00  }
0xef: {  	_ =	swait.ge @!p0 [sflag:s11], $0x2000  }
0xf0: {  	[sflag:s11] =	ssyncset.done @!p0 $0x0  }
0xf1: {  	[sflag:s11] =	ssyncadd.s32 @!p0 $0xFFFFE000;
	s11 =	simm.s32 @!p0 $0x9E80  }
0xf2: {  	[spmem:s3] =	stream.indirect.scatter.add.f32 @!p0 [tilespmem:s15], [sflag:$0x5], $0x40, s11, s10, $0xb8;
	[tilespmem:$0x1D800] =	vst v63  }
0xf3: {  	_ =	swait.ge @!p0 [sflag:s2], $0x2000  }
0xf4: {  	[sflag:s2] =	ssyncset.done @!p0 $0x0  }
0xf5: {  	[sflag:s2] =	ssyncadd.s32 @!p0 $0xFFFFE000  }
0xf6: {  	[spmem:s4] =	stream.indirect.scatter.add.f32 @!p0 [tilespmem:s9], [sflag:$0x5], $0x8, s11, s10, $0xb8;
	[tilespmem:$0x1D800] =	vst v63  }
0xf7: {  	_ =	swait.ge @!p0 [sflag:s2], $0x400  }
0xf8: {  	[sflag:s2] =	ssyncset.done @!p0 $0x0  }
0xf9: {  	s22 =	simm.s32 $0x3;
	[sflag:s2] =	ssyncadd.s32 @!p0 $0xFFFFFC00  }
0xfa: {  	_ =	swait.ge [sflag:s22], $0x2000  }
0xfb: {  	[sflag:s22] =	ssyncset.done $0x0  }
0xfc: {  	s23 =	simm.s32 $0x9F00;
	[sflag:s22] =	ssyncadd.s32 $0xFFFFE000  }
0xfd: {  	[spmem:s3] =	stream.indirect.scatter.add.f32 [tilespmem:s0], [sflag:$0x5], $0x40, s23, s29, $0xb8;
	[tilespmem:$0x1D800] =	vst v63  }
0xfe: {  	_ =	swait.ge [sflag:s26], $0x2000  }
0xff: {  	[sflag:s26] =	ssyncset.done $0x0  }
0x100: {  	s11 =	simm.s32 @p0 $0x4;
	[sflag:s26] =	ssyncadd.s32 $0xFFFFE000  }
0x101: {  	_ =	swait.ge @p0 [sflag:s11], $0x2000  }
0x102: {  	[sflag:s11] =	ssyncset.done @p0 $0x0  }
0x103: {  	s14 =	simm.s32 @p0 $0x10000;
	[sflag:s11] =	ssyncadd.s32 @p0 $0xFFFFE000;
	s11 =	simm.s32 @p0 $0x9F80  }
0x104: {  	[spmem:s3] =	stream.indirect.scatter.add.f32 @p0 [tilespmem:s14], [sflag:$0x5], $0x40, s11, s13, $0xb8;
	[tilespmem:$0x1D800] =	vst v63  }
0x105: {  	_ =	swait.ge @p0 [sflag:s12], $0x2000  }
0x106: {  	[sflag:s12] =	ssyncset.done @p0 $0x0  }
0x107: {  	s14 =	stileid.u32;
	[sflag:s12] =	ssyncadd.s32 @p0 $0xFFFFE000  }
0x108: {  	s11 =	sshll.u32 @p0 s14, $0x6;
	[bflag:$0x0] =	sbarrier.arrive @p0 $0xFFFF  }
0x109: {  	s13 =	sshrl.u32 @p0 s8, $0x3;
	s11 =	sor.u32 @p0 $0x1C05, s11;
	s15 =	rddreg [dreg:$0x13]  }
0x10a: {  	[hbm:s15], [sflag:s11] =	dma.local @p0 [spmem:s13], $0x1400  }
0x10b: {  	_ =	swait.ge @p0 [sflag:s12], $0x1400  }
0x10c: {  	[sflag:s12] =	ssyncset.done @p0 $0x0  }
0x10d: {  	s11 =	simm.s32 @!p0 $0x9F00;
	[sflag:s12] =	ssyncadd.s32 @p0 $0xFFFFEC00  }
0x10e: {  	[spmem:s4] =	stream.indirect.scatter.add.f32 @!p0 [tilespmem:s9], [sflag:$0x5], $0x8, s11, s10, $0xb8;
	[tilespmem:$0x1D800] =	vst v63  }
0x10f: {  	_ =	swait.ge @!p0 [sflag:s2], $0x400  }
0x110: {  	[sflag:s2] =	ssyncset.done @!p0 $0x0  }
0x111: {  	s11 =	simm.s32 @!p0 $0x4;
	[sflag:s2] =	ssyncadd.s32 @!p0 $0xFFFFFC00  }
0x112: {  	_ =	swait.ge @!p0 [sflag:s11], $0x2000  }
0x113: {  	[sflag:s11] =	ssyncset.done @!p0 $0x0  }
0x114: {  	s12 =	simm.s32 @!p0 $0x10000;
	[sflag:s11] =	ssyncadd.s32 @!p0 $0xFFFFE000;
	s11 =	simm.s32 @!p0 $0x9F80  }
0x115: {  	[spmem:s3] =	stream.indirect.scatter.add.f32 @!p0 [tilespmem:s12], [sflag:$0x5], $0x40, s11, s10, $0xb8;
	[tilespmem:$0x1D800] =	vst v63  }
0x116: {  	_ =	swait.ge @!p0 [sflag:s2], $0x2000  }
0x117: {  	[sflag:s2] =	ssyncset.done @!p0 $0x0  }
0x118: {  	[sflag:s2] =	ssyncadd.s32 @!p0 $0xFFFFE000  }
0x119: {  	[spmem:s4] =	stream.indirect.scatter.add.f32 @!p0 [tilespmem:s9], [sflag:$0x5], $0x8, s11, s10, $0xb8;
	[tilespmem:$0x1D800] =	vst v63  }
0x11a: {  	_ =	swait.ge @!p0 [sflag:s2], $0x400  }
0x11b: {  	[sflag:s2] =	ssyncset.done @!p0 $0x0  }
0x11c: {  	[sflag:s2] =	ssyncadd.s32 @!p0 $0xFFFFFC00  }
0x11d: {  	s9 =	sshll.u32 @!p0 s14, $0x6;
	[bflag:$0x0] =	sbarrier.arrive @!p0 $0xFFFF  }
0x11e: {  	s10 =	sshrl.u32 @!p0 s8, $0x3;
	s9 =	sor.u32 @!p0 $0x1C05, s9;
	s12 =	rddreg [dreg:$0xa]  }
0x11f: {  	[hbm:s12], [sflag:s9] =	dma.local @!p0 [spmem:s10], $0x1400  }
0x120: {  	_ =	swait.ge @!p0 [sflag:s2], $0x1400  }
0x121: {  	[sflag:s2] =	ssyncset.done @!p0 $0x0;
	s10 =	rddreg [dreg:$0x14]  }
0x122: {  	s12 =	rddreg [dreg:$0x17];
	[sflag:s2] =	ssyncadd.s32 @!p0 $0xFFFFEC00  }
0x123: {  	[hbm:s10], [sflag:s9] =	dma.local @!p0 [spmem:s12], $0x280  }
0x124: {  	_ =	swait.ge @!p0 [sflag:s2], $0x280  }
0x125: {  	s5 =	sadd.s32 $0x1, s5;
	s25 =	rddreg [dreg:$0x15]  }
0x126: {  	p1 =	sne.s32 s5, s25  }
.Ltmp2:
0x127: {  	_ = 	snop;
	(pc) =	sbr.rel @p1 .LBB2_1-.Ltmp2, $3  }
0x128: {  	_ =	sdelay $0x1  }
0x129: {  	[sflag:s2] =	ssyncset.done @!p0 $0x0  }
0x12a: {  	s11 =	stileid.u32;
	[sflag:s2] =	ssyncadd.s32 @!p0 $0xFFFFFD80  }
0x12b: {  	_ =	sfence.sel $0x180000  }
0x12c: {  	[bflag:$0x0] =	sbarrier.arrive $0xFFFF  }
0x12d: {  	_ =	strace $0x90000047  }
0x12e: {  	[bflag:$0x2] =	sbarrier.arrive $0xFFFF  }
0x12f: {  	p0 =	sne.s32 s11, $0x0;
	s0 =	rddreg [dreg:$0x5]  }
0x130: {  	s0 =	sadd.s32 @!p0 $0x100000, s0  }
0x131: {  	[sflag:s0] =	ssyncadd.tile.s32 @!p0 $0x1;
	_ =	shalt  }
.Lfunc_end2:
_tile_overlayer_lowered:
.L_overlay_start_2:
0x132: {  	(tag) =	ssettag $0x2  }
0x133: {  	s0 =	rddreg [dreg:$0x0];
	s2 =	stileid.u32  }
0x134: {  	s1 =	rddreg [dreg:$0x1];
	p0 =	sne.s32 s2, $0x0  }
0x135: {  	s3 =	rddreg [dreg:$0x2];
	[bflag:$0x3] =	sbarrier.arrive $0xFFFF;
	s2 =	simm.s32 @!p0 $0x1C05  }
0x136: {  	[timem:s3], [sflag:s2] =	dma.local @!p0 [hbm:s0], s1  }
0x137: {  	s0 =	simm.s32 @!p0 $0x5  }
0x138: {  	_ =	swait.ge @!p0 [sflag:s0], s1  }
0x139: {  	s1 =	ssub.s32 @!p0 $0x0, s1;
	[sflag:s0] =	ssyncset.done @!p0 $0x0  }
0x13a: {  	[sflag:s0] =	ssyncadd.s32 @!p0 s1  }
0x13b: {  	[bflag:$0x3] =	sbarrier.arrive $0xFFFF  }
0x13c: {  	_ =	shalt  }

// kernel: kernel.9.cloned.1.call-start
scs
__scs_entry_jumppad:
0x0: {  	(pc) =	sbr.rel $0x88, $3  }
0x1: {  	(tag) =	ssettag $0x0;
	lr =	simm.s32 $0x1  }
0x2: {  	[smem:$0x3F99] =	sst lr;
	_ =	strace $0xD0000000  }
0x3: {  	_ = 	snop  }
0x4: {  	_ = 	snop  }
0x5: {  	_ = 	snop  }
0x6: {  	_ = 	snop  }
0x7: {  	_ = 	snop  }
__scs_overlays_trampoline_lowered:
0x8: {  	[smem:$0x3FA8] =	sst s0  }
0x9: {  	[smem:$0x3FA9] =	sst s1  }
0xa: {  	[smem:$0x3FAA] =	sst s2  }
0xb: {  	[smem:$0x3FAB] =	sst s3  }
0xc: {  	[smem:$0x3FAC] =	sst s4  }
0xd: {  	[smem:$0x3FAD] =	sst s5  }
0xe: {  	[smem:$0x3FAE] =	sst s6  }
0xf: {  	[smem:$0x3FAF] =	sst s7  }
0x10: {  	[smem:$0x3FB0] =	sst s8  }
0x11: {  	[smem:$0x3FB1] =	sst s9;
	s0 =	simm.s32 @!p0 $0x0  }
0x12: {  	s1 =	sld [smem:$0x3F97];
	s0 =	simm.s32 @p0 $0x1  }
0x13: {  	[smem:$0x3FB2] =	sst s0;
	s0 =	simm.s32 @!p1 $0x0  }
0x14: {  	s2 =	sld [smem:$0x3F96];
	s0 =	simm.s32 @p1 $0x1  }
0x15: {  	[smem:$0x3FB3] =	sst s0;
	s0 =	simm.s32 @!p2 $0x0  }
0x16: {  	s3 =	sld [smem:$0x3FDB];
	s0 =	simm.s32 @p2 $0x1  }
0x17: {  	s4 =	simm.s32 $0x1BF5;
	[smem:$0x3FB5] =	sst s0  }
0x18: {  	s0 =	sld [smem:$0x3F98];
	_ =	swait.ge [sflag:s4], $0x0  }
0x19: {  	s7 =	sld [smem:$0x3F99]  }
0x1a: {  	s8 =	sadd.s32 $0xFFFFE003, lr  }
0x1b: {  	s9 =	sadd.s32 $0xFFFFFEF7, lr;
	s5 =	simm.s32 $0xFFFFFFFF;
	p2 =	slt.u32 s8, $0xFFFFF086  }
0x1c: {  	p1 =	slt.u32 s9, $0xF7A;
	s5 =	simm.s32 @!p2 $0x0  }
0x1d: {  	s5 =	simm.s32 @p1 $0x1;
	p0 =	seq.s32 s7, s2  }
0x1e: {  	s7 =	smul.u32 @!p0 $0xF7A, s2;
	p2 =	seq.s32 @!p0 s5, $0x0  }
0x1f: {  	s9 =	smul.u32 $0xF7A, s1;
	s8 =	simm.s32 @!p0 $0x1BF5;
	p2 =	por !p2, p0  }
0x20: {  	[sflag:s8] =	ssyncset.s32 @!p0 $0xFFFFF086;
	s6 =	sadd.s32 @!p0 s3, s7;
	s7 =	simm.s32 @!p0 $0x108  }
0x21: {  	s3 =	sadd.s32 s3, s9;
	s6 =	sadd.s32 @!p0 $0x88, s6;
	s7 =	simm.s32 @p2 $0x1082  }
0x22: {  	[simem:s7], [sflag:s8] =	dma.local @!p0 [hbm:s6], $0xF7A  }
0x23: {  	s9 =	sor.u32 $0xD0000000, s2;
	s6 =	simm.s32 $0x108;
	_ =	swait.ge @!p0 [sflag:s8], $0x0  }
0x24: {  	s3 =	sadd.s32 $0x88, s3;
	s6 =	simm.s32 @!p1 $0x1082;
	[sflag:s4] =	ssyncset.s32 $0xFFFFF086  }
0x25: {  	[simem:s6], [sflag:s4] =	dma.local [hbm:s3], $0xF7A  }
0x26: {  	[smem:$0x3F99] =	sst s1;
	(tag) =	ssettag s2;
	_ =	strace s9  }
0x27: {  	s1 =	sld [smem:$0x3FA9]  }
0x28: {  	s2 =	sld [smem:$0x3FAA]  }
0x29: {  	s4 =	sld [smem:$0x3FAC]  }
0x2a: {  	p0 =	seq.s32 s5, $0x0;
	s5 =	sld [smem:$0x3FAD]  }
0x2b: {  	s6 =	sld [smem:$0x3FAE]  }
0x2c: {  	s7 =	sld [smem:$0x3FAF]  }
0x2d: {  	s3 =	simm.s32 $0x108;
	s8 =	sld [smem:$0x3FB0]  }
0x2e: {  	s3 =	simm.s32 @!p0 $0x1082;
	s9 =	sld [smem:$0x3FB1]  }
0x2f: {  	lr =	sadd.s32 s0, s3;
	s0 =	sld [smem:$0x3FA8]  }
0x30: {  	s3 =	sld [smem:$0x3FAB]  }
0x31: {  	[smem:$0x3FB4] =	sst s10  }
0x32: {  	s10 =	sld [smem:$0x3FB2];
	_ =	sdelay $0x3  }
0x33: {  	p0 =	seq.s32 s10, $0x1;
	s10 =	sld [smem:$0x3FB4];
	_ =	sdelay $0x3  }
0x34: {  	[smem:$0x3FB4] =	sst s10  }
0x35: {  	s10 =	sld [smem:$0x3FB3];
	_ =	sdelay $0x3  }
0x36: {  	p1 =	seq.s32 s10, $0x1;
	s10 =	sld [smem:$0x3FB4];
	_ =	sdelay $0x3  }
0x37: {  	[smem:$0x3FB4] =	sst s10  }
0x38: {  	s10 =	sld [smem:$0x3FB5]  }
0x39: {  	_ = 	snop;
	(pc) =	sbr.ind lr, $3  }
0x3a: {  	_ = 	snop  }
0x3b: {  	_ = 	snop  }
0x3c: {  	p2 =	seq.s32 s10, $0x1;
	s10 =	sld [smem:$0x3FB4]  }
0x3d: {  	_ =	shalt  }
0x3e: {  	_ =	shalt  }
0x3f: {  	_ =	shalt  }
0x40: {  	_ =	shalt  }
0x41: {  	_ =	shalt  }
0x42: {  	_ =	shalt  }
0x43: {  	_ =	shalt  }
0x44: {  	_ =	shalt  }
0x45: {  	_ =	shalt  }
0x46: {  	_ =	shalt  }
0x47: {  	_ =	shalt  }
0x48: {  	_ =	shalt  }
0x49: {  	_ =	shalt  }
0x4a: {  	_ =	shalt  }
0x4b: {  	_ =	shalt  }
0x4c: {  	_ =	shalt  }
0x4d: {  	_ =	shalt  }
0x4e: {  	_ =	shalt  }
0x4f: {  	_ =	shalt  }
0x50: {  	_ =	shalt  }
0x51: {  	_ =	shalt  }
0x52: {  	_ =	shalt  }
0x53: {  	_ =	shalt  }
0x54: {  	_ =	shalt  }
0x55: {  	_ =	shalt  }
0x56: {  	_ =	shalt  }
0x57: {  	_ =	shalt  }
0x58: {  	_ =	shalt  }
0x59: {  	_ =	shalt  }
0x5a: {  	_ =	shalt  }
0x5b: {  	_ =	shalt  }
0x5c: {  	_ =	shalt  }
0x5d: {  	_ =	shalt  }
0x5e: {  	_ =	shalt  }
0x5f: {  	_ =	shalt  }
0x60: {  	_ =	shalt  }
0x61: {  	_ =	shalt  }
0x62: {  	_ =	shalt  }
0x63: {  	_ =	shalt  }
0x64: {  	_ =	shalt  }
0x65: {  	_ =	shalt  }
0x66: {  	_ =	shalt  }
0x67: {  	_ =	shalt  }
0x68: {  	_ =	shalt  }
0x69: {  	_ =	shalt  }
0x6a: {  	_ =	shalt  }
0x6b: {  	_ =	shalt  }
0x6c: {  	_ =	shalt  }
0x6d: {  	_ =	shalt  }
0x6e: {  	_ =	shalt  }
0x6f: {  	_ =	shalt  }
0x70: {  	_ =	shalt  }
0x71: {  	_ =	shalt  }
0x72: {  	_ =	shalt  }
0x73: {  	_ =	shalt  }
0x74: {  	_ =	shalt  }
0x75: {  	_ =	shalt  }
0x76: {  	_ =	shalt  }
0x77: {  	_ =	shalt  }
0x78: {  	_ =	shalt  }
0x79: {  	_ =	shalt  }
0x7a: {  	_ =	shalt  }
0x7b: {  	_ =	shalt  }
0x7c: {  	_ =	shalt  }
0x7d: {  	_ =	shalt  }
0x7e: {  	_ =	shalt  }
0x7f: {  	_ =	shalt  }
0x80: {  	_ =	shalt  }
0x81: {  	_ =	shalt  }
0x82: {  	_ =	shalt  }
0x83: {  	_ =	shalt  }
0x84: {  	_ =	shalt  }
0x85: {  	_ =	shalt  }
0x86: {  	_ =	shalt  }
0x87: {  	_ =	shalt  }
.Lfunc_end0:
.L_simem_size_0:
called_computation.1_lowered:
.L_overlay_start_0:
0x88: {  	s2 =	sld [smem:$0x3FD9]  }
0x89: {  	s3 =	sld [smem:$0x3FFE];
	_ =	sdelay $0x1  }
0x8a: {  	s1 =	srdreg.scid  }
0x8b: {  	s0 =	sand.u32 $0x1, s1  }
0x8c: {  	s16 =	sshll.u32 s0, $0xA;
	s2 =	sadd.s32 s3, s2  }
0x8d: {  	s2 =	sadd.s32 s2, s16  }
0x8e: {  	[smem:$0x3FC0] =	sst s2  }
0x8f: {  	_ = 	snop  }
0x90: {  	(tm) =	ssettm $0x1  }
0x91: {  	s17 =	sld [smem:$0x3FFB];
	_ =	sdelay $0x3  }
0x92: {  	_ =	strace s17  }
0x93: {  	s2 =	sld [smem:$0x3FFC];
	_ =	sdelay $0x3  }
0x94: {  	_ =	strace s2  }
0x95: {  	s2 =	sld [smem:$0x3FFD];
	_ =	sdelay $0x3  }
0x96: {  	_ =	strace s2  }
0x97: {  	_ =	strace $0x8FFFFFFF  }
0x98: {  	s18 =	sld [smem:$0x3FDB];
	_ =	sdelay $0x1  }
0x99: {  	s19 =	simm.s32 $_scs_section_size  }
0x9a: {  	s4 =	simm.s32 $_size__tile_overlayer_lowered;
	s5 =	simm.s32 $_tile_overlayer_lowered  }
0x9b: {  	s22 =	simm.s32 $0x1BFF;
	s21 =	sshll.u32 s5, $0x1;
	s2 =	sadd.s32 s19, s18  }
0x9c: {  	s6 =	simm.s32 $0x0;
	s20 =	sshll.u32 s4, $0x1;
	s4 =	sadd.s32 s21, s2  }
0x9d: {  	[timem:s6], [sflag:s22] =	dma.local [hbm:s4], s20  }
0x9e: {  	_ =	swait.ge [sflag:s22], s20  }
0x9f: {  	s3 =	ssub.s32 $0x0, s20;
	[sflag:s22] =	ssyncset.done $0x0  }
0xa0: {  	[sflag:s22] =	ssyncadd.s32 s3;
	_ =	sdelay $0x1  }
0xa1: {  	s23 =	simm.s32 $0x1B8B  }
0xa2: {  	_ =	swait.ge [sflag:s23], $0x1  }
0xa3: {  	[sflag:s23] =	ssyncset.done $0x0  }
0xa4: {  	s25 =	simm.s32 $0x1B8E;
	s24 =	sld [smem:$0x3FFE];
	[sflag:s23] =	ssyncadd.s32 $0xFFFFFFFF  }
0xa5: {  	s26 =	simm.s32 $execute0_lowered;
	[smem:$0x3FD2] =	sst s25  }
0xa6: {  	s4 =	sshll.u32 s26, $0x1;
	_ =	strace $0x80000049;
	[dreg:$0x1] =	wrdreg $0xFFFFFFFF  }
0xa7: {  	s28 =	simm.s32 $_size_execute0_lowered;
	s2 =	sadd.s32 s2, s4;
	[dreg:$0x0] =	wrdreg $0x0  }
0xa8: {  	s4 =	sshll.u32 s28, $0x1;
	[dreg:$0x2] =	wrdreg s2  }
0xa9: {  	[dreg:$0x3] =	wrdreg s4  }
0xaa: {  	[dreg:$0x4] =	wrdreg $0xC0  }
0xab: {  	_ =	task [dreg:s6], $0x5FFFF  }
0xac: {  	[dreg:$0x1] =	wrdreg $0xFFFFFFFF  }
0xad: {  	[dreg:$0x0] =	wrdreg $0x60  }
0xae: {  	[dreg:$0x2] =	wrdreg s24  }
0xaf: {  	[dreg:$0x3] =	wrdreg $0x120000  }
0xb0: {  	[dreg:$0x4] =	wrdreg $0x9  }
0xb1: {  	_ =	task.clear_ibuf [dreg:s6], $0x5FFFF;
	_ =	strace $0x90000049  }
0xb2: {  	s29 =	simm.s32 $0x9;
	_ =	strace $0x8000004B  }
0xb3: {  	_ =	swait.ge [sflag:s29], $0x1  }
0xb4: {  	[sflag:s29] =	ssyncadd.s32 $0xFFFFFFFF  }
0xb5: {  	_ =	strace $0x9000004B  }
0xb6: {  	_ =	sfence  }
0xb7: {  	s30 =	sld [smem:$0x0];
	_ =	sdelay $0x2  }
0xb8: {  	s31 =	sshll.u32 s1, $0xD;
	s1 =	sshrl.u32 s1, $0x2  }
0xb9: {  	s3 =	sand.u32 $0x4000, s31;
	s1 =	sadd.s32 s1, s30  }
0xba: {  	s0 =	sor.u32 s3, s0;
	s1 =	sshll.u32 s1, $0x11  }
0xbb: {  	s0 =	sor.u32 s1, s0  }
0xbc: {  	s0 =	sadd.s32 $0x8F2B, s0  }
0xbd: {  	[sflag:s0] =	ssyncadd.remote.s32 $0x1  }
0xbe: {  	_ =	sfence.sel $0xFFFF  }
0xbf: {  	[dreg:$0x0] =	wrdreg $0xFFFFFFFF;
	(pc) =	sbr.abs _section_cstart, $3  }
0xc0: {  	[dreg:$0x1] =	wrdreg $0xFFFFFFFF  }
0xc1: {  	_ =	task.clear_ibuf [dreg:s6], $0x2FFFF;
	_ =	strace $0x9FFFFFFF  }
0xc2: {  	(tm) =	ssettm $0x7FFFFFFF  }
0xc3: {  	_ =	shalt  }
tec
execute0_lowered:
.L_overlay_start_1:
0x0: {  	(tag) =	ssettag $0x1  }
0x1: {  	s0 =	rddreg [dreg:$0x0]  }
0x2: {  	s2 =	rddreg [dreg:$0x1];
	s3 =	simm.s32 $0x0  }
0x3: {  	s8 =	stileid.u32;
	s4 =	srdreg.scid;
	s17 =	simm.s32 $0x80  }
0x4: {  	s18 =	simm.s32 $0xC000;
	s19 =	simm.s32 $0x100;
	s20 =	simm.s32 $0xE000  }
0x5: {  	s21 =	simm.s32 $0x180;
	s22 =	simm.s32 $0x10000;
	s23 =	simm.s32 $0x1  }
0x6: {  	s24 =	simm.s32 $0x2;
	s25 =	simm.s32 $0x3;
	s28 =	simm.s32 $0x9E00  }
0x7: {  	s29 =	simm.s32 $0x9E80;
	s30 =	simm.s32 $0x9F00;
	s31 =	simm.s32 $0x9F80  }
0x8: {  	[smem:$0x7FF] =	sst s3;
	s1 =	smul.u32 $0xA00, s8;
	s11 =	sadd.s32 $0x17600, s0  }
0x9: {  	s12 =	sadd.s32 $0xD600, s0;
	s13 =	sand.u32 $0x1, s4;
	s5 =	smul.u32 $0x28000, s8  }
0xa: {  	s4 =	sadd.s32 $0x21600, s0;
	s14 =	sadd.s32 $0x5C800, s0;
	s15 =	smul.u32 $0xA000, s8  }
0xb: {  	_ =	strace $0x8000004A;
	s6 =	ssub.s32 $0x2, s13;
	p0 =	seq.s32 s13, $0x0  }
0xc: {  	s10 =	sadd.s32 s1, s0;
	s7 =	sshrl.u32 s6, $0x1;
	s5 =	sshrl.u32 s5, $0x2  }
0xd: {  	s0 =	sadd.s32 $0x48800, s0;
	s26 =	sshrl.u32 s15, $0x3;
	s12 =	smov.u32 @p0 s11  }
0xe: {  	s16 =	ssub.s32 s6, s7;
	s9 =	sadd.s32 s5, s2;
	s5 =	sadd.s32 s15, s2  }
0xf: {  	s10 =	sadd.s32 $0x3600, s10;
	s12 =	sadd.s32 s12, s1;
	s0 =	smov.u32 @p0 s14  }
0x10: {  	s14 =	simm.s32 $0xA000;
	s15 =	simm.s32 $0x5;
	s6 =	sadd.s32 $0x2000, s9  }
0x11: {  	s7 =	sadd.s32 $0x4000, s9;
	s8 =	sadd.s32 $0x6000, s9;
	s9 =	sadd.s32 $0x8000, s9  }
0x12: {  	v0 =	vimm.f32 $0.0e+00;
	s11 =	smax.u32 s16, $0x1;
	s13 =	sadd.s32 s0, s26;
	s26 =	simm.s32 $0x4  }
.LBB2_1:
0x13: {  	s1 =	simm.s32 $0x100;
	s0 =	simm.s32 $0x0  }
.LBB2_2:
0x14: {  	p0 =	sne.s32 s1, $0x7F00;
	[tilespmem:s0+$0xA030] =	vst v0;
	s16 =	smov.u32 s1;
	s1 =	sadd.s32 $0x100, s1  }
.Ltmp0:
0x15: {  	[tilespmem:s0+$0xA020] =	vst v0;
	(pc) =	sbr.rel @p0 .LBB2_2-.Ltmp0, $3  }
0x16: {  	[tilespmem:s0+$0xA000] =	vst v0  }
0x17: {  	[tilespmem:s0+$0xA010] =	vst v0;
	_ =	sdelay $0x1  }
0x18: {  	s0 =	sshra.s32 s16, $0x2  }
0x19: {  	[tilespmem:s0+$0xA030] =	vst v0  }
0x1a: {  	[tilespmem:s0+$0xA020] =	vst v0  }
0x1b: {  	[tilespmem:s0+$0xA000] =	vst v0  }
0x1c: {  	[tilespmem:s0+$0xA010] =	vst v0  }
0x1d: {  	[spmem:s5] =	stream.linear.scatter [tilespmem:s14], [sflag:$0x5], $0x2000, $0x38;
	[tilespmem:$0x1C000] =	vst v63  }
0x1e: {  	_ =	swait.ge [sflag:s15], $0x2000  }
0x1f: {  	[sflag:s15] =	ssyncset.done $0x0  }
0x20: {  	[sflag:s15] =	ssyncadd.s32 $0xFFFFE000  }
0x21: {  	[spmem:s6] =	stream.linear.scatter [tilespmem:s14], [sflag:$0x5], $0x2000, $0x38;
	[tilespmem:$0x1C000] =	vst v63  }
0x22: {  	_ =	swait.ge [sflag:s15], $0x2000  }
0x23: {  	[sflag:s15] =	ssyncset.done $0x0  }
0x24: {  	[sflag:s15] =	ssyncadd.s32 $0xFFFFE000  }
0x25: {  	[spmem:s7] =	stream.linear.scatter [tilespmem:s14], [sflag:$0x5], $0x2000, $0x38;
	[tilespmem:$0x1C000] =	vst v63  }
0x26: {  	_ =	swait.ge [sflag:s15], $0x2000  }
0x27: {  	[sflag:s15] =	ssyncset.done $0x0  }
0x28: {  	[sflag:s15] =	ssyncadd.s32 $0xFFFFE000  }
0x29: {  	[spmem:s8] =	stream.linear.scatter [tilespmem:s14], [sflag:$0x5], $0x2000, $0x38;
	[tilespmem:$0x1C000] =	vst v63  }
0x2a: {  	_ =	swait.ge [sflag:s15], $0x2000  }
0x2b: {  	[sflag:s15] =	ssyncset.done $0x0  }
0x2c: {  	[sflag:s15] =	ssyncadd.s32 $0xFFFFE000  }
0x2d: {  	[spmem:s9] =	stream.linear.scatter [tilespmem:s14], [sflag:$0x5], $0x2000, $0x38;
	[tilespmem:$0x1C000] =	vst v63  }
0x2e: {  	_ =	swait.ge [sflag:s15], $0x2000  }
0x2f: {  	[sflag:s15] =	ssyncset.done $0x0  }
0x30: {  	s16 =	simm.s32 $0x0;
	[sflag:s15] =	ssyncadd.s32 $0xFFFFE000  }
0x31: {  	[tilespmem:s16], [sflag:$0x5] =	stream.linear.gather [hbm4b:s12+s16], $0x5000, $0x38;
	[tilespmem:$0x1C000] =	vst v63  }
0x32: {  	_ =	swait.ge [sflag:s15], $0x5000  }
0x33: {  	[sflag:s15] =	ssyncset.done $0x0  }
0x34: {  	s1 =	simm.s32 $0x5000;
	[sflag:s15] =	ssyncadd.s32 $0xFFFFB000  }
0x35: {  	[tilespmem:s1], [sflag:$0x5] =	stream.linear.gather [hbm4b:s10+s16], $0x5000, $0x38;
	[tilespmem:$0x1C000] =	vst v63  }
0x36: {  	_ =	swait.ge [sflag:s15], $0x5000  }
0x37: {  	[sflag:s15] =	ssyncset.done $0x0  }
0x38: {  	[sflag:s15] =	ssyncadd.s32 $0xFFFFB000  }
0x39: {  	[bflag:$0x0] =	sbarrier.arrive $0xFFFF  }
0x3a: {  	[tilespmem:s14], [sflag:$0x1] =	stream.indirect.gather [hbm4b:s4+s17], $0x40, s16, s17, $0xb8;
	[tilespmem:$0x1C000] =	vst v63  }
0x3b: {  	_ = 	snop  }
0x3c: {  	[tilespmem:s18], [sflag:$0x2] =	stream.indirect.gather [hbm4b:s4+s17], $0x40, s17, s17, $0xb8;
	[tilespmem:$0x1C000] =	vst v63  }
0x3d: {  	_ = 	snop  }
0x3e: {  	[tilespmem:s20], [sflag:$0x3] =	stream.indirect.gather [hbm4b:s4+s17], $0x40, s19, s17, $0xb8;
	[tilespmem:$0x1C000] =	vst v63  }
0x3f: {  	_ = 	snop  }
0x40: {  	[tilespmem:s22], [sflag:$0x4] =	stream.indirect.gather [hbm4b:s4+s17], $0x40, s21, s17, $0xb8;
	[tilespmem:$0x1C000] =	vst v63  }
0x41: {  	_ =	swait.ge [sflag:s23], $0x2000  }
0x42: {  	[sflag:s23] =	ssyncset.done $0x0  }
0x43: {  	s16 =	simm.s32 $0x5000;
	[sflag:s23] =	ssyncadd.s32 $0xFFFFE000  }
0x44: {  	[spmem:s2] =	stream.indirect.scatter.add.f32 [tilespmem:s14], [sflag:$0x5], $0x40, s16, s17, $0xb8;
	[tilespmem:$0x1C000] =	vst v63  }
0x45: {  	_ =	swait.ge [sflag:s15], $0x2000  }
0x46: {  	[sflag:s15] =	ssyncset.done $0x0  }
0x47: {  	s1 =	simm.s32 $0x200;
	[sflag:s15] =	ssyncadd.s32 $0xFFFFE000  }
0x48: {  	[tilespmem:s14], [sflag:$0x1] =	stream.indirect.gather [hbm4b:s4+s17], $0x40, s1, s17, $0xb8;
	[tilespmem:$0x1C000] =	vst v63  }
0x49: {  	_ =	swait.ge [sflag:s24], $0x2000  }
0x4a: {  	[sflag:s24] =	ssyncset.done $0x0  }
0x4b: {  	s16 =	simm.s32 $0x5080;
	[sflag:s24] =	ssyncadd.s32 $0xFFFFE000  }
0x4c: {  	[spmem:s2] =	stream.indirect.scatter.add.f32 [tilespmem:s18], [sflag:$0x5], $0x40, s16, s17, $0xb8;
	[tilespmem:$0x1C000] =	vst v63  }
0x4d: {  	_ =	swait.ge [sflag:s15], $0x2000  }
0x4e: {  	[sflag:s15] =	ssyncset.done $0x0  }
0x4f: {  	s1 =	simm.s32 $0x280;
	[sflag:s15] =	ssyncadd.s32 $0xFFFFE000  }
0x50: {  	[tilespmem:s18], [sflag:$0x2] =	stream.indirect.gather [hbm4b:s4+s17], $0x40, s1, s17, $0xb8;
	[tilespmem:$0x1C000] =	vst v63  }
0x51: {  	_ =	swait.ge [sflag:s25], $0x2000  }
0x52: {  	[sflag:s25] =	ssyncset.done $0x0  }
0x53: {  	s16 =	simm.s32 $0x5100;
	[sflag:s25] =	ssyncadd.s32 $0xFFFFE000  }
0x54: {  	[spmem:s2] =	stream.indirect.scatter.add.f32 [tilespmem:s20], [sflag:$0x5], $0x40, s16, s17, $0xb8;
	[tilespmem:$0x1C000] =	vst v63  }
0x55: {  	_ =	swait.ge [sflag:s15], $0x2000  }
0x56: {  	[sflag:s15] =	ssyncset.done $0x0  }
0x57: {  	s1 =	simm.s32 $0x300;
	[sflag:s15] =	ssyncadd.s32 $0xFFFFE000  }
0x58: {  	[tilespmem:s20], [sflag:$0x3] =	stream.indirect.gather [hbm4b:s4+s17], $0x40, s1, s17, $0xb8;
	[tilespmem:$0x1C000] =	vst v63  }
0x59: {  	_ =	swait.ge [sflag:s26], $0x2000  }
0x5a: {  	[sflag:s26] =	ssyncset.done $0x0  }
0x5b: {  	s16 =	simm.s32 $0x5180;
	[sflag:s26] =	ssyncadd.s32 $0xFFFFE000  }
0x5c: {  	[spmem:s2] =	stream.indirect.scatter.add.f32 [tilespmem:s22], [sflag:$0x5], $0x40, s16, s17, $0xb8;
	[tilespmem:$0x1C000] =	vst v63  }
0x5d: {  	_ =	swait.ge [sflag:s15], $0x2000  }
0x5e: {  	[sflag:s15] =	ssyncset.done $0x0  }
0x5f: {  	s0 =	simm.s32 $0x800;
	s1 =	simm.s32 $0x380;
	[sflag:s15] =	ssyncadd.s32 $0xFFFFE000  }
.LBB2_4:
0x60: {  	[tilespmem:s22], [sflag:$0x4] =	stream.indirect.gather [hbm4b:s4+s17], $0x40, s1, s17, $0xb8;
	[tilespmem:$0x1C000] =	vst v63  }
0x61: {  	s1 =	smov.u32 s0  }
0x62: {  	p0 =	sne.s32 s0, $0x13000;
	s0 =	sadd.s32 $0x800, s0;
	_ =	swait.ge [sflag:s23], $0x2000  }
0x63: {  	s1 =	sshra.s32 s1, $0x2;
	[sflag:s23] =	ssyncset.done $0x0  }
0x64: {  	s16 =	sadd.s32 $0x5000, s1;
	[sflag:s23] =	ssyncadd.s32 $0xFFFFE000  }
0x65: {  	[spmem:s2] =	stream.indirect.scatter.add.f32 [tilespmem:s14], [sflag:$0x5], $0x40, s16, s17, $0xb8;
	[tilespmem:$0x1C000] =	vst v63  }
0x66: {  	_ =	swait.ge [sflag:s15], $0x2000  }
0x67: {  	[sflag:s15] =	ssyncset.done $0x0  }
0x68: {  	s16 =	sadd.s32 $0x200, s1;
	[sflag:s15] =	ssyncadd.s32 $0xFFFFE000  }
0x69: {  	[tilespmem:s14], [sflag:$0x1] =	stream.indirect.gather [hbm4b:s4+s17], $0x40, s16, s17, $0xb8;
	[tilespmem:$0x1C000] =	vst v63  }
0x6a: {  	_ =	swait.ge [sflag:s24], $0x2000  }
0x6b: {  	[sflag:s24] =	ssyncset.done $0x0  }
0x6c: {  	s16 =	sadd.s32 $0x5080, s1;
	[sflag:s24] =	ssyncadd.s32 $0xFFFFE000  }
0x6d: {  	[spmem:s2] =	stream.indirect.scatter.add.f32 [tilespmem:s18], [sflag:$0x5], $0x40, s16, s17, $0xb8;
	[tilespmem:$0x1C000] =	vst v63  }
0x6e: {  	_ =	swait.ge [sflag:s15], $0x2000  }
0x6f: {  	[sflag:s15] =	ssyncset.done $0x0  }
0x70: {  	s16 =	sadd.s32 $0x280, s1;
	[sflag:s15] =	ssyncadd.s32 $0xFFFFE000  }
0x71: {  	[tilespmem:s18], [sflag:$0x2] =	stream.indirect.gather [hbm4b:s4+s17], $0x40, s16, s17, $0xb8;
	[tilespmem:$0x1C000] =	vst v63  }
0x72: {  	_ =	swait.ge [sflag:s25], $0x2000  }
0x73: {  	[sflag:s25] =	ssyncset.done $0x0  }
0x74: {  	s16 =	sadd.s32 $0x5100, s1;
	[sflag:s25] =	ssyncadd.s32 $0xFFFFE000  }
0x75: {  	[spmem:s2] =	stream.indirect.scatter.add.f32 [tilespmem:s20], [sflag:$0x5], $0x40, s16, s17, $0xb8;
	[tilespmem:$0x1C000] =	vst v63  }
0x76: {  	_ =	swait.ge [sflag:s15], $0x2000  }
0x77: {  	[sflag:s15] =	ssyncset.done $0x0  }
0x78: {  	s16 =	sadd.s32 $0x300, s1;
	[sflag:s15] =	ssyncadd.s32 $0xFFFFE000  }
0x79: {  	[tilespmem:s20], [sflag:$0x3] =	stream.indirect.gather [hbm4b:s4+s17], $0x40, s16, s17, $0xb8;
	[tilespmem:$0x1C000] =	vst v63  }
0x7a: {  	_ =	swait.ge [sflag:s26], $0x2000  }
0x7b: {  	[sflag:s26] =	ssyncset.done $0x0  }
.Ltmp1:
0x7c: {  	s16 =	sadd.s32 $0x5180, s1;
	[sflag:s26] =	ssyncadd.s32 $0xFFFFE000;
	(pc) =	sbr.rel @p0 .LBB2_4-.Ltmp1, $4  }
0x7d: {  	[spmem:s2] =	stream.indirect.scatter.add.f32 [tilespmem:s22], [sflag:$0x5], $0x40, s16, s17, $0xb8;
	[tilespmem:$0x1C000] =	vst v63  }
0x7e: {  	_ =	swait.ge [sflag:s15], $0x2000  }
0x7f: {  	[sflag:s15] =	ssyncset.done $0x0  }
0x80: {  	s1 =	sadd.s32 $0x380, s1;
	[sflag:s15] =	ssyncadd.s32 $0xFFFFE000  }
0x81: {  	[tilespmem:s22], [sflag:$0x4] =	stream.indirect.gather [hbm4b:s4+s17], $0x40, s1, s17, $0xb8;
	[tilespmem:$0x1C000] =	vst v63  }
0x82: {  	_ =	swait.ge [sflag:s23], $0x2000  }
0x83: {  	[sflag:s23] =	ssyncset.done $0x0  }
0x84: {  	[sflag:s23] =	ssyncadd.s32 $0xFFFFE000  }
0x85: {  	[spmem:s2] =	stream.indirect.scatter.add.f32 [tilespmem:s14], [sflag:$0x5], $0x40, s28, s17, $0xb8;
	[tilespmem:$0x1C000] =	vst v63  }
0x86: {  	_ =	swait.ge [sflag:s15], $0x2000  }
0x87: {  	[sflag:s15] =	ssyncset.done $0x0  }
0x88: {  	[sflag:s15] =	ssyncadd.s32 $0xFFFFE000  }
0x89: {  	_ =	swait.ge [sflag:s24], $0x2000  }
0x8a: {  	[sflag:s24] =	ssyncset.done $0x0  }
0x8b: {  	[sflag:s24] =	ssyncadd.s32 $0xFFFFE000  }
0x8c: {  	[spmem:s2] =	stream.indirect.scatter.add.f32 [tilespmem:s18], [sflag:$0x5], $0x40, s29, s17, $0xb8;
	[tilespmem:$0x1C000] =	vst v63  }
0x8d: {  	_ =	swait.ge [sflag:s15], $0x2000  }
0x8e: {  	[sflag:s15] =	ssyncset.done $0x0  }
0x8f: {  	[sflag:s15] =	ssyncadd.s32 $0xFFFFE000  }
0x90: {  	_ =	swait.ge [sflag:s25], $0x2000  }
0x91: {  	[sflag:s25] =	ssyncset.done $0x0  }
0x92: {  	[sflag:s25] =	ssyncadd.s32 $0xFFFFE000  }
0x93: {  	[spmem:s2] =	stream.indirect.scatter.add.f32 [tilespmem:s20], [sflag:$0x5], $0x40, s30, s17, $0xb8;
	[tilespmem:$0x1C000] =	vst v63  }
0x94: {  	_ =	swait.ge [sflag:s15], $0x2000  }
0x95: {  	[sflag:s15] =	ssyncset.done $0x0  }
0x96: {  	[sflag:s15] =	ssyncadd.s32 $0xFFFFE000  }
0x97: {  	_ =	swait.ge [sflag:s26], $0x2000  }
0x98: {  	[sflag:s26] =	ssyncset.done $0x0  }
0x99: {  	[sflag:s26] =	ssyncadd.s32 $0xFFFFE000  }
0x9a: {  	[spmem:s2] =	stream.indirect.scatter.add.f32 [tilespmem:s22], [sflag:$0x5], $0x40, s31, s17, $0xb8;
	[tilespmem:$0x1C000] =	vst v63  }
0x9b: {  	s0 =	stileid.u32;
	_ =	swait.ge [sflag:s15], $0x2000  }
0x9c: {  	s16 =	sshrl.u32 s5, $0x3;
	s3 =	sadd.s32 $0x1, s3;
	[sflag:s15] =	ssyncset.done $0x0  }
0x9d: {  	s0 =	sshll.u32 s0, $0x6;
	p0 =	sne.s32 s3, s11;
	[sflag:s15] =	ssyncadd.s32 $0xFFFFE000  }
.Ltmp2:
0x9e: {  	s0 =	sor.u32 $0x1C05, s0;
	[bflag:$0x0] =	sbarrier.arrive $0xFFFF;
	(pc) =	sbr.rel @p0 .LBB2_1-.Ltmp2, $4  }
0x9f: {  	[hbm:s13], [sflag:s0] =	dma.local [spmem:s16], $0x1400  }
0xa0: {  	_ =	swait.ge [sflag:s15], $0x1400  }
0xa1: {  	[sflag:s15] =	ssyncset.done $0x0  }
0xa2: {  	[sflag:s15] =	ssyncadd.s32 $0xFFFFEC00  }
0xa3: {  	_ =	sfence.sel $0x180000  }
0xa4: {  	[bflag:$0x0] =	sbarrier.arrive $0xFFFF  }
0xa5: {  	_ =	strace $0x9000004A  }
0xa6: {  	s0 =	stileid.u32;
	[bflag:$0x2] =	sbarrier.arrive $0xFFFF  }
0xa7: {  	p0 =	sne.s32 s0, $0x0;
	s0 =	rddreg [dreg:$0x2]  }
0xa8: {  	s0 =	sadd.s32 @!p0 $0x100000, s0  }
0xa9: {  	[sflag:s0] =	ssyncadd.tile.s32 @!p0 $0x1;
	_ =	shalt  }
.Lfunc_end2:
_tile_overlayer_lowered:
.L_overlay_start_2:
0xaa: {  	(tag) =	ssettag $0x2  }
0xab: {  	s0 =	rddreg [dreg:$0x0];
	s2 =	stileid.u32  }
0xac: {  	s1 =	rddreg [dreg:$0x1];
	p0 =	sne.s32 s2, $0x0  }
0xad: {  	s3 =	rddreg [dreg:$0x2];
	[bflag:$0x3] =	sbarrier.arrive $0xFFFF;
	s2 =	simm.s32 @!p0 $0x1C05  }
0xae: {  	[timem:s3], [sflag:s2] =	dma.local @!p0 [hbm:s0], s1  }
0xaf: {  	s0 =	simm.s32 @!p0 $0x5  }
0xb0: {  	_ =	swait.ge @!p0 [sflag:s0], s1  }
0xb1: {  	s1 =	ssub.s32 @!p0 $0x0, s1;
	[sflag:s0] =	ssyncset.done @!p0 $0x0  }
0xb2: {  	[sflag:s0] =	ssyncadd.s32 @!p0 s1  }
0xb3: {  	[bflag:$0x3] =	sbarrier.arrive $0xFFFF  }
0xb4: {  	_ =	shalt  }

</sc_bundles>
